<compile_context>
chip_gen: v7x
topology: tpu7x:2x2x1
jax: 0.10.2.dev20260603
libtpu: 0.0.44.dev20260713+nightly
codegen_flags: <defaults>
</compile_context>

<pallas_src>
import functools

import jax
import jax.numpy as jnp
from jax import lax
from jax.experimental import pallas as pl
from jax.experimental.pallas import tpu as pltpu
from jax.experimental.pallas import tpu_sc as plsc

D_MODEL = 768
HIDDEN = 1536
N_EXPERTS = 8
N_TOKENS = 2048
BLK = 256
TOTAL_ROWS = 6144
N_BLOCKS = TOTAL_ROWS // BLK
NW = 32
ROWS_PER_W = TOTAL_ROWS // NW
TOK_PER_W = N_TOKENS // NW
CH = 32
L = 16


def _router_plan_body(x_ref, wg_ref, pos_ref, gat_ref, bexp_ref):
    x = x_ref[...]
    logits = jnp.dot(x, wg_ref[...], preferred_element_type=jnp.float32)
    eids = lax.broadcasted_iota(jnp.int32, logits.shape, 1)
    m1 = jnp.max(logits, axis=-1, keepdims=True)
    i1 = jnp.argmax(logits, axis=-1)[:, None]
    masked = jnp.where(eids == i1, -jnp.inf, logits)
    m2 = jnp.max(masked, axis=-1, keepdims=True)
    i2 = jnp.argmax(masked, axis=-1)[:, None]
    t = jnp.exp(m2 - m1)
    g1 = 1.0 / (1.0 + t)
    g2 = 1.0 - g1

    oh0 = (eids == i1).astype(jnp.float32)
    oh1 = (eids == i2).astype(jnp.float32)
    r = lax.broadcasted_iota(jnp.int32, (N_TOKENS, N_TOKENS), 0)
    c = lax.broadcasted_iota(jnp.int32, (N_TOKENS, N_TOKENS), 1)
    tril = (r >= c).astype(jnp.float32)
    oh01 = jnp.concatenate([oh0, oh1], axis=1)
    csum01 = jnp.dot(tril, oh01, preferred_element_type=jnp.float32)
    csum0 = csum01[:, :N_EXPERTS]
    csum1 = csum01[:, N_EXPERTS:]
    count0 = csum0[N_TOKENS - 1:N_TOKENS, :]
    cnt = count0 + csum1[N_TOKENS - 1:N_TOKENS, :]
    pc = jnp.ceil(cnt / BLK) * BLK
    re = lax.broadcasted_iota(jnp.int32, (N_EXPERTS, N_EXPERTS), 0)
    ce = lax.broadcasted_iota(jnp.int32, (N_EXPERTS, N_EXPERTS), 1)
    strict = (re < ce).astype(jnp.float32)
    offs = jnp.dot(pc, strict, preferred_element_type=jnp.float32)

    pos0 = jnp.sum(oh0 * (offs + csum0 - 1.0), axis=1, keepdims=True)
    pos1 = jnp.sum(oh1 * (offs + count0 + csum1 - 1.0), axis=1, keepdims=True)
    lane = eids
    pos_ref[...] = (pos0 * (lane == 0) + pos1 * (lane == 1)).astype(jnp.int32)
    gat_ref[...] = g1 * (lane == 0) + g2 * (lane == 1)
    blk128 = lax.broadcasted_iota(jnp.int32, (1, 64), 1).astype(jnp.float32) * BLK
    bexp = jnp.full((1, 64), -1.0, jnp.float32)
    for e in range(N_EXPERTS):
        off_e = offs[:, e:e + 1]
        in_e = (blk128 >= off_e) & (blk128 < off_e + pc[:, e:e + 1])
        bexp = bexp + (float(e) + 1.0) * in_e
    bexp_ref[...] = bexp.astype(jnp.int32)


def _router_plan(x, Wg):
    return pl.pallas_call(
        _router_plan_body,
        out_shape=(
            jax.ShapeDtypeStruct((N_TOKENS, N_EXPERTS), jnp.int32),
            jax.ShapeDtypeStruct((N_TOKENS, N_EXPERTS), jnp.float32),
            jax.ShapeDtypeStruct((1, 64), jnp.int32),
        ),
    )(x, Wg)


def _dispatch_body(x_hbm, pg_hbm, xs_hbm, pgv, p0v, p1v, rows, sem):
    wid = lax.axis_index("s") * 2 + lax.axis_index("c")
    tb = wid * TOK_PER_W
    pltpu.sync_copy(pg_hbm.at[pl.ds(tb, TOK_PER_W)], pgv)
    pltpu.sync_copy(x_hbm.at[pl.ds(tb, TOK_PER_W)], rows)
    zc = jnp.zeros((L,), jnp.int32)
    for q in range(TOK_PER_W // L):
        ridx = lax.iota(jnp.int32, L) + q * L
        p0v[pl.ds(q * L, L)] = plsc.load_gather(pgv, [ridx, zc])
        p1v[pl.ds(q * L, L)] = plsc.load_gather(pgv, [ridx, zc + 1])
    c0 = pltpu.async_copy(rows, xs_hbm.at[p0v], sem)
    c1 = pltpu.async_copy(rows, xs_hbm.at[p1v], sem)
    c0.wait()
    c1.wait()


@functools.lru_cache(maxsize=None)
def _sc_mesh():
    return plsc.VectorSubcoreMesh(core_axis_name="c", subcore_axis_name="s",
                                  num_cores=2, num_subcores=16)


@functools.lru_cache(maxsize=None)
def _get_dispatch():
    return pl.kernel(
        _dispatch_body,
        out_type=jax.ShapeDtypeStruct((TOTAL_ROWS, D_MODEL), jnp.float32),
        mesh=_sc_mesh(),
        compiler_params=pltpu.CompilerParams(needs_layout_passes=False),
        scratch_types=[
            pltpu.VMEM((TOK_PER_W, N_EXPERTS), jnp.int32),
            pltpu.VMEM((TOK_PER_W,), jnp.int32),
            pltpu.VMEM((TOK_PER_W,), jnp.int32),
            pltpu.VMEM((TOK_PER_W, D_MODEL), jnp.float32),
            pltpu.SemaphoreType.DMA,
        ],
    )


HHF = HIDDEN // 2


def _gemm_body(bexp_ref, xs_ref, w1a_ref, w1b_ref, b1a_ref, b1b_ref,
               w2a_ref, w2b_ref, b2_ref, ys_ref):
    @pl.when(bexp_ref[pl.program_id(0)] >= 0)
    def _():
        xb = xs_ref[...]
        ha = jnp.dot(xb, w1a_ref[0], preferred_element_type=jnp.float32)
        ha = jnp.maximum(ha + b1a_ref[0], 0.0)
        hb = jnp.dot(xb, w1b_ref[0], preferred_element_type=jnp.float32)
        hb = jnp.maximum(hb + b1b_ref[0], 0.0)
        y = jnp.dot(ha, w2a_ref[0], preferred_element_type=jnp.float32)
        y = y + jnp.dot(hb, w2b_ref[0], preferred_element_type=jnp.float32)
        ys_ref[...] = y + b2_ref[0]


def _grouped_gemm(bexp, xs, W1, b1r, W2, b2r):
    def wm(q, trailing):
        if trailing:
            return lambda b, be: (jnp.maximum(be[b], 0), 0, q)
        return lambda b, be: (jnp.maximum(be[b], 0), q, 0)

    grid_spec = pltpu.PrefetchScalarGridSpec(
        num_scalar_prefetch=1,
        grid=(N_BLOCKS,),
        in_specs=[
            pl.BlockSpec((BLK, D_MODEL), lambda b, be: (b, 0)),
            pl.BlockSpec((1, D_MODEL, HHF), wm(0, True)),
            pl.BlockSpec((1, D_MODEL, HHF), wm(1, True)),
            pl.BlockSpec((1, 1, HHF), wm(0, True)),
            pl.BlockSpec((1, 1, HHF), wm(1, True)),
            pl.BlockSpec((1, HHF, D_MODEL), wm(0, False)),
            pl.BlockSpec((1, HHF, D_MODEL), wm(1, False)),
            pl.BlockSpec((1, 1, D_MODEL), wm(0, True)),
        ],
        out_specs=pl.BlockSpec((BLK, D_MODEL), lambda b, be: (b, 0)),
    )
    return pl.pallas_call(
        _gemm_body,
        grid_spec=grid_spec,
        out_shape=jax.ShapeDtypeStruct((TOTAL_ROWS, D_MODEL), jnp.float32),
    )(bexp, xs, W1, W1, b1r, b1r, W2, W2, b2r)


def _combine_body(ys_hbm, pg_hbm, gg_hbm, out_hbm,
                  pgv, ggv, p0v, p1v, g0v, g1v, av, bv, av2, bv2, sem):
    wid = lax.axis_index("s") * 2 + lax.axis_index("c")
    tbase = wid * TOK_PER_W
    pltpu.sync_copy(pg_hbm.at[pl.ds(tbase, TOK_PER_W)], pgv)
    pltpu.sync_copy(gg_hbm.at[pl.ds(tbase, TOK_PER_W)], ggv)
    zc = jnp.zeros((L,), jnp.int32)
    for q in range(TOK_PER_W // L):
        ridx = lax.iota(jnp.int32, L) + q * L
        p0v[pl.ds(q * L, L)] = plsc.load_gather(pgv, [ridx, zc])
        p1v[pl.ds(q * L, L)] = plsc.load_gather(pgv, [ridx, zc + 1])
        g0v[pl.ds(q * L, L)] = plsc.load_gather(ggv, [ridx, zc])
        g1v[pl.ds(q * L, L)] = plsc.load_gather(ggv, [ridx, zc + 1])
    copies = []
    for ci, (a, b) in enumerate(((av, bv), (av2, bv2))):
        copies.append((
            pltpu.async_copy(ys_hbm.at[p0v.at[pl.ds(ci * CH, CH)]], a, sem),
            pltpu.async_copy(ys_hbm.at[p1v.at[pl.ds(ci * CH, CH)]], b, sem),
        ))
    for ci, (a, b) in enumerate(((av, bv), (av2, bv2))):
        copies[ci][0].wait()
        copies[ci][1].wait()

        def body(tt, carry, a=a, b=b, ci=ci):
            tidx = jnp.full((L,), ci * CH + tt, jnp.int32)
            ga = plsc.load_gather(g0v, [tidx])
            gb = plsc.load_gather(g1v, [tidx])
            for k in range(D_MODEL // L):
                a[tt, pl.ds(k * L, L)] = (a[tt, pl.ds(k * L, L)] * ga +
                                          b[tt, pl.ds(k * L, L)] * gb)
            return carry

        lax.fori_loop(0, CH, body, 0)
        pltpu.sync_copy(a, out_hbm.at[pl.ds(tbase + ci * CH, CH)])


@functools.lru_cache(maxsize=None)
def _get_combine():
    return pl.kernel(
        _combine_body,
        out_type=jax.ShapeDtypeStruct((N_TOKENS, D_MODEL), jnp.float32),
        mesh=_sc_mesh(),
        compiler_params=pltpu.CompilerParams(needs_layout_passes=False),
        scratch_types=[
            pltpu.VMEM((TOK_PER_W, N_EXPERTS), jnp.int32),
            pltpu.VMEM((TOK_PER_W, N_EXPERTS), jnp.float32),
            pltpu.VMEM((TOK_PER_W,), jnp.int32),
            pltpu.VMEM((TOK_PER_W,), jnp.int32),
            pltpu.VMEM((TOK_PER_W,), jnp.float32),
            pltpu.VMEM((TOK_PER_W,), jnp.float32),
            pltpu.VMEM((CH, D_MODEL), jnp.float32),
            pltpu.VMEM((CH, D_MODEL), jnp.float32),
            pltpu.VMEM((CH, D_MODEL), jnp.float32),
            pltpu.VMEM((CH, D_MODEL), jnp.float32),
            pltpu.SemaphoreType.DMA,
        ],
    )


def kernel(x, Wg, W1, b1, W2, b2):
    pos2, gat2, bexp64 = _router_plan(x, Wg)
    bexp = bexp64[0, :N_BLOCKS]
    xs = _get_dispatch()(x, pos2)
    ys = _grouped_gemm(bexp, xs, W1, b1[:, None, :], W2, b2[:, None, :])
    return _get_combine()(ys, pos2, gat2)

# --- scband reference (transcript-rebuilt; emitter-appended) ---
"""Pipeline reference for scband-top-kmo-e-77429670413050 (READ-ONLY COPY).

The authoritative reference and input builder live on the scoring server;
editing this copy changes nothing except your own understanding.
"""

import jax, jax.numpy as jnp
import numpy as np

D_MODEL = 768
HIDDEN = 1536
NUM_EXPERTS = 8
TOP_K = 2
N_TOKENS = 2048


def setup_inputs(seed: int = 0) -> dict:
    key = jax.random.key(seed)
    ks = jax.random.split(key, 5)
    x = jax.random.normal(ks[0], (N_TOKENS, D_MODEL), dtype=jnp.float32)
    Wg = jax.random.normal(ks[1], (D_MODEL, NUM_EXPERTS), dtype=jnp.float32) * 0.02
    W1 = jax.random.normal(ks[2], (NUM_EXPERTS, D_MODEL, HIDDEN), dtype=jnp.float32) * 0.02
    b1 = jnp.zeros((NUM_EXPERTS, HIDDEN), dtype=jnp.float32)
    W2 = jax.random.normal(ks[3], (NUM_EXPERTS, HIDDEN, D_MODEL), dtype=jnp.float32) * 0.02
    b2 = jnp.zeros((NUM_EXPERTS, D_MODEL), dtype=jnp.float32)
    return {"x": x, "Wg": Wg, "W1": W1, "b1": b1, "W2": W2, "b2": b2}


def reference(x, Wg, W1, b1, W2, b2):
    # Router: per-token softmax over experts, then top-k selection.
    logits = x @ Wg                                   # [N, E]
    probs = jax.nn.softmax(logits, axis=-1)           # [N, E]
    top_vals, top_idx = jax.lax.top_k(probs, TOP_K)   # [N, k], [N, k]
    # Renormalize the selected gate weights so they sum to 1 per token.
    top_vals = top_vals / jnp.sum(top_vals, axis=-1, keepdims=True)
    n = x.shape[0]
    # Scatter the normalized top-k gates into a dense [N, E] combine matrix.
    gates = jnp.zeros((n, NUM_EXPERTS), dtype=x.dtype)
    gates = gates.at[jnp.arange(n)[:, None], top_idx].set(top_vals)
    # Expert MLPs (2-layer, ReLU) computed densely, then combined by gates.
    h = jnp.einsum('nd,edh->neh', x, W1) + b1[None, :, :]   # [N, E, H]
    h = jnp.maximum(h, 0.0)
    y = jnp.einsum('neh,ehd->ned', h, W2) + b2[None, :, :]  # [N, E, D]
    out = jnp.einsum('ne,ned->nd', gates, y)                 # [N, D]
    return out

if __name__ == "__main__":
    import jax
    _d = setup_inputs()
    print(jax.jit(kernel)(*tuple(_d.values())))

</pallas_src>

<mosaic_0001>
#map = affine_map<(d0, d1) -> (0, 0)>
module attributes {stable_mosaic.version = 14 : i64} {
  func.func @_dispatch_body(%arg0: i32, %arg1: i32, %arg2: memref<2048x768xf32, #tpu.memory_space<hbm>>, %arg3: memref<2048x8xi32, #tpu.memory_space<hbm>>, %arg4: memref<6144x768xf32, #tpu.memory_space<hbm>>, %arg5: memref<64x8xi32, #tpu.memory_space<vmem>>, %arg6: memref<64xi32, #tpu.memory_space<vmem>>, %arg7: memref<64xi32, #tpu.memory_space<vmem>>, %arg8: memref<64x768xf32, #tpu.memory_space<vmem>>, %arg9: memref<!tpu.dma_semaphore, #tpu.memory_space<semaphore_mem>>) attributes {dimension_semantics = [#tpu.dimension_semantics<core_parallel>, #tpu.dimension_semantics<subcore_parallel>], iteration_bounds = array<i64: 2, 16>, scalar_prefetch = 0 : i64, scratch_operands = 5 : i64, tpu.core_type = #tpu.core_type<sc_vector_subcore>, window_params = [{transform_indices = #map}, {transform_indices = #map}, {transform_indices = #map}]} {
    %mul3A = arith.constant 2 : i32
    %mul3A_0 = arith.muli %arg1, %mul3A : i32
    %add3A = arith.addi %mul3A_0, %arg0 : i32
    %mul3A_1 = arith.constant 64 : i32
    %mul3A_2 = arith.muli %add3A, %mul3A_1 : i32
    "tpu.region"() ({
      %run_scoped3A = tpu.sem_alloc : memref<!tpu.dma_semaphore, #tpu.memory_space<semaphore_mem>>
      %dma_start3A_63 = arith.constant 0 : i32
      %dma_start3A_64 = tpu.memref_slice %arg3[%mul3A_2, %dma_start3A_63] : memref<2048x8xi32, #tpu.memory_space<hbm>> -> memref<64x8xi32, #tpu.memory_space<hbm>>
      %dma_start3A_65 = arith.constant 0 : i32
      %dma_start3A_66 = tpu.memref_slice %arg3[%mul3A_2, %dma_start3A_65] : memref<2048x8xi32, #tpu.memory_space<hbm>> -> memref<64x8xi32, #tpu.memory_space<hbm>>
      tpu.enqueue_dma source(%dma_start3A_66 : memref<64x8xi32, #tpu.memory_space<hbm>>) target(%arg5 : memref<64x8xi32, #tpu.memory_space<vmem>>) target_semaphore(%run_scoped3A : memref<!tpu.dma_semaphore, #tpu.memory_space<semaphore_mem>>)
      %dma_wait3A_67 = arith.constant 0 : i32
      %dma_wait3A_68 = tpu.memref_slice %arg3[%mul3A_2, %dma_wait3A_67] : memref<2048x8xi32, #tpu.memory_space<hbm>> -> memref<64x8xi32, #tpu.memory_space<hbm>>
      %dma_wait3A_69 = arith.constant 0 : i32
      %dma_wait3A_70 = tpu.memref_slice %arg3[%mul3A_2, %dma_wait3A_69] : memref<2048x8xi32, #tpu.memory_space<hbm>> -> memref<64x8xi32, #tpu.memory_space<hbm>>
      tpu.wait_dma2 semaphore(%run_scoped3A : memref<!tpu.dma_semaphore, #tpu.memory_space<semaphore_mem>>) src(%dma_wait3A_70 : memref<64x8xi32, #tpu.memory_space<hbm>>) dst(%arg5 : memref<64x8xi32, #tpu.memory_space<vmem>>)
      tpu.yield
    }) : () -> ()
    "tpu.region"() ({
      %run_scoped3A = tpu.sem_alloc : memref<!tpu.dma_semaphore, #tpu.memory_space<semaphore_mem>>
      %dma_start3A_63 = arith.constant 0 : i32
      %dma_start3A_64 = tpu.memref_slice %arg2[%mul3A_2, %dma_start3A_63] : memref<2048x768xf32, #tpu.memory_space<hbm>> -> memref<64x768xf32, #tpu.memory_space<hbm>>
      %dma_start3A_65 = arith.constant 0 : i32
      %dma_start3A_66 = tpu.memref_slice %arg2[%mul3A_2, %dma_start3A_65] : memref<2048x768xf32, #tpu.memory_space<hbm>> -> memref<64x768xf32, #tpu.memory_space<hbm>>
      tpu.enqueue_dma source(%dma_start3A_66 : memref<64x768xf32, #tpu.memory_space<hbm>>) target(%arg8 : memref<64x768xf32, #tpu.memory_space<vmem>>) target_semaphore(%run_scoped3A : memref<!tpu.dma_semaphore, #tpu.memory_space<semaphore_mem>>)
      %dma_wait3A_67 = arith.constant 0 : i32
      %dma_wait3A_68 = tpu.memref_slice %arg2[%mul3A_2, %dma_wait3A_67] : memref<2048x768xf32, #tpu.memory_space<hbm>> -> memref<64x768xf32, #tpu.memory_space<hbm>>
      %dma_wait3A_69 = arith.constant 0 : i32
      %dma_wait3A_70 = tpu.memref_slice %arg2[%mul3A_2, %dma_wait3A_69] : memref<2048x768xf32, #tpu.memory_space<hbm>> -> memref<64x768xf32, #tpu.memory_space<hbm>>
      tpu.wait_dma2 semaphore(%run_scoped3A : memref<!tpu.dma_semaphore, #tpu.memory_space<semaphore_mem>>) src(%dma_wait3A_70 : memref<64x768xf32, #tpu.memory_space<hbm>>) dst(%arg8 : memref<64x768xf32, #tpu.memory_space<vmem>>)
      tpu.yield
    }) : () -> ()
    %broadcast_in_dim3A = arith.constant 0 : i32
    %broadcast_in_dim3A_3 = vector.broadcast %broadcast_in_dim3A : i32 to vector<16xi32>
    %iota3A = tpu.iota {dimensions = array<i32: 0>} : vector<16xi32>
    %add3A_4 = arith.constant 0 : i32
    %add3A_5 = vector.broadcast %add3A_4 : i32 to vector<16xi32>
    %add3A_6 = arith.addi %iota3A, %add3A_5 : vector<16xi32>
    %gather3A = tpu.vector_load_idx %arg5[%add3A_6, %broadcast_in_dim3A_3] : memref<64x8xi32, #tpu.memory_space<vmem>>[vector<16xi32>, vector<16xi32>], vector<16xi32>,
    %swap3A = arith.constant 0 : index
    %swap3A_7 = tpu.vector_load %arg6[%swap3A] {strides = array<i32>} : memref<64xi32, #tpu.memory_space<vmem>>, vector<16xi32>,
    tpu.vector_store %arg6[%swap3A], %gather3A {strides = array<i32>} : memref<64xi32, #tpu.memory_space<vmem>>, vector<16xi32>,
    %add3A_8 = arith.constant 1 : i32
    %add3A_9 = vector.broadcast %add3A_8 : i32 to vector<16xi32>
    %add3A_10 = arith.addi %broadcast_in_dim3A_3, %add3A_9 : vector<16xi32>
    %gather3A_11 = tpu.vector_load_idx %arg5[%add3A_6, %add3A_10] : memref<64x8xi32, #tpu.memory_space<vmem>>[vector<16xi32>, vector<16xi32>], vector<16xi32>,
    %swap3A_12 = arith.constant 0 : index
    %swap3A_13 = tpu.vector_load %arg7[%swap3A_12] {strides = array<i32>} : memref<64xi32, #tpu.memory_space<vmem>>, vector<16xi32>,
    tpu.vector_store %arg7[%swap3A_12], %gather3A_11 {strides = array<i32>} : memref<64xi32, #tpu.memory_space<vmem>>, vector<16xi32>,
    %iota3A_14 = tpu.iota {dimensions = array<i32: 0>} : vector<16xi32>
    %add3A_15 = arith.constant 16 : i32
    %add3A_16 = vector.broadcast %add3A_15 : i32 to vector<16xi32>
    %add3A_17 = arith.addi %iota3A_14, %add3A_16 : vector<16xi32>
    %gather3A_18 = tpu.vector_load_idx %arg5[%add3A_17, %broadcast_in_dim3A_3] : memref<64x8xi32, #tpu.memory_space<vmem>>[vector<16xi32>, vector<16xi32>], vector<16xi32>,
    %swap3A_19 = arith.constant 16 : index
    %swap3A_20 = tpu.vector_load %arg6[%swap3A_19] {strides = array<i32>} : memref<64xi32, #tpu.memory_space<vmem>>, vector<16xi32>,
    tpu.vector_store %arg6[%swap3A_19], %gather3A_18 {strides = array<i32>} : memref<64xi32, #tpu.memory_space<vmem>>, vector<16xi32>,
    %add3A_21 = arith.constant 1 : i32
    %add3A_22 = vector.broadcast %add3A_21 : i32 to vector<16xi32>
    %add3A_23 = arith.addi %broadcast_in_dim3A_3, %add3A_22 : vector<16xi32>
    %gather3A_24 = tpu.vector_load_idx %arg5[%add3A_17, %add3A_23] : memref<64x8xi32, #tpu.memory_space<vmem>>[vector<16xi32>, vector<16xi32>], vector<16xi32>,
    %swap3A_25 = arith.constant 16 : index
    %swap3A_26 = tpu.vector_load %arg7[%swap3A_25] {strides = array<i32>} : memref<64xi32, #tpu.memory_space<vmem>>, vector<16xi32>,
    tpu.vector_store %arg7[%swap3A_25], %gather3A_24 {strides = array<i32>} : memref<64xi32, #tpu.memory_space<vmem>>, vector<16xi32>,
    %iota3A_27 = tpu.iota {dimensions = array<i32: 0>} : vector<16xi32>
    %add3A_28 = arith.constant 32 : i32
    %add3A_29 = vector.broadcast %add3A_28 : i32 to vector<16xi32>
    %add3A_30 = arith.addi %iota3A_27, %add3A_29 : vector<16xi32>
    %gather3A_31 = tpu.vector_load_idx %arg5[%add3A_30, %broadcast_in_dim3A_3] : memref<64x8xi32, #tpu.memory_space<vmem>>[vector<16xi32>, vector<16xi32>], vector<16xi32>,
    %swap3A_32 = arith.constant 32 : index
    %swap3A_33 = tpu.vector_load %arg6[%swap3A_32] {strides = array<i32>} : memref<64xi32, #tpu.memory_space<vmem>>, vector<16xi32>,
    tpu.vector_store %arg6[%swap3A_32], %gather3A_31 {strides = array<i32>} : memref<64xi32, #tpu.memory_space<vmem>>, vector<16xi32>,
    %add3A_34 = arith.constant 1 : i32
    %add3A_35 = vector.broadcast %add3A_34 : i32 to vector<16xi32>
    %add3A_36 = arith.addi %broadcast_in_dim3A_3, %add3A_35 : vector<16xi32>
    %gather3A_37 = tpu.vector_load_idx %arg5[%add3A_30, %add3A_36] : memref<64x8xi32, #tpu.memory_space<vmem>>[vector<16xi32>, vector<16xi32>], vector<16xi32>,
    %swap3A_38 = arith.constant 32 : index
    %swap3A_39 = tpu.vector_load %arg7[%swap3A_38] {strides = array<i32>} : memref<64xi32, #tpu.memory_space<vmem>>, vector<16xi32>,
    tpu.vector_store %arg7[%swap3A_38], %gather3A_37 {strides = array<i32>} : memref<64xi32, #tpu.memory_space<vmem>>, vector<16xi32>,
    %iota3A_40 = tpu.iota {dimensions = array<i32: 0>} : vector<16xi32>
    %add3A_41 = arith.constant 48 : i32
    %add3A_42 = vector.broadcast %add3A_41 : i32 to vector<16xi32>
    %add3A_43 = arith.addi %iota3A_40, %add3A_42 : vector<16xi32>
    %gather3A_44 = tpu.vector_load_idx %arg5[%add3A_43, %broadcast_in_dim3A_3] : memref<64x8xi32, #tpu.memory_space<vmem>>[vector<16xi32>, vector<16xi32>], vector<16xi32>,
    %swap3A_45 = arith.constant 48 : index
    %swap3A_46 = tpu.vector_load %arg6[%swap3A_45] {strides = array<i32>} : memref<64xi32, #tpu.memory_space<vmem>>, vector<16xi32>,
    tpu.vector_store %arg6[%swap3A_45], %gather3A_44 {strides = array<i32>} : memref<64xi32, #tpu.memory_space<vmem>>, vector<16xi32>,
    %add3A_47 = arith.constant 1 : i32
    %add3A_48 = vector.broadcast %add3A_47 : i32 to vector<16xi32>
    %add3A_49 = arith.addi %broadcast_in_dim3A_3, %add3A_48 : vector<16xi32>
    %gather3A_50 = tpu.vector_load_idx %arg5[%add3A_43, %add3A_49] : memref<64x8xi32, #tpu.memory_space<vmem>>[vector<16xi32>, vector<16xi32>], vector<16xi32>,
    %swap3A_51 = arith.constant 48 : index
    %swap3A_52 = tpu.vector_load %arg7[%swap3A_51] {strides = array<i32>} : memref<64xi32, #tpu.memory_space<vmem>>, vector<16xi32>,
    tpu.vector_store %arg7[%swap3A_51], %gather3A_50 {strides = array<i32>} : memref<64xi32, #tpu.memory_space<vmem>>, vector<16xi32>,
    %dma_start3A = arith.constant 0 : i32
    %dma_start3A_53 = arith.constant 0 : i32
    %dma_start3A_54 = tpu.memref_slice %arg4[%dma_start3A, %dma_start3A_53] : memref<6144x768xf32, #tpu.memory_space<hbm>> -> memref<6144x768xf32, #tpu.memory_space<hbm>>
    tpu.enqueue_indirect_dma source(%arg8 : memref<64x768xf32, #tpu.memory_space<vmem>>) target(%dma_start3A_54 : memref<6144x768xf32, #tpu.memory_space<hbm>>) offsets(%arg6 : memref<64xi32, #tpu.memory_space<vmem>>) semaphore(%arg9 : memref<!tpu.dma_semaphore, #tpu.memory_space<semaphore_mem>>)
    %dma_start3A_55 = arith.constant 0 : i32
    %dma_start3A_56 = arith.constant 0 : i32
    %dma_start3A_57 = tpu.memref_slice %arg4[%dma_start3A_55, %dma_start3A_56] : memref<6144x768xf32, #tpu.memory_space<hbm>> -> memref<6144x768xf32, #tpu.memory_space<hbm>>
    tpu.enqueue_indirect_dma source(%arg8 : memref<64x768xf32, #tpu.memory_space<vmem>>) target(%dma_start3A_57 : memref<6144x768xf32, #tpu.memory_space<hbm>>) offsets(%arg7 : memref<64xi32, #tpu.memory_space<vmem>>) semaphore(%arg9 : memref<!tpu.dma_semaphore, #tpu.memory_space<semaphore_mem>>)
    %dma_wait3A = arith.constant 0 : i32
    %dma_wait3A_58 = arith.constant 0 : i32
    %dma_wait3A_59 = tpu.memref_slice %arg4[%dma_wait3A, %dma_wait3A_58] : memref<6144x768xf32, #tpu.memory_space<hbm>> -> memref<6144x768xf32, #tpu.memory_space<hbm>>
    tpu.wait_indirect_dma semaphore(%arg9 : memref<!tpu.dma_semaphore, #tpu.memory_space<semaphore_mem>>) src(%arg8 : memref<64x768xf32, #tpu.memory_space<vmem>>) dst(%dma_wait3A_59 : memref<6144x768xf32, #tpu.memory_space<hbm>>)
    %dma_wait3A_60 = arith.constant 0 : i32
    %dma_wait3A_61 = arith.constant 0 : i32
    %dma_wait3A_62 = tpu.memref_slice %arg4[%dma_wait3A_60, %dma_wait3A_61] : memref<6144x768xf32, #tpu.memory_space<hbm>> -> memref<6144x768xf32, #tpu.memory_space<hbm>>
    tpu.wait_indirect_dma semaphore(%arg9 : memref<!tpu.dma_semaphore, #tpu.memory_space<semaphore_mem>>) src(%arg8 : memref<64x768xf32, #tpu.memory_space<vmem>>) dst(%dma_wait3A_62 : memref<6144x768xf32, #tpu.memory_space<hbm>>)
    return
  }
}

#map = affine_map<(d0, d1) -> (0, 0)>
module attributes {stable_mosaic.version = 14 : i64} {
  func.func @_combine_body(%arg0: i32, %arg1: i32, %arg2: memref<6144x768xf32, #tpu.memory_space<hbm>>, %arg3: memref<2048x8xi32, #tpu.memory_space<hbm>>, %arg4: memref<2048x8xf32, #tpu.memory_space<hbm>>, %arg5: memref<2048x768xf32, #tpu.memory_space<hbm>>, %arg6: memref<64x8xi32, #tpu.memory_space<vmem>>, %arg7: memref<64x8xf32, #tpu.memory_space<vmem>>, %arg8: memref<64xi32, #tpu.memory_space<vmem>>, %arg9: memref<64xi32, #tpu.memory_space<vmem>>, %arg10: memref<64xf32, #tpu.memory_space<vmem>>, %arg11: memref<64xf32, #tpu.memory_space<vmem>>, %arg12: memref<32x768xf32, #tpu.memory_space<vmem>>, %arg13: memref<32x768xf32, #tpu.memory_space<vmem>>, %arg14: memref<32x768xf32, #tpu.memory_space<vmem>>, %arg15: memref<32x768xf32, #tpu.memory_space<vmem>>, %arg16: memref<!tpu.dma_semaphore, #tpu.memory_space<semaphore_mem>>) attributes {dimension_semantics = [#tpu.dimension_semantics<core_parallel>, #tpu.dimension_semantics<subcore_parallel>], iteration_bounds = array<i64: 2, 16>, scalar_prefetch = 0 : i64, scratch_operands = 11 : i64, tpu.core_type = #tpu.core_type<sc_vector_subcore>, window_params = [{transform_indices = #map}, {transform_indices = #map}, {transform_indices = #map}, {transform_indices = #map}]} {
    %mul3A = arith.constant 2 : i32
    %mul3A_0 = arith.muli %arg1, %mul3A : i32
    %add3A = arith.addi %mul3A_0, %arg0 : i32
    %mul3A_1 = arith.constant 64 : i32
    %mul3A_2 = arith.muli %add3A, %mul3A_1 : i32
    "tpu.region"() ({
      %run_scoped3A = tpu.sem_alloc : memref<!tpu.dma_semaphore, #tpu.memory_space<semaphore_mem>>
      %dma_start3A_142 = arith.constant 0 : i32
      %dma_start3A_143 = tpu.memref_slice %arg3[%mul3A_2, %dma_start3A_142] : memref<2048x8xi32, #tpu.memory_space<hbm>> -> memref<64x8xi32, #tpu.memory_space<hbm>>
      %dma_start3A_144 = arith.constant 0 : i32
      %dma_start3A_145 = tpu.memref_slice %arg3[%mul3A_2, %dma_start3A_144] : memref<2048x8xi32, #tpu.memory_space<hbm>> -> memref<64x8xi32, #tpu.memory_space<hbm>>
      tpu.enqueue_dma source(%dma_start3A_145 : memref<64x8xi32, #tpu.memory_space<hbm>>) target(%arg6 : memref<64x8xi32, #tpu.memory_space<vmem>>) target_semaphore(%run_scoped3A : memref<!tpu.dma_semaphore, #tpu.memory_space<semaphore_mem>>)
      %dma_wait3A_146 = arith.constant 0 : i32
      %dma_wait3A_147 = tpu.memref_slice %arg3[%mul3A_2, %dma_wait3A_146] : memref<2048x8xi32, #tpu.memory_space<hbm>> -> memref<64x8xi32, #tpu.memory_space<hbm>>
      %dma_wait3A_148 = arith.constant 0 : i32
      %dma_wait3A_149 = tpu.memref_slice %arg3[%mul3A_2, %dma_wait3A_148] : memref<2048x8xi32, #tpu.memory_space<hbm>> -> memref<64x8xi32, #tpu.memory_space<hbm>>
      tpu.wait_dma2 semaphore(%run_scoped3A : memref<!tpu.dma_semaphore, #tpu.memory_space<semaphore_mem>>) src(%dma_wait3A_149 : memref<64x8xi32, #tpu.memory_space<hbm>>) dst(%arg6 : memref<64x8xi32, #tpu.memory_space<vmem>>)
      tpu.yield
    }) : () -> ()
    "tpu.region"() ({
      %run_scoped3A = tpu.sem_alloc : memref<!tpu.dma_semaphore, #tpu.memory_space<semaphore_mem>>
      %dma_start3A_142 = arith.constant 0 : i32
      %dma_start3A_143 = tpu.memref_slice %arg4[%mul3A_2, %dma_start3A_142] : memref<2048x8xf32, #tpu.memory_space<hbm>> -> memref<64x8xf32, #tpu.memory_space<hbm>>
      %dma_start3A_144 = arith.constant 0 : i32
      %dma_start3A_145 = tpu.memref_slice %arg4[%mul3A_2, %dma_start3A_144] : memref<2048x8xf32, #tpu.memory_space<hbm>> -> memref<64x8xf32, #tpu.memory_space<hbm>>
      tpu.enqueue_dma source(%dma_start3A_145 : memref<64x8xf32, #tpu.memory_space<hbm>>) target(%arg7 : memref<64x8xf32, #tpu.memory_space<vmem>>) target_semaphore(%run_scoped3A : memref<!tpu.dma_semaphore, #tpu.memory_space<semaphore_mem>>)
      %dma_wait3A_146 = arith.constant 0 : i32
      %dma_wait3A_147 = tpu.memref_slice %arg4[%mul3A_2, %dma_wait3A_146] : memref<2048x8xf32, #tpu.memory_space<hbm>> -> memref<64x8xf32, #tpu.memory_space<hbm>>
      %dma_wait3A_148 = arith.constant 0 : i32
      %dma_wait3A_149 = tpu.memref_slice %arg4[%mul3A_2, %dma_wait3A_148] : memref<2048x8xf32, #tpu.memory_space<hbm>> -> memref<64x8xf32, #tpu.memory_space<hbm>>
      tpu.wait_dma2 semaphore(%run_scoped3A : memref<!tpu.dma_semaphore, #tpu.memory_space<semaphore_mem>>) src(%dma_wait3A_149 : memref<64x8xf32, #tpu.memory_space<hbm>>) dst(%arg7 : memref<64x8xf32, #tpu.memory_space<vmem>>)
      tpu.yield
    }) : () -> ()
    %broadcast_in_dim3A = arith.constant 0 : i32
    %broadcast_in_dim3A_3 = vector.broadcast %broadcast_in_dim3A : i32 to vector<16xi32>
    %iota3A = tpu.iota {dimensions = array<i32: 0>} : vector<16xi32>
    %add3A_4 = arith.constant 0 : i32
    %add3A_5 = vector.broadcast %add3A_4 : i32 to vector<16xi32>
    %add3A_6 = arith.addi %iota3A, %add3A_5 : vector<16xi32>
    %gather3A = tpu.vector_load_idx %arg6[%add3A_6, %broadcast_in_dim3A_3] : memref<64x8xi32, #tpu.memory_space<vmem>>[vector<16xi32>, vector<16xi32>], vector<16xi32>,
    %swap3A = arith.constant 0 : index
    %swap3A_7 = tpu.vector_load %arg8[%swap3A] {strides = array<i32>} : memref<64xi32, #tpu.memory_space<vmem>>, vector<16xi32>,
    tpu.vector_store %arg8[%swap3A], %gather3A {strides = array<i32>} : memref<64xi32, #tpu.memory_space<vmem>>, vector<16xi32>,
    %add3A_8 = arith.constant 1 : i32
    %add3A_9 = vector.broadcast %add3A_8 : i32 to vector<16xi32>
    %add3A_10 = arith.addi %broadcast_in_dim3A_3, %add3A_9 : vector<16xi32>
    %gather3A_11 = tpu.vector_load_idx %arg6[%add3A_6, %add3A_10] : memref<64x8xi32, #tpu.memory_space<vmem>>[vector<16xi32>, vector<16xi32>], vector<16xi32>,
    %swap3A_12 = arith.constant 0 : index
    %swap3A_13 = tpu.vector_load %arg9[%swap3A_12] {strides = array<i32>} : memref<64xi32, #tpu.memory_space<vmem>>, vector<16xi32>,
    tpu.vector_store %arg9[%swap3A_12], %gather3A_11 {strides = array<i32>} : memref<64xi32, #tpu.memory_space<vmem>>, vector<16xi32>,
    %gather3A_14 = tpu.vector_load_idx %arg7[%add3A_6, %broadcast_in_dim3A_3] : memref<64x8xf32, #tpu.memory_space<vmem>>[vector<16xi32>, vector<16xi32>], vector<16xf32>,
    %swap3A_15 = arith.constant 0 : index
    %swap3A_16 = tpu.vector_load %arg10[%swap3A_15] {strides = array<i32>} : memref<64xf32, #tpu.memory_space<vmem>>, vector<16xf32>,
    tpu.vector_store %arg10[%swap3A_15], %gather3A_14 {strides = array<i32>} : memref<64xf32, #tpu.memory_space<vmem>>, vector<16xf32>,
    %add3A_17 = arith.constant 1 : i32
    %add3A_18 = vector.broadcast %add3A_17 : i32 to vector<16xi32>
    %add3A_19 = arith.addi %broadcast_in_dim3A_3, %add3A_18 : vector<16xi32>
    %gather3A_20 = tpu.vector_load_idx %arg7[%add3A_6, %add3A_19] : memref<64x8xf32, #tpu.memory_space<vmem>>[vector<16xi32>, vector<16xi32>], vector<16xf32>,
    %swap3A_21 = arith.constant 0 : index
    %swap3A_22 = tpu.vector_load %arg11[%swap3A_21] {strides = array<i32>} : memref<64xf32, #tpu.memory_space<vmem>>, vector<16xf32>,
    tpu.vector_store %arg11[%swap3A_21], %gather3A_20 {strides = array<i32>} : memref<64xf32, #tpu.memory_space<vmem>>, vector<16xf32>,
    %iota3A_23 = tpu.iota {dimensions = array<i32: 0>} : vector<16xi32>
    %add3A_24 = arith.constant 16 : i32
    %add3A_25 = vector.broadcast %add3A_24 : i32 to vector<16xi32>
    %add3A_26 = arith.addi %iota3A_23, %add3A_25 : vector<16xi32>
    %gather3A_27 = tpu.vector_load_idx %arg6[%add3A_26, %broadcast_in_dim3A_3] : memref<64x8xi32, #tpu.memory_space<vmem>>[vector<16xi32>, vector<16xi32>], vector<16xi32>,
    %swap3A_28 = arith.constant 16 : index
    %swap3A_29 = tpu.vector_load %arg8[%swap3A_28] {strides = array<i32>} : memref<64xi32, #tpu.memory_space<vmem>>, vector<16xi32>,
    tpu.vector_store %arg8[%swap3A_28], %gather3A_27 {strides = array<i32>} : memref<64xi32, #tpu.memory_space<vmem>>, vector<16xi32>,
    %add3A_30 = arith.constant 1 : i32
    %add3A_31 = vector.broadcast %add3A_30 : i32 to vector<16xi32>
    %add3A_32 = arith.addi %broadcast_in_dim3A_3, %add3A_31 : vector<16xi32>
    %gather3A_33 = tpu.vector_load_idx %arg6[%add3A_26, %add3A_32] : memref<64x8xi32, #tpu.memory_space<vmem>>[vector<16xi32>, vector<16xi32>], vector<16xi32>,
    %swap3A_34 = arith.constant 16 : index
    %swap3A_35 = tpu.vector_load %arg9[%swap3A_34] {strides = array<i32>} : memref<64xi32, #tpu.memory_space<vmem>>, vector<16xi32>,
    tpu.vector_store %arg9[%swap3A_34], %gather3A_33 {strides = array<i32>} : memref<64xi32, #tpu.memory_space<vmem>>, vector<16xi32>,
    %gather3A_36 = tpu.vector_load_idx %arg7[%add3A_26, %broadcast_in_dim3A_3] : memref<64x8xf32, #tpu.memory_space<vmem>>[vector<16xi32>, vector<16xi32>], vector<16xf32>,
    %swap3A_37 = arith.constant 16 : index
    %swap3A_38 = tpu.vector_load %arg10[%swap3A_37] {strides = array<i32>} : memref<64xf32, #tpu.memory_space<vmem>>, vector<16xf32>,
    tpu.vector_store %arg10[%swap3A_37], %gather3A_36 {strides = array<i32>} : memref<64xf32, #tpu.memory_space<vmem>>, vector<16xf32>,
    %add3A_39 = arith.constant 1 : i32
    %add3A_40 = vector.broadcast %add3A_39 : i32 to vector<16xi32>
    %add3A_41 = arith.addi %broadcast_in_dim3A_3, %add3A_40 : vector<16xi32>
    %gather3A_42 = tpu.vector_load_idx %arg7[%add3A_26, %add3A_41] : memref<64x8xf32, #tpu.memory_space<vmem>>[vector<16xi32>, vector<16xi32>], vector<16xf32>,
    %swap3A_43 = arith.constant 16 : index
    %swap3A_44 = tpu.vector_load %arg11[%swap3A_43] {strides = array<i32>} : memref<64xf32, #tpu.memory_space<vmem>>, vector<16xf32>,
    tpu.vector_store %arg11[%swap3A_43], %gather3A_42 {strides = array<i32>} : memref<64xf32, #tpu.memory_space<vmem>>, vector<16xf32>,
    %iota3A_45 = tpu.iota {dimensions = array<i32: 0>} : vector<16xi32>
    %add3A_46 = arith.constant 32 : i32
    %add3A_47 = vector.broadcast %add3A_46 : i32 to vector<16xi32>
    %add3A_48 = arith.addi %iota3A_45, %add3A_47 : vector<16xi32>
    %gather3A_49 = tpu.vector_load_idx %arg6[%add3A_48, %broadcast_in_dim3A_3] : memref<64x8xi32, #tpu.memory_space<vmem>>[vector<16xi32>, vector<16xi32>], vector<16xi32>,
    %swap3A_50 = arith.constant 32 : index
    %swap3A_51 = tpu.vector_load %arg8[%swap3A_50] {strides = array<i32>} : memref<64xi32, #tpu.memory_space<vmem>>, vector<16xi32>,
    tpu.vector_store %arg8[%swap3A_50], %gather3A_49 {strides = array<i32>} : memref<64xi32, #tpu.memory_space<vmem>>, vector<16xi32>,
    %add3A_52 = arith.constant 1 : i32
    %add3A_53 = vector.broadcast %add3A_52 : i32 to vector<16xi32>
    %add3A_54 = arith.addi %broadcast_in_dim3A_3, %add3A_53 : vector<16xi32>
    %gather3A_55 = tpu.vector_load_idx %arg6[%add3A_48, %add3A_54] : memref<64x8xi32, #tpu.memory_space<vmem>>[vector<16xi32>, vector<16xi32>], vector<16xi32>,
    %swap3A_56 = arith.constant 32 : index
    %swap3A_57 = tpu.vector_load %arg9[%swap3A_56] {strides = array<i32>} : memref<64xi32, #tpu.memory_space<vmem>>, vector<16xi32>,
    tpu.vector_store %arg9[%swap3A_56], %gather3A_55 {strides = array<i32>} : memref<64xi32, #tpu.memory_space<vmem>>, vector<16xi32>,
    %gather3A_58 = tpu.vector_load_idx %arg7[%add3A_48, %broadcast_in_dim3A_3] : memref<64x8xf32, #tpu.memory_space<vmem>>[vector<16xi32>, vector<16xi32>], vector<16xf32>,
    %swap3A_59 = arith.constant 32 : index
    %swap3A_60 = tpu.vector_load %arg10[%swap3A_59] {strides = array<i32>} : memref<64xf32, #tpu.memory_space<vmem>>, vector<16xf32>,
    tpu.vector_store %arg10[%swap3A_59], %gather3A_58 {strides = array<i32>} : memref<64xf32, #tpu.memory_space<vmem>>, vector<16xf32>,
    %add3A_61 = arith.constant 1 : i32
    %add3A_62 = vector.broadcast %add3A_61 : i32 to vector<16xi32>
    %add3A_63 = arith.addi %broadcast_in_dim3A_3, %add3A_62 : vector<16xi32>
    %gather3A_64 = tpu.vector_load_idx %arg7[%add3A_48, %add3A_63] : memref<64x8xf32, #tpu.memory_space<vmem>>[vector<16xi32>, vector<16xi32>], vector<16xf32>,
    %swap3A_65 = arith.constant 32 : index
    %swap3A_66 = tpu.vector_load %arg11[%swap3A_65] {strides = array<i32>} : memref<64xf32, #tpu.memory_space<vmem>>, vector<16xf32>,
    tpu.vector_store %arg11[%swap3A_65], %gather3A_64 {strides = array<i32>} : memref<64xf32, #tpu.memory_space<vmem>>, vector<16xf32>,
    %iota3A_67 = tpu.iota {dimensions = array<i32: 0>} : vector<16xi32>
    %add3A_68 = arith.constant 48 : i32
    %add3A_69 = vector.broadcast %add3A_68 : i32 to vector<16xi32>
    %add3A_70 = arith.addi %iota3A_67, %add3A_69 : vector<16xi32>
    %gather3A_71 = tpu.vector_load_idx %arg6[%add3A_70, %broadcast_in_dim3A_3] : memref<64x8xi32, #tpu.memory_space<vmem>>[vector<16xi32>, vector<16xi32>], vector<16xi32>,
    %swap3A_72 = arith.constant 48 : index
    %swap3A_73 = tpu.vector_load %arg8[%swap3A_72] {strides = array<i32>} : memref<64xi32, #tpu.memory_space<vmem>>, vector<16xi32>,
    tpu.vector_store %arg8[%swap3A_72], %gather3A_71 {strides = array<i32>} : memref<64xi32, #tpu.memory_space<vmem>>, vector<16xi32>,
    %add3A_74 = arith.constant 1 : i32
    %add3A_75 = vector.broadcast %add3A_74 : i32 to vector<16xi32>
    %add3A_76 = arith.addi %broadcast_in_dim3A_3, %add3A_75 : vector<16xi32>
    %gather3A_77 = tpu.vector_load_idx %arg6[%add3A_70, %add3A_76] : memref<64x8xi32, #tpu.memory_space<vmem>>[vector<16xi32>, vector<16xi32>], vector<16xi32>,
    %swap3A_78 = arith.constant 48 : index
    %swap3A_79 = tpu.vector_load %arg9[%swap3A_78] {strides = array<i32>} : memref<64xi32, #tpu.memory_space<vmem>>, vector<16xi32>,
    tpu.vector_store %arg9[%swap3A_78], %gather3A_77 {strides = array<i32>} : memref<64xi32, #tpu.memory_space<vmem>>, vector<16xi32>,
    %gather3A_80 = tpu.vector_load_idx %arg7[%add3A_70, %broadcast_in_dim3A_3] : memref<64x8xf32, #tpu.memory_space<vmem>>[vector<16xi32>, vector<16xi32>], vector<16xf32>,
    %swap3A_81 = arith.constant 48 : index
    %swap3A_82 = tpu.vector_load %arg10[%swap3A_81] {strides = array<i32>} : memref<64xf32, #tpu.memory_space<vmem>>, vector<16xf32>,
    tpu.vector_store %arg10[%swap3A_81], %gather3A_80 {strides = array<i32>} : memref<64xf32, #tpu.memory_space<vmem>>, vector<16xf32>,
    %add3A_83 = arith.constant 1 : i32
    %add3A_84 = vector.broadcast %add3A_83 : i32 to vector<16xi32>
    %add3A_85 = arith.addi %broadcast_in_dim3A_3, %add3A_84 : vector<16xi32>
    %gather3A_86 = tpu.vector_load_idx %arg7[%add3A_70, %add3A_85] : memref<64x8xf32, #tpu.memory_space<vmem>>[vector<16xi32>, vector<16xi32>], vector<16xf32>,
    %swap3A_87 = arith.constant 48 : index
    %swap3A_88 = tpu.vector_load %arg11[%swap3A_87] {strides = array<i32>} : memref<64xf32, #tpu.memory_space<vmem>>, vector<16xf32>,
    tpu.vector_store %arg11[%swap3A_87], %gather3A_86 {strides = array<i32>} : memref<64xf32, #tpu.memory_space<vmem>>, vector<16xf32>,
    %dma_start3A = arith.constant 0 : i32
    %dma_start3A_89 = tpu.memref_slice %arg8[%dma_start3A] : memref<64xi32, #tpu.memory_space<vmem>> -> memref<32xi32, #tpu.memory_space<vmem>>
    %dma_start3A_90 = arith.constant 0 : i32
    %dma_start3A_91 = arith.constant 0 : i32
    %dma_start3A_92 = tpu.memref_slice %arg2[%dma_start3A_90, %dma_start3A_91] : memref<6144x768xf32, #tpu.memory_space<hbm>> -> memref<6144x768xf32, #tpu.memory_space<hbm>>
    tpu.enqueue_indirect_dma source(%dma_start3A_92 : memref<6144x768xf32, #tpu.memory_space<hbm>>) target(%arg12 : memref<32x768xf32, #tpu.memory_space<vmem>>) offsets(%dma_start3A_89 : memref<32xi32, #tpu.memory_space<vmem>>) semaphore(%arg16 : memref<!tpu.dma_semaphore, #tpu.memory_space<semaphore_mem>>)
    %dma_start3A_93 = arith.constant 0 : i32
    %dma_start3A_94 = tpu.memref_slice %arg9[%dma_start3A_93] : memref<64xi32, #tpu.memory_space<vmem>> -> memref<32xi32, #tpu.memory_space<vmem>>
    %dma_start3A_95 = arith.constant 0 : i32
    %dma_start3A_96 = arith.constant 0 : i32
    %dma_start3A_97 = tpu.memref_slice %arg2[%dma_start3A_95, %dma_start3A_96] : memref<6144x768xf32, #tpu.memory_space<hbm>> -> memref<6144x768xf32, #tpu.memory_space<hbm>>
    tpu.enqueue_indirect_dma source(%dma_start3A_97 : memref<6144x768xf32, #tpu.memory_space<hbm>>) target(%arg13 : memref<32x768xf32, #tpu.memory_space<vmem>>) offsets(%dma_start3A_94 : memref<32xi32, #tpu.memory_space<vmem>>) semaphore(%arg16 : memref<!tpu.dma_semaphore, #tpu.memory_space<semaphore_mem>>)
    %dma_start3A_98 = arith.constant 32 : i32
    %dma_start3A_99 = tpu.memref_slice %arg8[%dma_start3A_98] : memref<64xi32, #tpu.memory_space<vmem>> -> memref<32xi32, #tpu.memory_space<vmem>>
    %dma_start3A_100 = arith.constant 0 : i32
    %dma_start3A_101 = arith.constant 0 : i32
    %dma_start3A_102 = tpu.memref_slice %arg2[%dma_start3A_100, %dma_start3A_101] : memref<6144x768xf32, #tpu.memory_space<hbm>> -> memref<6144x768xf32, #tpu.memory_space<hbm>>
    tpu.enqueue_indirect_dma source(%dma_start3A_102 : memref<6144x768xf32, #tpu.memory_space<hbm>>) target(%arg14 : memref<32x768xf32, #tpu.memory_space<vmem>>) offsets(%dma_start3A_99 : memref<32xi32, #tpu.memory_space<vmem>>) semaphore(%arg16 : memref<!tpu.dma_semaphore, #tpu.memory_space<semaphore_mem>>)
    %dma_start3A_103 = arith.constant 32 : i32
    %dma_start3A_104 = tpu.memref_slice %arg9[%dma_start3A_103] : memref<64xi32, #tpu.memory_space<vmem>> -> memref<32xi32, #tpu.memory_space<vmem>>
    %dma_start3A_105 = arith.constant 0 : i32
    %dma_start3A_106 = arith.constant 0 : i32
    %dma_start3A_107 = tpu.memref_slice %arg2[%dma_start3A_105, %dma_start3A_106] : memref<6144x768xf32, #tpu.memory_space<hbm>> -> memref<6144x768xf32, #tpu.memory_space<hbm>>
    tpu.enqueue_indirect_dma source(%dma_start3A_107 : memref<6144x768xf32, #tpu.memory_space<hbm>>) target(%arg15 : memref<32x768xf32, #tpu.memory_space<vmem>>) offsets(%dma_start3A_104 : memref<32xi32, #tpu.memory_space<vmem>>) semaphore(%arg16 : memref<!tpu.dma_semaphore, #tpu.memory_space<semaphore_mem>>)
    %dma_wait3A = arith.constant 0 : i32
    %dma_wait3A_108 = tpu.memref_slice %arg8[%dma_wait3A] : memref<64xi32, #tpu.memory_space<vmem>> -> memref<32xi32, #tpu.memory_space<vmem>>
    %dma_wait3A_109 = arith.constant 0 : i32
    %dma_wait3A_110 = arith.constant 0 : i32
    %dma_wait3A_111 = tpu.memref_slice %arg2[%dma_wait3A_109, %dma_wait3A_110] : memref<6144x768xf32, #tpu.memory_space<hbm>> -> memref<6144x768xf32, #tpu.memory_space<hbm>>
    tpu.wait_indirect_dma semaphore(%arg16 : memref<!tpu.dma_semaphore, #tpu.memory_space<semaphore_mem>>) src(%dma_wait3A_111 : memref<6144x768xf32, #tpu.memory_space<hbm>>) dst(%arg12 : memref<32x768xf32, #tpu.memory_space<vmem>>)
    %dma_wait3A_112 = arith.constant 0 : i32
    %dma_wait3A_113 = tpu.memref_slice %arg9[%dma_wait3A_112] : memref<64xi32, #tpu.memory_space<vmem>> -> memref<32xi32, #tpu.memory_space<vmem>>
    %dma_wait3A_114 = arith.constant 0 : i32
    %dma_wait3A_115 = arith.constant 0 : i32
    %dma_wait3A_116 = tpu.memref_slice %arg2[%dma_wait3A_114, %dma_wait3A_115] : memref<6144x768xf32, #tpu.memory_space<hbm>> -> memref<6144x768xf32, #tpu.memory_space<hbm>>
    tpu.wait_indirect_dma semaphore(%arg16 : memref<!tpu.dma_semaphore, #tpu.memory_space<semaphore_mem>>) src(%dma_wait3A_116 : memref<6144x768xf32, #tpu.memory_space<hbm>>) dst(%arg13 : memref<32x768xf32, #tpu.memory_space<vmem>>)
    %scan3A = arith.constant 0 : i32
    %scan3A_117 = arith.constant 0 : i32
    %scan3A_118 = arith.constant 32 : i32
    %scan3A_119 = arith.addi %scan3A_117, %scan3A_118 : i32
    %scan3A_120 = arith.constant 1 : i32
    scf.for %scan3A_142 = %scan3A_117 to %scan3A_119 step %scan3A_120  : i32 {
      %add3A_143 = arith.constant 0 : i32
      %add3A_144 = arith.addi %add3A_143, %scan3A_142 : i32
      %broadcast_in_dim3A_145 = vector.broadcast %add3A_144 : i32 to vector<16xi32>
      %gather3A_146 = tpu.vector_load_idx %arg10[%broadcast_in_dim3A_145] : memref<64xf32, #tpu.memory_space<vmem>>[vector<16xi32>], vector<16xf32>,
      %gather3A_147 = tpu.vector_load_idx %arg11[%broadcast_in_dim3A_145] : memref<64xf32, #tpu.memory_space<vmem>>[vector<16xi32>], vector<16xf32>,
      %get3A = arith.index_cast %scan3A_142 : i32 to index
      %get3A_148 = arith.constant 0 : index
      %get3A_149 = tpu.vector_load %arg12[%get3A, %get3A_148] {strides = array<i32>} : memref<32x768xf32, #tpu.memory_space<vmem>>, vector<16xf32>,
      %mul3A_150 = arith.mulf %get3A_149, %gather3A_146 : vector<16xf32>
      %get3A_151 = arith.index_cast %scan3A_142 : i32 to index
      %get3A_152 = arith.constant 0 : index
      %get3A_153 = tpu.vector_load %arg13[%get3A_151, %get3A_152] {strides = array<i32>} : memref<32x768xf32, #tpu.memory_space<vmem>>, vector<16xf32>,
      %mul3A_154 = arith.mulf %get3A_153, %gather3A_147 : vector<16xf32>
      %add3A_155 = arith.addf %mul3A_150, %mul3A_154 : vector<16xf32>
      %swap3A_156 = arith.index_cast %scan3A_142 : i32 to index
      %swap3A_157 = arith.constant 0 : index
      %swap3A_158 = tpu.vector_load %arg12[%swap3A_156, %swap3A_157] {strides = array<i32>} : memref<32x768xf32, #tpu.memory_space<vmem>>, vector<16xf32>,
      tpu.vector_store %arg12[%swap3A_156, %swap3A_157], %add3A_155 {strides = array<i32>} : memref<32x768xf32, #tpu.memory_space<vmem>>, vector<16xf32>,
      %get3A_159 = arith.index_cast %scan3A_142 : i32 to index
      %get3A_160 = arith.constant 16 : index
      %get3A_161 = tpu.vector_load %arg12[%get3A_159, %get3A_160] {strides = array<i32>} : memref<32x768xf32, #tpu.memory_space<vmem>>, vector<16xf32>,
      %mul3A_162 = arith.mulf %get3A_161, %gather3A_146 : vector<16xf32>
      %get3A_163 = arith.index_cast %scan3A_142 : i32 to index
      %get3A_164 = arith.constant 16 : index
      %get3A_165 = tpu.vector_load %arg13[%get3A_163, %get3A_164] {strides = array<i32>} : memref<32x768xf32, #tpu.memory_space<vmem>>, vector<16xf32>,
      %mul3A_166 = arith.mulf %get3A_165, %gather3A_147 : vector<16xf32>
      %add3A_167 = arith.addf %mul3A_162, %mul3A_166 : vector<16xf32>
      %swap3A_168 = arith.index_cast %scan3A_142 : i32 to index
      %swap3A_169 = arith.constant 16 : index
      %swap3A_170 = tpu.vector_load %arg12[%swap3A_168, %swap3A_169] {strides = array<i32>} : memref<32x768xf32, #tpu.memory_space<vmem>>, vector<16xf32>,
      tpu.vector_store %arg12[%swap3A_168, %swap3A_169], %add3A_167 {strides = array<i32>} : memref<32x768xf32, #tpu.memory_space<vmem>>, vector<16xf32>,
      %get3A_171 = arith.index_cast %scan3A_142 : i32 to index
      %get3A_172 = arith.constant 32 : index
      %get3A_173 = tpu.vector_load %arg12[%get3A_171, %get3A_172] {strides = array<i32>} : memref<32x768xf32, #tpu.memory_space<vmem>>, vector<16xf32>,
      %mul3A_174 = arith.mulf %get3A_173, %gather3A_146 : vector<16xf32>
      %get3A_175 = arith.index_cast %scan3A_142 : i32 to index
      %get3A_176 = arith.constant 32 : index
      %get3A_177 = tpu.vector_load %arg13[%get3A_175, %get3A_176] {strides = array<i32>} : memref<32x768xf32, #tpu.memory_space<vmem>>, vector<16xf32>,
      %mul3A_178 = arith.mulf %get3A_177, %gather3A_147 : vector<16xf32>
      %add3A_179 = arith.addf %mul3A_174, %mul3A_178 : vector<16xf32>
      %swap3A_180 = arith.index_cast %scan3A_142 : i32 to index
      %swap3A_181 = arith.constant 32 : index
      %swap3A_182 = tpu.vector_load %arg12[%swap3A_180, %swap3A_181] {strides = array<i32>} : memref<32x768xf32, #tpu.memory_space<vmem>>, vector<16xf32>,
      tpu.vector_store %arg12[%swap3A_180, %swap3A_181], %add3A_179 {strides = array<i32>} : memref<32x768xf32, #tpu.memory_space<vmem>>, vector<16xf32>,
      %get3A_183 = arith.index_cast %scan3A_142 : i32 to index
      %get3A_184 = arith.constant 48 : index
      %get3A_185 = tpu.vector_load %arg12[%get3A_183, %get3A_184] {strides = array<i32>} : memref<32x768xf32, #tpu.memory_space<vmem>>, vector<16xf32>,
      %mul3A_186 = arith.mulf %get3A_185, %gather3A_146 : vector<16xf32>
      %get3A_187 = arith.index_cast %scan3A_142 : i32 to index
      %get3A_188 = arith.constant 48 : index
      %get3A_189 = tpu.vector_load %arg13[%get3A_187, %get3A_188] {strides = array<i32>} : memref<32x768xf32, #tpu.memory_space<vmem>>, vector<16xf32>,
      %mul3A_190 = arith.mulf %get3A_189, %gather3A_147 : vector<16xf32>
      %add3A_191 = arith.addf %mul3A_186, %mul3A_190 : vector<16xf32>
      %swap3A_192 = arith.index_cast %scan3A_142 : i32 to index
      %swap3A_193 = arith.constant 48 : index
      %swap3A_194 = tpu.vector_load %arg12[%swap3A_192, %swap3A_193] {strides = array<i32>} : memref<32x768xf32, #tpu.memory_space<vmem>>, vector<16xf32>,
      tpu.vector_store %arg12[%swap3A_192, %swap3A_193], %add3A_191 {strides = array<i32>} : memref<32x768xf32, #tpu.memory_space<vmem>>, vector<16xf32>,
      %get3A_195 = arith.index_cast %scan3A_142 : i32 to index
      %get3A_196 = arith.constant 64 : index
      %get3A_197 = tpu.vector_load %arg12[%get3A_195, %get3A_196] {strides = array<i32>} : memref<32x768xf32, #tpu.memory_space<vmem>>, vector<16xf32>,
      %mul3A_198 = arith.mulf %get3A_197, %gather3A_146 : vector<16xf32>
      %get3A_199 = arith.index_cast %scan3A_142 : i32 to index
      %get3A_200 = arith.constant 64 : index
      %get3A_201 = tpu.vector_load %arg13[%get3A_199, %get3A_200] {strides = array<i32>} : memref<32x768xf32, #tpu.memory_space<vmem>>, vector<16xf32>,
      %mul3A_202 = arith.mulf %get3A_201, %gather3A_147 : vector<16xf32>
      %add3A_203 = arith.addf %mul3A_198, %mul3A_202 : vector<16xf32>
      %swap3A_204 = arith.index_cast %scan3A_142 : i32 to index
      %swap3A_205 = arith.constant 64 : index
      %swap3A_206 = tpu.vector_load %arg12[%swap3A_204, %swap3A_205] {strides = array<i32>} : memref<32x768xf32, #tpu.memory_space<vmem>>, vector<16xf32>,
      tpu.vector_store %arg12[%swap3A_204, %swap3A_205], %add3A_203 {strides = array<i32>} : memref<32x768xf32, #tpu.memory_space<vmem>>, vector<16xf32>,
      %get3A_207 = arith.index_cast %scan3A_142 : i32 to index
      %get3A_208 = arith.constant 80 : index
      %get3A_209 = tpu.vector_load %arg12[%get3A_207, %get3A_208] {strides = array<i32>} : memref<32x768xf32, #tpu.memory_space<vmem>>, vector<16xf32>,
      %mul3A_210 = arith.mulf %get3A_209, %gather3A_146 : vector<16xf32>
      %get3A_211 = arith.index_cast %scan3A_142 : i32 to index
      %get3A_212 = arith.constant 80 : index
      %get3A_213 = tpu.vector_load %arg13[%get3A_211, %get3A_212] {strides = array<i32>} : memref<32x768xf32, #tpu.memory_space<vmem>>, vector<16xf32>,
      %mul3A_214 = arith.mulf %get3A_213, %gather3A_147 : vector<16xf32>
      %add3A_215 = arith.addf %mul3A_210, %mul3A_214 : vector<16xf32>
      %swap3A_216 = arith.index_cast %scan3A_142 : i32 to index
      %swap3A_217 = arith.constant 80 : index
      %swap3A_218 = tpu.vector_load %arg12[%swap3A_216, %swap3A_217] {strides = array<i32>} : memref<32x768xf32, #tpu.memory_space<vmem>>, vector<16xf32>,
      tpu.vector_store %arg12[%swap3A_216, %swap3A_217], %add3A_215 {strides = array<i32>} : memref<32x768xf32, #tpu.memory_space<vmem>>, vector<16xf32>,
      %get3A_219 = arith.index_cast %scan3A_142 : i32 to index
      %get3A_220 = arith.constant 96 : index
      %get3A_221 = tpu.vector_load %arg12[%get3A_219, %get3A_220] {strides = array<i32>} : memref<32x768xf32, #tpu.memory_space<vmem>>, vector<16xf32>,
      %mul3A_222 = arith.mulf %get3A_221, %gather3A_146 : vector<16xf32>
      %get3A_223 = arith.index_cast %scan3A_142 : i32 to index
      %get3A_224 = arith.constant 96 : index
      %get3A_225 = tpu.vector_load %arg13[%get3A_223, %get3A_224] {strides = array<i32>} : memref<32x768xf32, #tpu.memory_space<vmem>>, vector<16xf32>,
      %mul3A_226 = arith.mulf %get3A_225, %gather3A_147 : vector<16xf32>
      %add3A_227 = arith.addf %mul3A_222, %mul3A_226 : vector<16xf32>
      %swap3A_228 = arith.index_cast %scan3A_142 : i32 to index
      %swap3A_229 = arith.constant 96 : index
      %swap3A_230 = tpu.vector_load %arg12[%swap3A_228, %swap3A_229] {strides = array<i32>} : memref<32x768xf32, #tpu.memory_space<vmem>>, vector<16xf32>,
      tpu.vector_store %arg12[%swap3A_228, %swap3A_229], %add3A_227 {strides = array<i32>} : memref<32x768xf32, #tpu.memory_space<vmem>>, vector<16xf32>,
      %get3A_231 = arith.index_cast %scan3A_142 : i32 to index
      %get3A_232 = arith.constant 112 : index
      %get3A_233 = tpu.vector_load %arg12[%get3A_231, %get3A_232] {strides = array<i32>} : memref<32x768xf32, #tpu.memory_space<vmem>>, vector<16xf32>,
      %mul3A_234 = arith.mulf %get3A_233, %gather3A_146 : vector<16xf32>
      %get3A_235 = arith.index_cast %scan3A_142 : i32 to index
      %get3A_236 = arith.constant 112 : index
      %get3A_237 = tpu.vector_load %arg13[%get3A_235, %get3A_236] {strides = array<i32>} : memref<32x768xf32, #tpu.memory_space<vmem>>, vector<16xf32>,
      %mul3A_238 = arith.mulf %get3A_237, %gather3A_147 : vector<16xf32>
      %add3A_239 = arith.addf %mul3A_234, %mul3A_238 : vector<16xf32>
      %swap3A_240 = arith.index_cast %scan3A_142 : i32 to index
      %swap3A_241 = arith.constant 112 : index
      %swap3A_242 = tpu.vector_load %arg12[%swap3A_240, %swap3A_241] {strides = array<i32>} : memref<32x768xf32, #tpu.memory_space<vmem>>, vector<16xf32>,
      tpu.vector_store %arg12[%swap3A_240, %swap3A_241], %add3A_239 {strides = array<i32>} : memref<32x768xf32, #tpu.memory_space<vmem>>, vector<16xf32>,
      %get3A_243 = arith.index_cast %scan3A_142 : i32 to index
      %get3A_244 = arith.constant 128 : index
      %get3A_245 = tpu.vector_load %arg12[%get3A_243, %get3A_244] {strides = array<i32>} : memref<32x768xf32, #tpu.memory_space<vmem>>, vector<16xf32>,
      %mul3A_246 = arith.mulf %get3A_245, %gather3A_146 : vector<16xf32>
      %get3A_247 = arith.index_cast %scan3A_142 : i32 to index
      %get3A_248 = arith.constant 128 : index
      %get3A_249 = tpu.vector_load %arg13[%get3A_247, %get3A_248] {strides = array<i32>} : memref<32x768xf32, #tpu.memory_space<vmem>>, vector<16xf32>,
      %mul3A_250 = arith.mulf %get3A_249, %gather3A_147 : vector<16xf32>
      %add3A_251 = arith.addf %mul3A_246, %mul3A_250 : vector<16xf32>
      %swap3A_252 = arith.index_cast %scan3A_142 : i32 to index
      %swap3A_253 = arith.constant 128 : index
      %swap3A_254 = tpu.vector_load %arg12[%swap3A_252, %swap3A_253] {strides = array<i32>} : memref<32x768xf32, #tpu.memory_space<vmem>>, vector<16xf32>,
      tpu.vector_store %arg12[%swap3A_252, %swap3A_253], %add3A_251 {strides = array<i32>} : memref<32x768xf32, #tpu.memory_space<vmem>>, vector<16xf32>,
      %get3A_255 = arith.index_cast %scan3A_142 : i32 to index
      %get3A_256 = arith.constant 144 : index
      %get3A_257 = tpu.vector_load %arg12[%get3A_255, %get3A_256] {strides = array<i32>} : memref<32x768xf32, #tpu.memory_space<vmem>>, vector<16xf32>,
      %mul3A_258 = arith.mulf %get3A_257, %gather3A_146 : vector<16xf32>
      %get3A_259 = arith.index_cast %scan3A_142 : i32 to index
      %get3A_260 = arith.constant 144 : index
      %get3A_261 = tpu.vector_load %arg13[%get3A_259, %get3A_260] {strides = array<i32>} : memref<32x768xf32, #tpu.memory_space<vmem>>, vector<16xf32>,
      %mul3A_262 = arith.mulf %get3A_261, %gather3A_147 : vector<16xf32>
      %add3A_263 = arith.addf %mul3A_258, %mul3A_262 : vector<16xf32>
      %swap3A_264 = arith.index_cast %scan3A_142 : i32 to index
      %swap3A_265 = arith.constant 144 : index
      %swap3A_266 = tpu.vector_load %arg12[%swap3A_264, %swap3A_265] {strides = array<i32>} : memref<32x768xf32, #tpu.memory_space<vmem>>, vector<16xf32>,
      tpu.vector_store %arg12[%swap3A_264, %swap3A_265], %add3A_263 {strides = array<i32>} : memref<32x768xf32, #tpu.memory_space<vmem>>, vector<16xf32>,
      %get3A_267 = arith.index_cast %scan3A_142 : i32 to index
      %get3A_268 = arith.constant 160 : index
      %get3A_269 = tpu.vector_load %arg12[%get3A_267, %get3A_268] {strides = array<i32>} : memref<32x768xf32, #tpu.memory_space<vmem>>, vector<16xf32>,
      %mul3A_270 = arith.mulf %get3A_269, %gather3A_146 : vector<16xf32>
      %get3A_271 = arith.index_cast %scan3A_142 : i32 to index
      %get3A_272 = arith.constant 160 : index
      %get3A_273 = tpu.vector_load %arg13[%get3A_271, %get3A_272] {strides = array<i32>} : memref<32x768xf32, #tpu.memory_space<vmem>>, vector<16xf32>,
      %mul3A_274 = arith.mulf %get3A_273, %gather3A_147 : vector<16xf32>
      %add3A_275 = arith.addf %mul3A_270, %mul3A_274 : vector<16xf32>
      %swap3A_276 = arith.index_cast %scan3A_142 : i32 to index
      %swap3A_277 = arith.constant 160 : index
      %swap3A_278 = tpu.vector_load %arg12[%swap3A_276, %swap3A_277] {strides = array<i32>} : memref<32x768xf32, #tpu.memory_space<vmem>>, vector<16xf32>,
      tpu.vector_store %arg12[%swap3A_276, %swap3A_277], %add3A_275 {strides = array<i32>} : memref<32x768xf32, #tpu.memory_space<vmem>>, vector<16xf32>,
      %get3A_279 = arith.index_cast %scan3A_142 : i32 to index
      %get3A_280 = arith.constant 176 : index
      %get3A_281 = tpu.vector_load %arg12[%get3A_279, %get3A_280] {strides = array<i32>} : memref<32x768xf32, #tpu.memory_space<vmem>>, vector<16xf32>,
      %mul3A_282 = arith.mulf %get3A_281, %gather3A_146 : vector<16xf32>
      %get3A_283 = arith.index_cast %scan3A_142 : i32 to index
      %get3A_284 = arith.constant 176 : index
      %get3A_285 = tpu.vector_load %arg13[%get3A_283, %get3A_284] {strides = array<i32>} : memref<32x768xf32, #tpu.memory_space<vmem>>, vector<16xf32>,
      %mul3A_286 = arith.mulf %get3A_285, %gather3A_147 : vector<16xf32>
      %add3A_287 = arith.addf %mul3A_282, %mul3A_286 : vector<16xf32>
      %swap3A_288 = arith.index_cast %scan3A_142 : i32 to index
      %swap3A_289 = arith.constant 176 : index
      %swap3A_290 = tpu.vector_load %arg12[%swap3A_288, %swap3A_289] {strides = array<i32>} : memref<32x768xf32, #tpu.memory_space<vmem>>, vector<16xf32>,
      tpu.vector_store %arg12[%swap3A_288, %swap3A_289], %add3A_287 {strides = array<i32>} : memref<32x768xf32, #tpu.memory_space<vmem>>, vector<16xf32>,
      %get3A_291 = arith.index_cast %scan3A_142 : i32 to index
      %get3A_292 = arith.constant 192 : index
      %get3A_293 = tpu.vector_load %arg12[%get3A_291, %get3A_292] {strides = array<i32>} : memref<32x768xf32, #tpu.memory_space<vmem>>, vector<16xf32>,
      %mul3A_294 = arith.mulf %get3A_293, %gather3A_146 : vector<16xf32>
      %get3A_295 = arith.index_cast %scan3A_142 : i32 to index
      %get3A_296 = arith.constant 192 : index
      %get3A_297 = tpu.vector_load %arg13[%get3A_295, %get3A_296] {strides = array<i32>} : memref<32x768xf32, #tpu.memory_space<vmem>>, vector<16xf32>,
      %mul3A_298 = arith.mulf %get3A_297, %gather3A_147 : vector<16xf32>
      %add3A_299 = arith.addf %mul3A_294, %mul3A_298 : vector<16xf32>
      %swap3A_300 = arith.index_cast %scan3A_142 : i32 to index
      %swap3A_301 = arith.constant 192 : index
      %swap3A_302 = tpu.vector_load %arg12[%swap3A_300, %swap3A_301] {strides = array<i32>} : memref<32x768xf32, #tpu.memory_space<vmem>>, vector<16xf32>,
      tpu.vector_store %arg12[%swap3A_300, %swap3A_301], %add3A_299 {strides = array<i32>} : memref<32x768xf32, #tpu.memory_space<vmem>>, vector<16xf32>,
      %get3A_303 = arith.index_cast %scan3A_142 : i32 to index
      %get3A_304 = arith.constant 208 : index
      %get3A_305 = tpu.vector_load %arg12[%get3A_303, %get3A_304] {strides = array<i32>} : memref<32x768xf32, #tpu.memory_space<vmem>>, vector<16xf32>,
      %mul3A_306 = arith.mulf %get3A_305, %gather3A_146 : vector<16xf32>
      %get3A_307 = arith.index_cast %scan3A_142 : i32 to index
      %get3A_308 = arith.constant 208 : index
      %get3A_309 = tpu.vector_load %arg13[%get3A_307, %get3A_308] {strides = array<i32>} : memref<32x768xf32, #tpu.memory_space<vmem>>, vector<16xf32>,
      %mul3A_310 = arith.mulf %get3A_309, %gather3A_147 : vector<16xf32>
      %add3A_311 = arith.addf %mul3A_306, %mul3A_310 : vector<16xf32>
      %swap3A_312 = arith.index_cast %scan3A_142 : i32 to index
      %swap3A_313 = arith.constant 208 : index
      %swap3A_314 = tpu.vector_load %arg12[%swap3A_312, %swap3A_313] {strides = array<i32>} : memref<32x768xf32, #tpu.memory_space<vmem>>, vector<16xf32>,
      tpu.vector_store %arg12[%swap3A_312, %swap3A_313], %add3A_311 {strides = array<i32>} : memref<32x768xf32, #tpu.memory_space<vmem>>, vector<16xf32>,
      %get3A_315 = arith.index_cast %scan3A_142 : i32 to index
      %get3A_316 = arith.constant 224 : index
      %get3A_317 = tpu.vector_load %arg12[%get3A_315, %get3A_316] {strides = array<i32>} : memref<32x768xf32, #tpu.memory_space<vmem>>, vector<16xf32>,
      %mul3A_318 = arith.mulf %get3A_317, %gather3A_146 : vector<16xf32>
      %get3A_319 = arith.index_cast %scan3A_142 : i32 to index
      %get3A_320 = arith.constant 224 : index
      %get3A_321 = tpu.vector_load %arg13[%get3A_319, %get3A_320] {strides = array<i32>} : memref<32x768xf32, #tpu.memory_space<vmem>>, vector<16xf32>,
      %mul3A_322 = arith.mulf %get3A_321, %gather3A_147 : vector<16xf32>
      %add3A_323 = arith.addf %mul3A_318, %mul3A_322 : vector<16xf32>
      %swap3A_324 = arith.index_cast %scan3A_142 : i32 to index
      %swap3A_325 = arith.constant 224 : index
      %swap3A_326 = tpu.vector_load %arg12[%swap3A_324, %swap3A_325] {strides = array<i32>} : memref<32x768xf32, #tpu.memory_space<vmem>>, vector<16xf32>,
      tpu.vector_store %arg12[%swap3A_324, %swap3A_325], %add3A_323 {strides = array<i32>} : memref<32x768xf32, #tpu.memory_space<vmem>>, vector<16xf32>,
      %get3A_327 = arith.index_cast %scan3A_142 : i32 to index
      %get3A_328 = arith.constant 240 : index
      %get3A_329 = tpu.vector_load %arg12[%get3A_327, %get3A_328] {strides = array<i32>} : memref<32x768xf32, #tpu.memory_space<vmem>>, vector<16xf32>,
      %mul3A_330 = arith.mulf %get3A_329, %gather3A_146 : vector<16xf32>
      %get3A_331 = arith.index_cast %scan3A_142 : i32 to index
      %get3A_332 = arith.constant 240 : index
      %get3A_333 = tpu.vector_load %arg13[%get3A_331, %get3A_332] {strides = array<i32>} : memref<32x768xf32, #tpu.memory_space<vmem>>, vector<16xf32>,
      %mul3A_334 = arith.mulf %get3A_333, %gather3A_147 : vector<16xf32>
      %add3A_335 = arith.addf %mul3A_330, %mul3A_334 : vector<16xf32>
      %swap3A_336 = arith.index_cast %scan3A_142 : i32 to index
      %swap3A_337 = arith.constant 240 : index
      %swap3A_338 = tpu.vector_load %arg12[%swap3A_336, %swap3A_337] {strides = array<i32>} : memref<32x768xf32, #tpu.memory_space<vmem>>, vector<16xf32>,
      tpu.vector_store %arg12[%swap3A_336, %swap3A_337], %add3A_335 {strides = array<i32>} : memref<32x768xf32, #tpu.memory_space<vmem>>, vector<16xf32>,
      %get3A_339 = arith.index_cast %scan3A_142 : i32 to index
      %get3A_340 = arith.constant 256 : index
      %get3A_341 = tpu.vector_load %arg12[%get3A_339, %get3A_340] {strides = array<i32>} : memref<32x768xf32, #tpu.memory_space<vmem>>, vector<16xf32>,
      %mul3A_342 = arith.mulf %get3A_341, %gather3A_146 : vector<16xf32>
      %get3A_343 = arith.index_cast %scan3A_142 : i32 to index
      %get3A_344 = arith.constant 256 : index
      %get3A_345 = tpu.vector_load %arg13[%get3A_343, %get3A_344] {strides = array<i32>} : memref<32x768xf32, #tpu.memory_space<vmem>>, vector<16xf32>,
      %mul3A_346 = arith.mulf %get3A_345, %gather3A_147 : vector<16xf32>
      %add3A_347 = arith.addf %mul3A_342, %mul3A_346 : vector<16xf32>
      %swap3A_348 = arith.index_cast %scan3A_142 : i32 to index
      %swap3A_349 = arith.constant 256 : index
      %swap3A_350 = tpu.vector_load %arg12[%swap3A_348, %swap3A_349] {strides = array<i32>} : memref<32x768xf32, #tpu.memory_space<vmem>>, vector<16xf32>,
      tpu.vector_store %arg12[%swap3A_348, %swap3A_349], %add3A_347 {strides = array<i32>} : memref<32x768xf32, #tpu.memory_space<vmem>>, vector<16xf32>,
      %get3A_351 = arith.index_cast %scan3A_142 : i32 to index
      %get3A_352 = arith.constant 272 : index
      %get3A_353 = tpu.vector_load %arg12[%get3A_351, %get3A_352] {strides = array<i32>} : memref<32x768xf32, #tpu.memory_space<vmem>>, vector<16xf32>,
      %mul3A_354 = arith.mulf %get3A_353, %gather3A_146 : vector<16xf32>
      %get3A_355 = arith.index_cast %scan3A_142 : i32 to index
      %get3A_356 = arith.constant 272 : index
      %get3A_357 = tpu.vector_load %arg13[%get3A_355, %get3A_356] {strides = array<i32>} : memref<32x768xf32, #tpu.memory_space<vmem>>, vector<16xf32>,
      %mul3A_358 = arith.mulf %get3A_357, %gather3A_147 : vector<16xf32>
      %add3A_359 = arith.addf %mul3A_354, %mul3A_358 : vector<16xf32>
      %swap3A_360 = arith.index_cast %scan3A_142 : i32 to index
      %swap3A_361 = arith.constant 272 : index
      %swap3A_362 = tpu.vector_load %arg12[%swap3A_360, %swap3A_361] {strides = array<i32>} : memref<32x768xf32, #tpu.memory_space<vmem>>, vector<16xf32>,
      tpu.vector_store %arg12[%swap3A_360, %swap3A_361], %add3A_359 {strides = array<i32>} : memref<32x768xf32, #tpu.memory_space<vmem>>, vector<16xf32>,
      %get3A_363 = arith.index_cast %scan3A_142 : i32 to index
      %get3A_364 = arith.constant 288 : index
      %get3A_365 = tpu.vector_load %arg12[%get3A_363, %get3A_364] {strides = array<i32>} : memref<32x768xf32, #tpu.memory_space<vmem>>, vector<16xf32>,
      %mul3A_366 = arith.mulf %get3A_365, %gather3A_146 : vector<16xf32>
      %get3A_367 = arith.index_cast %scan3A_142 : i32 to index
      %get3A_368 = arith.constant 288 : index
      %get3A_369 = tpu.vector_load %arg13[%get3A_367, %get3A_368] {strides = array<i32>} : memref<32x768xf32, #tpu.memory_space<vmem>>, vector<16xf32>,
      %mul3A_370 = arith.mulf %get3A_369, %gather3A_147 : vector<16xf32>
      %add3A_371 = arith.addf %mul3A_366, %mul3A_370 : vector<16xf32>
      %swap3A_372 = arith.index_cast %scan3A_142 : i32 to index
      %swap3A_373 = arith.constant 288 : index
      %swap3A_374 = tpu.vector_load %arg12[%swap3A_372, %swap3A_373] {strides = array<i32>} : memref<32x768xf32, #tpu.memory_space<vmem>>, vector<16xf32>,
      tpu.vector_store %arg12[%swap3A_372, %swap3A_373], %add3A_371 {strides = array<i32>} : memref<32x768xf32, #tpu.memory_space<vmem>>, vector<16xf32>,
      %get3A_375 = arith.index_cast %scan3A_142 : i32 to index
      %get3A_376 = arith.constant 304 : index
      %get3A_377 = tpu.vector_load %arg12[%get3A_375, %get3A_376] {strides = array<i32>} : memref<32x768xf32, #tpu.memory_space<vmem>>, vector<16xf32>,
      %mul3A_378 = arith.mulf %get3A_377, %gather3A_146 : vector<16xf32>
      %get3A_379 = arith.index_cast %scan3A_142 : i32 to index
      %get3A_380 = arith.constant 304 : index
      %get3A_381 = tpu.vector_load %arg13[%get3A_379, %get3A_380] {strides = array<i32>} : memref<32x768xf32, #tpu.memory_space<vmem>>, vector<16xf32>,
      %mul3A_382 = arith.mulf %get3A_381, %gather3A_147 : vector<16xf32>
      %add3A_383 = arith.addf %mul3A_378, %mul3A_382 : vector<16xf32>
      %swap3A_384 = arith.index_cast %scan3A_142 : i32 to index
      %swap3A_385 = arith.constant 304 : index
      %swap3A_386 = tpu.vector_load %arg12[%swap3A_384, %swap3A_385] {strides = array<i32>} : memref<32x768xf32, #tpu.memory_space<vmem>>, vector<16xf32>,
      tpu.vector_store %arg12[%swap3A_384, %swap3A_385], %add3A_383 {strides = array<i32>} : memref<32x768xf32, #tpu.memory_space<vmem>>, vector<16xf32>,
      %get3A_387 = arith.index_cast %scan3A_142 : i32 to index
      %get3A_388 = arith.constant 320 : index
      %get3A_389 = tpu.vector_load %arg12[%get3A_387, %get3A_388] {strides = array<i32>} : memref<32x768xf32, #tpu.memory_space<vmem>>, vector<16xf32>,
      %mul3A_390 = arith.mulf %get3A_389, %gather3A_146 : vector<16xf32>
      %get3A_391 = arith.index_cast %scan3A_142 : i32 to index
      %get3A_392 = arith.constant 320 : index
      %get3A_393 = tpu.vector_load %arg13[%get3A_391, %get3A_392] {strides = array<i32>} : memref<32x768xf32, #tpu.memory_space<vmem>>, vector<16xf32>,
      %mul3A_394 = arith.mulf %get3A_393, %gather3A_147 : vector<16xf32>
      %add3A_395 = arith.addf %mul3A_390, %mul3A_394 : vector<16xf32>
      %swap3A_396 = arith.index_cast %scan3A_142 : i32 to index
      %swap3A_397 = arith.constant 320 : index
      %swap3A_398 = tpu.vector_load %arg12[%swap3A_396, %swap3A_397] {strides = array<i32>} : memref<32x768xf32, #tpu.memory_space<vmem>>, vector<16xf32>,
      tpu.vector_store %arg12[%swap3A_396, %swap3A_397], %add3A_395 {strides = array<i32>} : memref<32x768xf32, #tpu.memory_space<vmem>>, vector<16xf32>,
      %get3A_399 = arith.index_cast %scan3A_142 : i32 to index
      %get3A_400 = arith.constant 336 : index
      %get3A_401 = tpu.vector_load %arg12[%get3A_399, %get3A_400] {strides = array<i32>} : memref<32x768xf32, #tpu.memory_space<vmem>>, vector<16xf32>,
      %mul3A_402 = arith.mulf %get3A_401, %gather3A_146 : vector<16xf32>
      %get3A_403 = arith.index_cast %scan3A_142 : i32 to index
      %get3A_404 = arith.constant 336 : index
      %get3A_405 = tpu.vector_load %arg13[%get3A_403, %get3A_404] {strides = array<i32>} : memref<32x768xf32, #tpu.memory_space<vmem>>, vector<16xf32>,
      %mul3A_406 = arith.mulf %get3A_405, %gather3A_147 : vector<16xf32>
      %add3A_407 = arith.addf %mul3A_402, %mul3A_406 : vector<16xf32>
      %swap3A_408 = arith.index_cast %scan3A_142 : i32 to index
      %swap3A_409 = arith.constant 336 : index
      %swap3A_410 = tpu.vector_load %arg12[%swap3A_408, %swap3A_409] {strides = array<i32>} : memref<32x768xf32, #tpu.memory_space<vmem>>, vector<16xf32>,
      tpu.vector_store %arg12[%swap3A_408, %swap3A_409], %add3A_407 {strides = array<i32>} : memref<32x768xf32, #tpu.memory_space<vmem>>, vector<16xf32>,
      %get3A_411 = arith.index_cast %scan3A_142 : i32 to index
      %get3A_412 = arith.constant 352 : index
      %get3A_413 = tpu.vector_load %arg12[%get3A_411, %get3A_412] {strides = array<i32>} : memref<32x768xf32, #tpu.memory_space<vmem>>, vector<16xf32>,
      %mul3A_414 = arith.mulf %get3A_413, %gather3A_146 : vector<16xf32>
      %get3A_415 = arith.index_cast %scan3A_142 : i32 to index
      %get3A_416 = arith.constant 352 : index
      %get3A_417 = tpu.vector_load %arg13[%get3A_415, %get3A_416] {strides = array<i32>} : memref<32x768xf32, #tpu.memory_space<vmem>>, vector<16xf32>,
      %mul3A_418 = arith.mulf %get3A_417, %gather3A_147 : vector<16xf32>
      %add3A_419 = arith.addf %mul3A_414, %mul3A_418 : vector<16xf32>
      %swap3A_420 = arith.index_cast %scan3A_142 : i32 to index
      %swap3A_421 = arith.constant 352 : index
      %swap3A_422 = tpu.vector_load %arg12[%swap3A_420, %swap3A_421] {strides = array<i32>} : memref<32x768xf32, #tpu.memory_space<vmem>>, vector<16xf32>,
      tpu.vector_store %arg12[%swap3A_420, %swap3A_421], %add3A_419 {strides = array<i32>} : memref<32x768xf32, #tpu.memory_space<vmem>>, vector<16xf32>,
      %get3A_423 = arith.index_cast %scan3A_142 : i32 to index
      %get3A_424 = arith.constant 368 : index
      %get3A_425 = tpu.vector_load %arg12[%get3A_423, %get3A_424] {strides = array<i32>} : memref<32x768xf32, #tpu.memory_space<vmem>>, vector<16xf32>,
      %mul3A_426 = arith.mulf %get3A_425, %gather3A_146 : vector<16xf32>
      %get3A_427 = arith.index_cast %scan3A_142 : i32 to index
      %get3A_428 = arith.constant 368 : index
      %get3A_429 = tpu.vector_load %arg13[%get3A_427, %get3A_428] {strides = array<i32>} : memref<32x768xf32, #tpu.memory_space<vmem>>, vector<16xf32>,
      %mul3A_430 = arith.mulf %get3A_429, %gather3A_147 : vector<16xf32>
      %add3A_431 = arith.addf %mul3A_426, %mul3A_430 : vector<16xf32>
      %swap3A_432 = arith.index_cast %scan3A_142 : i32 to index
      %swap3A_433 = arith.constant 368 : index
      %swap3A_434 = tpu.vector_load %arg12[%swap3A_432, %swap3A_433] {strides = array<i32>} : memref<32x768xf32, #tpu.memory_space<vmem>>, vector<16xf32>,
      tpu.vector_store %arg12[%swap3A_432, %swap3A_433], %add3A_431 {strides = array<i32>} : memref<32x768xf32, #tpu.memory_space<vmem>>, vector<16xf32>,
      %get3A_435 = arith.index_cast %scan3A_142 : i32 to index
      %get3A_436 = arith.constant 384 : index
      %get3A_437 = tpu.vector_load %arg12[%get3A_435, %get3A_436] {strides = array<i32>} : memref<32x768xf32, #tpu.memory_space<vmem>>, vector<16xf32>,
      %mul3A_438 = arith.mulf %get3A_437, %gather3A_146 : vector<16xf32>
      %get3A_439 = arith.index_cast %scan3A_142 : i32 to index
      %get3A_440 = arith.constant 384 : index
      %get3A_441 = tpu.vector_load %arg13[%get3A_439, %get3A_440] {strides = array<i32>} : memref<32x768xf32, #tpu.memory_space<vmem>>, vector<16xf32>,
      %mul3A_442 = arith.mulf %get3A_441, %gather3A_147 : vector<16xf32>
      %add3A_443 = arith.addf %mul3A_438, %mul3A_442 : vector<16xf32>
      %swap3A_444 = arith.index_cast %scan3A_142 : i32 to index
      %swap3A_445 = arith.constant 384 : index
      %swap3A_446 = tpu.vector_load %arg12[%swap3A_444, %swap3A_445] {strides = array<i32>} : memref<32x768xf32, #tpu.memory_space<vmem>>, vector<16xf32>,
      tpu.vector_store %arg12[%swap3A_444, %swap3A_445], %add3A_443 {strides = array<i32>} : memref<32x768xf32, #tpu.memory_space<vmem>>, vector<16xf32>,
      %get3A_447 = arith.index_cast %scan3A_142 : i32 to index
      %get3A_448 = arith.constant 400 : index
      %get3A_449 = tpu.vector_load %arg12[%get3A_447, %get3A_448] {strides = array<i32>} : memref<32x768xf32, #tpu.memory_space<vmem>>, vector<16xf32>,
      %mul3A_450 = arith.mulf %get3A_449, %gather3A_146 : vector<16xf32>
      %get3A_451 = arith.index_cast %scan3A_142 : i32 to index
      %get3A_452 = arith.constant 400 : index
      %get3A_453 = tpu.vector_load %arg13[%get3A_451, %get3A_452] {strides = array<i32>} : memref<32x768xf32, #tpu.memory_space<vmem>>, vector<16xf32>,
      %mul3A_454 = arith.mulf %get3A_453, %gather3A_147 : vector<16xf32>
      %add3A_455 = arith.addf %mul3A_450, %mul3A_454 : vector<16xf32>
      %swap3A_456 = arith.index_cast %scan3A_142 : i32 to index
      %swap3A_457 = arith.constant 400 : index
      %swap3A_458 = tpu.vector_load %arg12[%swap3A_456, %swap3A_457] {strides = array<i32>} : memref<32x768xf32, #tpu.memory_space<vmem>>, vector<16xf32>,
      tpu.vector_store %arg12[%swap3A_456, %swap3A_457], %add3A_455 {strides = array<i32>} : memref<32x768xf32, #tpu.memory_space<vmem>>, vector<16xf32>,
      %get3A_459 = arith.index_cast %scan3A_142 : i32 to index
      %get3A_460 = arith.constant 416 : index
      %get3A_461 = tpu.vector_load %arg12[%get3A_459, %get3A_460] {strides = array<i32>} : memref<32x768xf32, #tpu.memory_space<vmem>>, vector<16xf32>,
      %mul3A_462 = arith.mulf %get3A_461, %gather3A_146 : vector<16xf32>
      %get3A_463 = arith.index_cast %scan3A_142 : i32 to index
      %get3A_464 = arith.constant 416 : index
      %get3A_465 = tpu.vector_load %arg13[%get3A_463, %get3A_464] {strides = array<i32>} : memref<32x768xf32, #tpu.memory_space<vmem>>, vector<16xf32>,
      %mul3A_466 = arith.mulf %get3A_465, %gather3A_147 : vector<16xf32>
      %add3A_467 = arith.addf %mul3A_462, %mul3A_466 : vector<16xf32>
      %swap3A_468 = arith.index_cast %scan3A_142 : i32 to index
      %swap3A_469 = arith.constant 416 : index
      %swap3A_470 = tpu.vector_load %arg12[%swap3A_468, %swap3A_469] {strides = array<i32>} : memref<32x768xf32, #tpu.memory_space<vmem>>, vector<16xf32>,
      tpu.vector_store %arg12[%swap3A_468, %swap3A_469], %add3A_467 {strides = array<i32>} : memref<32x768xf32, #tpu.memory_space<vmem>>, vector<16xf32>,
      %get3A_471 = arith.index_cast %scan3A_142 : i32 to index
      %get3A_472 = arith.constant 432 : index
      %get3A_473 = tpu.vector_load %arg12[%get3A_471, %get3A_472] {strides = array<i32>} : memref<32x768xf32, #tpu.memory_space<vmem>>, vector<16xf32>,
      %mul3A_474 = arith.mulf %get3A_473, %gather3A_146 : vector<16xf32>
      %get3A_475 = arith.index_cast %scan3A_142 : i32 to index
      %get3A_476 = arith.constant 432 : index
      %get3A_477 = tpu.vector_load %arg13[%get3A_475, %get3A_476] {strides = array<i32>} : memref<32x768xf32, #tpu.memory_space<vmem>>, vector<16xf32>,
      %mul3A_478 = arith.mulf %get3A_477, %gather3A_147 : vector<16xf32>
      %add3A_479 = arith.addf %mul3A_474, %mul3A_478 : vector<16xf32>
      %swap3A_480 = arith.index_cast %scan3A_142 : i32 to index
      %swap3A_481 = arith.constant 432 : index
      %swap3A_482 = tpu.vector_load %arg12[%swap3A_480, %swap3A_481] {strides = array<i32>} : memref<32x768xf32, #tpu.memory_space<vmem>>, vector<16xf32>,
      tpu.vector_store %arg12[%swap3A_480, %swap3A_481], %add3A_479 {strides = array<i32>} : memref<32x768xf32, #tpu.memory_space<vmem>>, vector<16xf32>,
      %get3A_483 = arith.index_cast %scan3A_142 : i32 to index
      %get3A_484 = arith.constant 448 : index
      %get3A_485 = tpu.vector_load %arg12[%get3A_483, %get3A_484] {strides = array<i32>} : memref<32x768xf32, #tpu.memory_space<vmem>>, vector<16xf32>,
      %mul3A_486 = arith.mulf %get3A_485, %gather3A_146 : vector<16xf32>
      %get3A_487 = arith.index_cast %scan3A_142 : i32 to index
      %get3A_488 = arith.constant 448 : index
      %get3A_489 = tpu.vector_load %arg13[%get3A_487, %get3A_488] {strides = array<i32>} : memref<32x768xf32, #tpu.memory_space<vmem>>, vector<16xf32>,
      %mul3A_490 = arith.mulf %get3A_489, %gather3A_147 : vector<16xf32>
      %add3A_491 = arith.addf %mul3A_486, %mul3A_490 : vector<16xf32>
      %swap3A_492 = arith.index_cast %scan3A_142 : i32 to index
      %swap3A_493 = arith.constant 448 : index
      %swap3A_494 = tpu.vector_load %arg12[%swap3A_492, %swap3A_493] {strides = array<i32>} : memref<32x768xf32, #tpu.memory_space<vmem>>, vector<16xf32>,
      tpu.vector_store %arg12[%swap3A_492, %swap3A_493], %add3A_491 {strides = array<i32>} : memref<32x768xf32, #tpu.memory_space<vmem>>, vector<16xf32>,
      %get3A_495 = arith.index_cast %scan3A_142 : i32 to index
      %get3A_496 = arith.constant 464 : index
      %get3A_497 = tpu.vector_load %arg12[%get3A_495, %get3A_496] {strides = array<i32>} : memref<32x768xf32, #tpu.memory_space<vmem>>, vector<16xf32>,
      %mul3A_498 = arith.mulf %get3A_497, %gather3A_146 : vector<16xf32>
      %get3A_499 = arith.index_cast %scan3A_142 : i32 to index
      %get3A_500 = arith.constant 464 : index
      %get3A_501 = tpu.vector_load %arg13[%get3A_499, %get3A_500] {strides = array<i32>} : memref<32x768xf32, #tpu.memory_space<vmem>>, vector<16xf32>,
      %mul3A_502 = arith.mulf %get3A_501, %gather3A_147 : vector<16xf32>
      %add3A_503 = arith.addf %mul3A_498, %mul3A_502 : vector<16xf32>
      %swap3A_504 = arith.index_cast %scan3A_142 : i32 to index
      %swap3A_505 = arith.constant 464 : index
      %swap3A_506 = tpu.vector_load %arg12[%swap3A_504, %swap3A_505] {strides = array<i32>} : memref<32x768xf32, #tpu.memory_space<vmem>>, vector<16xf32>,
      tpu.vector_store %arg12[%swap3A_504, %swap3A_505], %add3A_503 {strides = array<i32>} : memref<32x768xf32, #tpu.memory_space<vmem>>, vector<16xf32>,
      %get3A_507 = arith.index_cast %scan3A_142 : i32 to index
      %get3A_508 = arith.constant 480 : index
      %get3A_509 = tpu.vector_load %arg12[%get3A_507, %get3A_508] {strides = array<i32>} : memref<32x768xf32, #tpu.memory_space<vmem>>, vector<16xf32>,
      %mul3A_510 = arith.mulf %get3A_509, %gather3A_146 : vector<16xf32>
      %get3A_511 = arith.index_cast %scan3A_142 : i32 to index
      %get3A_512 = arith.constant 480 : index
      %get3A_513 = tpu.vector_load %arg13[%get3A_511, %get3A_512] {strides = array<i32>} : memref<32x768xf32, #tpu.memory_space<vmem>>, vector<16xf32>,
      %mul3A_514 = arith.mulf %get3A_513, %gather3A_147 : vector<16xf32>
      %add3A_515 = arith.addf %mul3A_510, %mul3A_514 : vector<16xf32>
      %swap3A_516 = arith.index_cast %scan3A_142 : i32 to index
      %swap3A_517 = arith.constant 480 : index
      %swap3A_518 = tpu.vector_load %arg12[%swap3A_516, %swap3A_517] {strides = array<i32>} : memref<32x768xf32, #tpu.memory_space<vmem>>, vector<16xf32>,
      tpu.vector_store %arg12[%swap3A_516, %swap3A_517], %add3A_515 {strides = array<i32>} : memref<32x768xf32, #tpu.memory_space<vmem>>, vector<16xf32>,
      %get3A_519 = arith.index_cast %scan3A_142 : i32 to index
      %get3A_520 = arith.constant 496 : index
      %get3A_521 = tpu.vector_load %arg12[%get3A_519, %get3A_520] {strides = array<i32>} : memref<32x768xf32, #tpu.memory_space<vmem>>, vector<16xf32>,
      %mul3A_522 = arith.mulf %get3A_521, %gather3A_146 : vector<16xf32>
      %get3A_523 = arith.index_cast %scan3A_142 : i32 to index
      %get3A_524 = arith.constant 496 : index
      %get3A_525 = tpu.vector_load %arg13[%get3A_523, %get3A_524] {strides = array<i32>} : memref<32x768xf32, #tpu.memory_space<vmem>>, vector<16xf32>,
      %mul3A_526 = arith.mulf %get3A_525, %gather3A_147 : vector<16xf32>
      %add3A_527 = arith.addf %mul3A_522, %mul3A_526 : vector<16xf32>
      %swap3A_528 = arith.index_cast %scan3A_142 : i32 to index
      %swap3A_529 = arith.constant 496 : index
      %swap3A_530 = tpu.vector_load %arg12[%swap3A_528, %swap3A_529] {strides = array<i32>} : memref<32x768xf32, #tpu.memory_space<vmem>>, vector<16xf32>,
      tpu.vector_store %arg12[%swap3A_528, %swap3A_529], %add3A_527 {strides = array<i32>} : memref<32x768xf32, #tpu.memory_space<vmem>>, vector<16xf32>,
      %get3A_531 = arith.index_cast %scan3A_142 : i32 to index
      %get3A_532 = arith.constant 512 : index
      %get3A_533 = tpu.vector_load %arg12[%get3A_531, %get3A_532] {strides = array<i32>} : memref<32x768xf32, #tpu.memory_space<vmem>>, vector<16xf32>,
      %mul3A_534 = arith.mulf %get3A_533, %gather3A_146 : vector<16xf32>
      %get3A_535 = arith.index_cast %scan3A_142 : i32 to index
      %get3A_536 = arith.constant 512 : index
      %get3A_537 = tpu.vector_load %arg13[%get3A_535, %get3A_536] {strides = array<i32>} : memref<32x768xf32, #tpu.memory_space<vmem>>, vector<16xf32>,
      %mul3A_538 = arith.mulf %get3A_537, %gather3A_147 : vector<16xf32>
      %add3A_539 = arith.addf %mul3A_534, %mul3A_538 : vector<16xf32>
      %swap3A_540 = arith.index_cast %scan3A_142 : i32 to index
      %swap3A_541 = arith.constant 512 : index
      %swap3A_542 = tpu.vector_load %arg12[%swap3A_540, %swap3A_541] {strides = array<i32>} : memref<32x768xf32, #tpu.memory_space<vmem>>, vector<16xf32>,
      tpu.vector_store %arg12[%swap3A_540, %swap3A_541], %add3A_539 {strides = array<i32>} : memref<32x768xf32, #tpu.memory_space<vmem>>, vector<16xf32>,
      %get3A_543 = arith.index_cast %scan3A_142 : i32 to index
      %get3A_544 = arith.constant 528 : index
      %get3A_545 = tpu.vector_load %arg12[%get3A_543, %get3A_544] {strides = array<i32>} : memref<32x768xf32, #tpu.memory_space<vmem>>, vector<16xf32>,
      %mul3A_546 = arith.mulf %get3A_545, %gather3A_146 : vector<16xf32>
      %get3A_547 = arith.index_cast %scan3A_142 : i32 to index
      %get3A_548 = arith.constant 528 : index
      %get3A_549 = tpu.vector_load %arg13[%get3A_547, %get3A_548] {strides = array<i32>} : memref<32x768xf32, #tpu.memory_space<vmem>>, vector<16xf32>,
      %mul3A_550 = arith.mulf %get3A_549, %gather3A_147 : vector<16xf32>
      %add3A_551 = arith.addf %mul3A_546, %mul3A_550 : vector<16xf32>
      %swap3A_552 = arith.index_cast %scan3A_142 : i32 to index
      %swap3A_553 = arith.constant 528 : index
      %swap3A_554 = tpu.vector_load %arg12[%swap3A_552, %swap3A_553] {strides = array<i32>} : memref<32x768xf32, #tpu.memory_space<vmem>>, vector<16xf32>,
      tpu.vector_store %arg12[%swap3A_552, %swap3A_553], %add3A_551 {strides = array<i32>} : memref<32x768xf32, #tpu.memory_space<vmem>>, vector<16xf32>,
      %get3A_555 = arith.index_cast %scan3A_142 : i32 to index
      %get3A_556 = arith.constant 544 : index
      %get3A_557 = tpu.vector_load %arg12[%get3A_555, %get3A_556] {strides = array<i32>} : memref<32x768xf32, #tpu.memory_space<vmem>>, vector<16xf32>,
      %mul3A_558 = arith.mulf %get3A_557, %gather3A_146 : vector<16xf32>
      %get3A_559 = arith.index_cast %scan3A_142 : i32 to index
      %get3A_560 = arith.constant 544 : index
      %get3A_561 = tpu.vector_load %arg13[%get3A_559, %get3A_560] {strides = array<i32>} : memref<32x768xf32, #tpu.memory_space<vmem>>, vector<16xf32>,
      %mul3A_562 = arith.mulf %get3A_561, %gather3A_147 : vector<16xf32>
      %add3A_563 = arith.addf %mul3A_558, %mul3A_562 : vector<16xf32>
      %swap3A_564 = arith.index_cast %scan3A_142 : i32 to index
      %swap3A_565 = arith.constant 544 : index
      %swap3A_566 = tpu.vector_load %arg12[%swap3A_564, %swap3A_565] {strides = array<i32>} : memref<32x768xf32, #tpu.memory_space<vmem>>, vector<16xf32>,
      tpu.vector_store %arg12[%swap3A_564, %swap3A_565], %add3A_563 {strides = array<i32>} : memref<32x768xf32, #tpu.memory_space<vmem>>, vector<16xf32>,
      %get3A_567 = arith.index_cast %scan3A_142 : i32 to index
      %get3A_568 = arith.constant 560 : index
      %get3A_569 = tpu.vector_load %arg12[%get3A_567, %get3A_568] {strides = array<i32>} : memref<32x768xf32, #tpu.memory_space<vmem>>, vector<16xf32>,
      %mul3A_570 = arith.mulf %get3A_569, %gather3A_146 : vector<16xf32>
      %get3A_571 = arith.index_cast %scan3A_142 : i32 to index
      %get3A_572 = arith.constant 560 : index
      %get3A_573 = tpu.vector_load %arg13[%get3A_571, %get3A_572] {strides = array<i32>} : memref<32x768xf32, #tpu.memory_space<vmem>>, vector<16xf32>,
      %mul3A_574 = arith.mulf %get3A_573, %gather3A_147 : vector<16xf32>
      %add3A_575 = arith.addf %mul3A_570, %mul3A_574 : vector<16xf32>
      %swap3A_576 = arith.index_cast %scan3A_142 : i32 to index
      %swap3A_577 = arith.constant 560 : index
      %swap3A_578 = tpu.vector_load %arg12[%swap3A_576, %swap3A_577] {strides = array<i32>} : memref<32x768xf32, #tpu.memory_space<vmem>>, vector<16xf32>,
      tpu.vector_store %arg12[%swap3A_576, %swap3A_577], %add3A_575 {strides = array<i32>} : memref<32x768xf32, #tpu.memory_space<vmem>>, vector<16xf32>,
      %get3A_579 = arith.index_cast %scan3A_142 : i32 to index
      %get3A_580 = arith.constant 576 : index
      %get3A_581 = tpu.vector_load %arg12[%get3A_579, %get3A_580] {strides = array<i32>} : memref<32x768xf32, #tpu.memory_space<vmem>>, vector<16xf32>,
      %mul3A_582 = arith.mulf %get3A_581, %gather3A_146 : vector<16xf32>
      %get3A_583 = arith.index_cast %scan3A_142 : i32 to index
      %get3A_584 = arith.constant 576 : index
      %get3A_585 = tpu.vector_load %arg13[%get3A_583, %get3A_584] {strides = array<i32>} : memref<32x768xf32, #tpu.memory_space<vmem>>, vector<16xf32>,
      %mul3A_586 = arith.mulf %get3A_585, %gather3A_147 : vector<16xf32>
      %add3A_587 = arith.addf %mul3A_582, %mul3A_586 : vector<16xf32>
      %swap3A_588 = arith.index_cast %scan3A_142 : i32 to index
      %swap3A_589 = arith.constant 576 : index
      %swap3A_590 = tpu.vector_load %arg12[%swap3A_588, %swap3A_589] {strides = array<i32>} : memref<32x768xf32, #tpu.memory_space<vmem>>, vector<16xf32>,
      tpu.vector_store %arg12[%swap3A_588, %swap3A_589], %add3A_587 {strides = array<i32>} : memref<32x768xf32, #tpu.memory_space<vmem>>, vector<16xf32>,
      %get3A_591 = arith.index_cast %scan3A_142 : i32 to index
      %get3A_592 = arith.constant 592 : index
      %get3A_593 = tpu.vector_load %arg12[%get3A_591, %get3A_592] {strides = array<i32>} : memref<32x768xf32, #tpu.memory_space<vmem>>, vector<16xf32>,
      %mul3A_594 = arith.mulf %get3A_593, %gather3A_146 : vector<16xf32>
      %get3A_595 = arith.index_cast %scan3A_142 : i32 to index
      %get3A_596 = arith.constant 592 : index
      %get3A_597 = tpu.vector_load %arg13[%get3A_595, %get3A_596] {strides = array<i32>} : memref<32x768xf32, #tpu.memory_space<vmem>>, vector<16xf32>,
      %mul3A_598 = arith.mulf %get3A_597, %gather3A_147 : vector<16xf32>
      %add3A_599 = arith.addf %mul3A_594, %mul3A_598 : vector<16xf32>
      %swap3A_600 = arith.index_cast %scan3A_142 : i32 to index
      %swap3A_601 = arith.constant 592 : index
      %swap3A_602 = tpu.vector_load %arg12[%swap3A_600, %swap3A_601] {strides = array<i32>} : memref<32x768xf32, #tpu.memory_space<vmem>>, vector<16xf32>,
      tpu.vector_store %arg12[%swap3A_600, %swap3A_601], %add3A_599 {strides = array<i32>} : memref<32x768xf32, #tpu.memory_space<vmem>>, vector<16xf32>,
      %get3A_603 = arith.index_cast %scan3A_142 : i32 to index
      %get3A_604 = arith.constant 608 : index
      %get3A_605 = tpu.vector_load %arg12[%get3A_603, %get3A_604] {strides = array<i32>} : memref<32x768xf32, #tpu.memory_space<vmem>>, vector<16xf32>,
      %mul3A_606 = arith.mulf %get3A_605, %gather3A_146 : vector<16xf32>
      %get3A_607 = arith.index_cast %scan3A_142 : i32 to index
      %get3A_608 = arith.constant 608 : index
      %get3A_609 = tpu.vector_load %arg13[%get3A_607, %get3A_608] {strides = array<i32>} : memref<32x768xf32, #tpu.memory_space<vmem>>, vector<16xf32>,
      %mul3A_610 = arith.mulf %get3A_609, %gather3A_147 : vector<16xf32>
      %add3A_611 = arith.addf %mul3A_606, %mul3A_610 : vector<16xf32>
      %swap3A_612 = arith.index_cast %scan3A_142 : i32 to index
      %swap3A_613 = arith.constant 608 : index
      %swap3A_614 = tpu.vector_load %arg12[%swap3A_612, %swap3A_613] {strides = array<i32>} : memref<32x768xf32, #tpu.memory_space<vmem>>, vector<16xf32>,
      tpu.vector_store %arg12[%swap3A_612, %swap3A_613], %add3A_611 {strides = array<i32>} : memref<32x768xf32, #tpu.memory_space<vmem>>, vector<16xf32>,
      %get3A_615 = arith.index_cast %scan3A_142 : i32 to index
      %get3A_616 = arith.constant 624 : index
      %get3A_617 = tpu.vector_load %arg12[%get3A_615, %get3A_616] {strides = array<i32>} : memref<32x768xf32, #tpu.memory_space<vmem>>, vector<16xf32>,
      %mul3A_618 = arith.mulf %get3A_617, %gather3A_146 : vector<16xf32>
      %get3A_619 = arith.index_cast %scan3A_142 : i32 to index
      %get3A_620 = arith.constant 624 : index
      %get3A_621 = tpu.vector_load %arg13[%get3A_619, %get3A_620] {strides = array<i32>} : memref<32x768xf32, #tpu.memory_space<vmem>>, vector<16xf32>,
      %mul3A_622 = arith.mulf %get3A_621, %gather3A_147 : vector<16xf32>
      %add3A_623 = arith.addf %mul3A_618, %mul3A_622 : vector<16xf32>
      %swap3A_624 = arith.index_cast %scan3A_142 : i32 to index
      %swap3A_625 = arith.constant 624 : index
      %swap3A_626 = tpu.vector_load %arg12[%swap3A_624, %swap3A_625] {strides = array<i32>} : memref<32x768xf32, #tpu.memory_space<vmem>>, vector<16xf32>,
      tpu.vector_store %arg12[%swap3A_624, %swap3A_625], %add3A_623 {strides = array<i32>} : memref<32x768xf32, #tpu.memory_space<vmem>>, vector<16xf32>,
      %get3A_627 = arith.index_cast %scan3A_142 : i32 to index
      %get3A_628 = arith.constant 640 : index
      %get3A_629 = tpu.vector_load %arg12[%get3A_627, %get3A_628] {strides = array<i32>} : memref<32x768xf32, #tpu.memory_space<vmem>>, vector<16xf32>,
      %mul3A_630 = arith.mulf %get3A_629, %gather3A_146 : vector<16xf32>
      %get3A_631 = arith.index_cast %scan3A_142 : i32 to index
      %get3A_632 = arith.constant 640 : index
      %get3A_633 = tpu.vector_load %arg13[%get3A_631, %get3A_632] {strides = array<i32>} : memref<32x768xf32, #tpu.memory_space<vmem>>, vector<16xf32>,
      %mul3A_634 = arith.mulf %get3A_633, %gather3A_147 : vector<16xf32>
      %add3A_635 = arith.addf %mul3A_630, %mul3A_634 : vector<16xf32>
      %swap3A_636 = arith.index_cast %scan3A_142 : i32 to index
      %swap3A_637 = arith.constant 640 : index
      %swap3A_638 = tpu.vector_load %arg12[%swap3A_636, %swap3A_637] {strides = array<i32>} : memref<32x768xf32, #tpu.memory_space<vmem>>, vector<16xf32>,
      tpu.vector_store %arg12[%swap3A_636, %swap3A_637], %add3A_635 {strides = array<i32>} : memref<32x768xf32, #tpu.memory_space<vmem>>, vector<16xf32>,
      %get3A_639 = arith.index_cast %scan3A_142 : i32 to index
      %get3A_640 = arith.constant 656 : index
      %get3A_641 = tpu.vector_load %arg12[%get3A_639, %get3A_640] {strides = array<i32>} : memref<32x768xf32, #tpu.memory_space<vmem>>, vector<16xf32>,
      %mul3A_642 = arith.mulf %get3A_641, %gather3A_146 : vector<16xf32>
      %get3A_643 = arith.index_cast %scan3A_142 : i32 to index
      %get3A_644 = arith.constant 656 : index
      %get3A_645 = tpu.vector_load %arg13[%get3A_643, %get3A_644] {strides = array<i32>} : memref<32x768xf32, #tpu.memory_space<vmem>>, vector<16xf32>,
      %mul3A_646 = arith.mulf %get3A_645, %gather3A_147 : vector<16xf32>
      %add3A_647 = arith.addf %mul3A_642, %mul3A_646 : vector<16xf32>
      %swap3A_648 = arith.index_cast %scan3A_142 : i32 to index
      %swap3A_649 = arith.constant 656 : index
      %swap3A_650 = tpu.vector_load %arg12[%swap3A_648, %swap3A_649] {strides = array<i32>} : memref<32x768xf32, #tpu.memory_space<vmem>>, vector<16xf32>,
      tpu.vector_store %arg12[%swap3A_648, %swap3A_649], %add3A_647 {strides = array<i32>} : memref<32x768xf32, #tpu.memory_space<vmem>>, vector<16xf32>,
      %get3A_651 = arith.index_cast %scan3A_142 : i32 to index
      %get3A_652 = arith.constant 672 : index
      %get3A_653 = tpu.vector_load %arg12[%get3A_651, %get3A_652] {strides = array<i32>} : memref<32x768xf32, #tpu.memory_space<vmem>>, vector<16xf32>,
      %mul3A_654 = arith.mulf %get3A_653, %gather3A_146 : vector<16xf32>
      %get3A_655 = arith.index_cast %scan3A_142 : i32 to index
      %get3A_656 = arith.constant 672 : index
      %get3A_657 = tpu.vector_load %arg13[%get3A_655, %get3A_656] {strides = array<i32>} : memref<32x768xf32, #tpu.memory_space<vmem>>, vector<16xf32>,
      %mul3A_658 = arith.mulf %get3A_657, %gather3A_147 : vector<16xf32>
      %add3A_659 = arith.addf %mul3A_654, %mul3A_658 : vector<16xf32>
      %swap3A_660 = arith.index_cast %scan3A_142 : i32 to index
      %swap3A_661 = arith.constant 672 : index
      %swap3A_662 = tpu.vector_load %arg12[%swap3A_660, %swap3A_661] {strides = array<i32>} : memref<32x768xf32, #tpu.memory_space<vmem>>, vector<16xf32>,
      tpu.vector_store %arg12[%swap3A_660, %swap3A_661], %add3A_659 {strides = array<i32>} : memref<32x768xf32, #tpu.memory_space<vmem>>, vector<16xf32>,
      %get3A_663 = arith.index_cast %scan3A_142 : i32 to index
      %get3A_664 = arith.constant 688 : index
      %get3A_665 = tpu.vector_load %arg12[%get3A_663, %get3A_664] {strides = array<i32>} : memref<32x768xf32, #tpu.memory_space<vmem>>, vector<16xf32>,
      %mul3A_666 = arith.mulf %get3A_665, %gather3A_146 : vector<16xf32>
      %get3A_667 = arith.index_cast %scan3A_142 : i32 to index
      %get3A_668 = arith.constant 688 : index
      %get3A_669 = tpu.vector_load %arg13[%get3A_667, %get3A_668] {strides = array<i32>} : memref<32x768xf32, #tpu.memory_space<vmem>>, vector<16xf32>,
      %mul3A_670 = arith.mulf %get3A_669, %gather3A_147 : vector<16xf32>
      %add3A_671 = arith.addf %mul3A_666, %mul3A_670 : vector<16xf32>
      %swap3A_672 = arith.index_cast %scan3A_142 : i32 to index
      %swap3A_673 = arith.constant 688 : index
      %swap3A_674 = tpu.vector_load %arg12[%swap3A_672, %swap3A_673] {strides = array<i32>} : memref<32x768xf32, #tpu.memory_space<vmem>>, vector<16xf32>,
      tpu.vector_store %arg12[%swap3A_672, %swap3A_673], %add3A_671 {strides = array<i32>} : memref<32x768xf32, #tpu.memory_space<vmem>>, vector<16xf32>,
      %get3A_675 = arith.index_cast %scan3A_142 : i32 to index
      %get3A_676 = arith.constant 704 : index
      %get3A_677 = tpu.vector_load %arg12[%get3A_675, %get3A_676] {strides = array<i32>} : memref<32x768xf32, #tpu.memory_space<vmem>>, vector<16xf32>,
      %mul3A_678 = arith.mulf %get3A_677, %gather3A_146 : vector<16xf32>
      %get3A_679 = arith.index_cast %scan3A_142 : i32 to index
      %get3A_680 = arith.constant 704 : index
      %get3A_681 = tpu.vector_load %arg13[%get3A_679, %get3A_680] {strides = array<i32>} : memref<32x768xf32, #tpu.memory_space<vmem>>, vector<16xf32>,
      %mul3A_682 = arith.mulf %get3A_681, %gather3A_147 : vector<16xf32>
      %add3A_683 = arith.addf %mul3A_678, %mul3A_682 : vector<16xf32>
      %swap3A_684 = arith.index_cast %scan3A_142 : i32 to index
      %swap3A_685 = arith.constant 704 : index
      %swap3A_686 = tpu.vector_load %arg12[%swap3A_684, %swap3A_685] {strides = array<i32>} : memref<32x768xf32, #tpu.memory_space<vmem>>, vector<16xf32>,
      tpu.vector_store %arg12[%swap3A_684, %swap3A_685], %add3A_683 {strides = array<i32>} : memref<32x768xf32, #tpu.memory_space<vmem>>, vector<16xf32>,
      %get3A_687 = arith.index_cast %scan3A_142 : i32 to index
      %get3A_688 = arith.constant 720 : index
      %get3A_689 = tpu.vector_load %arg12[%get3A_687, %get3A_688] {strides = array<i32>} : memref<32x768xf32, #tpu.memory_space<vmem>>, vector<16xf32>,
      %mul3A_690 = arith.mulf %get3A_689, %gather3A_146 : vector<16xf32>
      %get3A_691 = arith.index_cast %scan3A_142 : i32 to index
      %get3A_692 = arith.constant 720 : index
      %get3A_693 = tpu.vector_load %arg13[%get3A_691, %get3A_692] {strides = array<i32>} : memref<32x768xf32, #tpu.memory_space<vmem>>, vector<16xf32>,
      %mul3A_694 = arith.mulf %get3A_693, %gather3A_147 : vector<16xf32>
      %add3A_695 = arith.addf %mul3A_690, %mul3A_694 : vector<16xf32>
      %swap3A_696 = arith.index_cast %scan3A_142 : i32 to index
      %swap3A_697 = arith.constant 720 : index
      %swap3A_698 = tpu.vector_load %arg12[%swap3A_696, %swap3A_697] {strides = array<i32>} : memref<32x768xf32, #tpu.memory_space<vmem>>, vector<16xf32>,
      tpu.vector_store %arg12[%swap3A_696, %swap3A_697], %add3A_695 {strides = array<i32>} : memref<32x768xf32, #tpu.memory_space<vmem>>, vector<16xf32>,
      %get3A_699 = arith.index_cast %scan3A_142 : i32 to index
      %get3A_700 = arith.constant 736 : index
      %get3A_701 = tpu.vector_load %arg12[%get3A_699, %get3A_700] {strides = array<i32>} : memref<32x768xf32, #tpu.memory_space<vmem>>, vector<16xf32>,
      %mul3A_702 = arith.mulf %get3A_701, %gather3A_146 : vector<16xf32>
      %get3A_703 = arith.index_cast %scan3A_142 : i32 to index
      %get3A_704 = arith.constant 736 : index
      %get3A_705 = tpu.vector_load %arg13[%get3A_703, %get3A_704] {strides = array<i32>} : memref<32x768xf32, #tpu.memory_space<vmem>>, vector<16xf32>,
      %mul3A_706 = arith.mulf %get3A_705, %gather3A_147 : vector<16xf32>
      %add3A_707 = arith.addf %mul3A_702, %mul3A_706 : vector<16xf32>
      %swap3A_708 = arith.index_cast %scan3A_142 : i32 to index
      %swap3A_709 = arith.constant 736 : index
      %swap3A_710 = tpu.vector_load %arg12[%swap3A_708, %swap3A_709] {strides = array<i32>} : memref<32x768xf32, #tpu.memory_space<vmem>>, vector<16xf32>,
      tpu.vector_store %arg12[%swap3A_708, %swap3A_709], %add3A_707 {strides = array<i32>} : memref<32x768xf32, #tpu.memory_space<vmem>>, vector<16xf32>,
      %get3A_711 = arith.index_cast %scan3A_142 : i32 to index
      %get3A_712 = arith.constant 752 : index
      %get3A_713 = tpu.vector_load %arg12[%get3A_711, %get3A_712] {strides = array<i32>} : memref<32x768xf32, #tpu.memory_space<vmem>>, vector<16xf32>,
      %mul3A_714 = arith.mulf %get3A_713, %gather3A_146 : vector<16xf32>
      %get3A_715 = arith.index_cast %scan3A_142 : i32 to index
      %get3A_716 = arith.constant 752 : index
      %get3A_717 = tpu.vector_load %arg13[%get3A_715, %get3A_716] {strides = array<i32>} : memref<32x768xf32, #tpu.memory_space<vmem>>, vector<16xf32>,
      %mul3A_718 = arith.mulf %get3A_717, %gather3A_147 : vector<16xf32>
      %add3A_719 = arith.addf %mul3A_714, %mul3A_718 : vector<16xf32>
      %swap3A_720 = arith.index_cast %scan3A_142 : i32 to index
      %swap3A_721 = arith.constant 752 : index
      %swap3A_722 = tpu.vector_load %arg12[%swap3A_720, %swap3A_721] {strides = array<i32>} : memref<32x768xf32, #tpu.memory_space<vmem>>, vector<16xf32>,
      tpu.vector_store %arg12[%swap3A_720, %swap3A_721], %add3A_719 {strides = array<i32>} : memref<32x768xf32, #tpu.memory_space<vmem>>, vector<16xf32>,
    }
    %scan3A_121 = arith.constant 32 : i32
    %add3A_122 = arith.constant 0 : i32
    %add3A_123 = arith.addi %mul3A_2, %add3A_122 : i32
    "tpu.region"() ({
      %run_scoped3A = tpu.sem_alloc : memref<!tpu.dma_semaphore, #tpu.memory_space<semaphore_mem>>
      %dma_start3A_142 = arith.constant 0 : i32
      %dma_start3A_143 = tpu.memref_slice %arg5[%add3A_123, %dma_start3A_142] : memref<2048x768xf32, #tpu.memory_space<hbm>> -> memref<32x768xf32, #tpu.memory_space<hbm>>
      %dma_start3A_144 = arith.constant 0 : i32
      %dma_start3A_145 = tpu.memref_slice %arg5[%add3A_123, %dma_start3A_144] : memref<2048x768xf32, #tpu.memory_space<hbm>> -> memref<32x768xf32, #tpu.memory_space<hbm>>
      tpu.enqueue_dma source(%arg12 : memref<32x768xf32, #tpu.memory_space<vmem>>) target(%dma_start3A_145 : memref<32x768xf32, #tpu.memory_space<hbm>>) target_semaphore(%run_scoped3A : memref<!tpu.dma_semaphore, #tpu.memory_space<semaphore_mem>>)
      %dma_wait3A_146 = arith.constant 0 : i32
      %dma_wait3A_147 = tpu.memref_slice %arg5[%add3A_123, %dma_wait3A_146] : memref<2048x768xf32, #tpu.memory_space<hbm>> -> memref<32x768xf32, #tpu.memory_space<hbm>>
      %dma_wait3A_148 = arith.constant 0 : i32
      %dma_wait3A_149 = tpu.memref_slice %arg5[%add3A_123, %dma_wait3A_148] : memref<2048x768xf32, #tpu.memory_space<hbm>> -> memref<32x768xf32, #tpu.memory_space<hbm>>
      tpu.wait_dma2 semaphore(%run_scoped3A : memref<!tpu.dma_semaphore, #tpu.memory_space<semaphore_mem>>) src(%arg12 : memref<32x768xf32, #tpu.memory_space<vmem>>) dst(%dma_wait3A_149 : memref<32x768xf32, #tpu.memory_space<hbm>>)
      tpu.yield
    }) : () -> ()
    %dma_wait3A_124 = arith.constant 32 : i32
    %dma_wait3A_125 = tpu.memref_slice %arg8[%dma_wait3A_124] : memref<64xi32, #tpu.memory_space<vmem>> -> memref<32xi32, #tpu.memory_space<vmem>>
    %dma_wait3A_126 = arith.constant 0 : i32
    %dma_wait3A_127 = arith.constant 0 : i32
    %dma_wait3A_128 = tpu.memref_slice %arg2[%dma_wait3A_126, %dma_wait3A_127] : memref<6144x768xf32, #tpu.memory_space<hbm>> -> memref<6144x768xf32, #tpu.memory_space<hbm>>
    tpu.wait_indirect_dma semaphore(%arg16 : memref<!tpu.dma_semaphore, #tpu.memory_space<semaphore_mem>>) src(%dma_wait3A_128 : memref<6144x768xf32, #tpu.memory_space<hbm>>) dst(%arg14 : memref<32x768xf32, #tpu.memory_space<vmem>>)
    %dma_wait3A_129 = arith.constant 32 : i32
    %dma_wait3A_130 = tpu.memref_slice %arg9[%dma_wait3A_129] : memref<64xi32, #tpu.memory_space<vmem>> -> memref<32xi32, #tpu.memory_space<vmem>>
    %dma_wait3A_131 = arith.constant 0 : i32
    %dma_wait3A_132 = arith.constant 0 : i32
    %dma_wait3A_133 = tpu.memref_slice %arg2[%dma_wait3A_131, %dma_wait3A_132] : memref<6144x768xf32, #tpu.memory_space<hbm>> -> memref<6144x768xf32, #tpu.memory_space<hbm>>
    tpu.wait_indirect_dma semaphore(%arg16 : memref<!tpu.dma_semaphore, #tpu.memory_space<semaphore_mem>>) src(%dma_wait3A_133 : memref<6144x768xf32, #tpu.memory_space<hbm>>) dst(%arg15 : memref<32x768xf32, #tpu.memory_space<vmem>>)
    %scan3A_134 = arith.constant 0 : i32
    %scan3A_135 = arith.constant 0 : i32
    %scan3A_136 = arith.constant 32 : i32
    %scan3A_137 = arith.addi %scan3A_135, %scan3A_136 : i32
    %scan3A_138 = arith.constant 1 : i32
    scf.for %scan3A_142 = %scan3A_135 to %scan3A_137 step %scan3A_138  : i32 {
      %add3A_143 = arith.constant 32 : i32
      %add3A_144 = arith.addi %add3A_143, %scan3A_142 : i32
      %broadcast_in_dim3A_145 = vector.broadcast %add3A_144 : i32 to vector<16xi32>
      %gather3A_146 = tpu.vector_load_idx %arg10[%broadcast_in_dim3A_145] : memref<64xf32, #tpu.memory_space<vmem>>[vector<16xi32>], vector<16xf32>,
      %gather3A_147 = tpu.vector_load_idx %arg11[%broadcast_in_dim3A_145] : memref<64xf32, #tpu.memory_space<vmem>>[vector<16xi32>], vector<16xf32>,
      %get3A = arith.index_cast %scan3A_142 : i32 to index
      %get3A_148 = arith.constant 0 : index
      %get3A_149 = tpu.vector_load %arg14[%get3A, %get3A_148] {strides = array<i32>} : memref<32x768xf32, #tpu.memory_space<vmem>>, vector<16xf32>,
      %mul3A_150 = arith.mulf %get3A_149, %gather3A_146 : vector<16xf32>
      %get3A_151 = arith.index_cast %scan3A_142 : i32 to index
      %get3A_152 = arith.constant 0 : index
      %get3A_153 = tpu.vector_load %arg15[%get3A_151, %get3A_152] {strides = array<i32>} : memref<32x768xf32, #tpu.memory_space<vmem>>, vector<16xf32>,
      %mul3A_154 = arith.mulf %get3A_153, %gather3A_147 : vector<16xf32>
      %add3A_155 = arith.addf %mul3A_150, %mul3A_154 : vector<16xf32>
      %swap3A_156 = arith.index_cast %scan3A_142 : i32 to index
      %swap3A_157 = arith.constant 0 : index
      %swap3A_158 = tpu.vector_load %arg14[%swap3A_156, %swap3A_157] {strides = array<i32>} : memref<32x768xf32, #tpu.memory_space<vmem>>, vector<16xf32>,
      tpu.vector_store %arg14[%swap3A_156, %swap3A_157], %add3A_155 {strides = array<i32>} : memref<32x768xf32, #tpu.memory_space<vmem>>, vector<16xf32>,
      %get3A_159 = arith.index_cast %scan3A_142 : i32 to index
      %get3A_160 = arith.constant 16 : index
      %get3A_161 = tpu.vector_load %arg14[%get3A_159, %get3A_160] {strides = array<i32>} : memref<32x768xf32, #tpu.memory_space<vmem>>, vector<16xf32>,
      %mul3A_162 = arith.mulf %get3A_161, %gather3A_146 : vector<16xf32>
      %get3A_163 = arith.index_cast %scan3A_142 : i32 to index
      %get3A_164 = arith.constant 16 : index
      %get3A_165 = tpu.vector_load %arg15[%get3A_163, %get3A_164] {strides = array<i32>} : memref<32x768xf32, #tpu.memory_space<vmem>>, vector<16xf32>,
      %mul3A_166 = arith.mulf %get3A_165, %gather3A_147 : vector<16xf32>
      %add3A_167 = arith.addf %mul3A_162, %mul3A_166 : vector<16xf32>
      %swap3A_168 = arith.index_cast %scan3A_142 : i32 to index
      %swap3A_169 = arith.constant 16 : index
      %swap3A_170 = tpu.vector_load %arg14[%swap3A_168, %swap3A_169] {strides = array<i32>} : memref<32x768xf32, #tpu.memory_space<vmem>>, vector<16xf32>,
      tpu.vector_store %arg14[%swap3A_168, %swap3A_169], %add3A_167 {strides = array<i32>} : memref<32x768xf32, #tpu.memory_space<vmem>>, vector<16xf32>,
      %get3A_171 = arith.index_cast %scan3A_142 : i32 to index
      %get3A_172 = arith.constant 32 : index
      %get3A_173 = tpu.vector_load %arg14[%get3A_171, %get3A_172] {strides = array<i32>} : memref<32x768xf32, #tpu.memory_space<vmem>>, vector<16xf32>,
      %mul3A_174 = arith.mulf %get3A_173, %gather3A_146 : vector<16xf32>
      %get3A_175 = arith.index_cast %scan3A_142 : i32 to index
      %get3A_176 = arith.constant 32 : index
      %get3A_177 = tpu.vector_load %arg15[%get3A_175, %get3A_176] {strides = array<i32>} : memref<32x768xf32, #tpu.memory_space<vmem>>, vector<16xf32>,
      %mul3A_178 = arith.mulf %get3A_177, %gather3A_147 : vector<16xf32>
      %add3A_179 = arith.addf %mul3A_174, %mul3A_178 : vector<16xf32>
      %swap3A_180 = arith.index_cast %scan3A_142 : i32 to index
      %swap3A_181 = arith.constant 32 : index
      %swap3A_182 = tpu.vector_load %arg14[%swap3A_180, %swap3A_181] {strides = array<i32>} : memref<32x768xf32, #tpu.memory_space<vmem>>, vector<16xf32>,
      tpu.vector_store %arg14[%swap3A_180, %swap3A_181], %add3A_179 {strides = array<i32>} : memref<32x768xf32, #tpu.memory_space<vmem>>, vector<16xf32>,
      %get3A_183 = arith.index_cast %scan3A_142 : i32 to index
      %get3A_184 = arith.constant 48 : index
      %get3A_185 = tpu.vector_load %arg14[%get3A_183, %get3A_184] {strides = array<i32>} : memref<32x768xf32, #tpu.memory_space<vmem>>, vector<16xf32>,
      %mul3A_186 = arith.mulf %get3A_185, %gather3A_146 : vector<16xf32>
      %get3A_187 = arith.index_cast %scan3A_142 : i32 to index
      %get3A_188 = arith.constant 48 : index
      %get3A_189 = tpu.vector_load %arg15[%get3A_187, %get3A_188] {strides = array<i32>} : memref<32x768xf32, #tpu.memory_space<vmem>>, vector<16xf32>,
      %mul3A_190 = arith.mulf %get3A_189, %gather3A_147 : vector<16xf32>
      %add3A_191 = arith.addf %mul3A_186, %mul3A_190 : vector<16xf32>
      %swap3A_192 = arith.index_cast %scan3A_142 : i32 to index
      %swap3A_193 = arith.constant 48 : index
      %swap3A_194 = tpu.vector_load %arg14[%swap3A_192, %swap3A_193] {strides = array<i32>} : memref<32x768xf32, #tpu.memory_space<vmem>>, vector<16xf32>,
      tpu.vector_store %arg14[%swap3A_192, %swap3A_193], %add3A_191 {strides = array<i32>} : memref<32x768xf32, #tpu.memory_space<vmem>>, vector<16xf32>,
      %get3A_195 = arith.index_cast %scan3A_142 : i32 to index
      %get3A_196 = arith.constant 64 : index
      %get3A_197 = tpu.vector_load %arg14[%get3A_195, %get3A_196] {strides = array<i32>} : memref<32x768xf32, #tpu.memory_space<vmem>>, vector<16xf32>,
      %mul3A_198 = arith.mulf %get3A_197, %gather3A_146 : vector<16xf32>
      %get3A_199 = arith.index_cast %scan3A_142 : i32 to index
      %get3A_200 = arith.constant 64 : index
      %get3A_201 = tpu.vector_load %arg15[%get3A_199, %get3A_200] {strides = array<i32>} : memref<32x768xf32, #tpu.memory_space<vmem>>, vector<16xf32>,
      %mul3A_202 = arith.mulf %get3A_201, %gather3A_147 : vector<16xf32>
      %add3A_203 = arith.addf %mul3A_198, %mul3A_202 : vector<16xf32>
      %swap3A_204 = arith.index_cast %scan3A_142 : i32 to index
      %swap3A_205 = arith.constant 64 : index
      %swap3A_206 = tpu.vector_load %arg14[%swap3A_204, %swap3A_205] {strides = array<i32>} : memref<32x768xf32, #tpu.memory_space<vmem>>, vector<16xf32>,
      tpu.vector_store %arg14[%swap3A_204, %swap3A_205], %add3A_203 {strides = array<i32>} : memref<32x768xf32, #tpu.memory_space<vmem>>, vector<16xf32>,
      %get3A_207 = arith.index_cast %scan3A_142 : i32 to index
      %get3A_208 = arith.constant 80 : index
      %get3A_209 = tpu.vector_load %arg14[%get3A_207, %get3A_208] {strides = array<i32>} : memref<32x768xf32, #tpu.memory_space<vmem>>, vector<16xf32>,
      %mul3A_210 = arith.mulf %get3A_209, %gather3A_146 : vector<16xf32>
      %get3A_211 = arith.index_cast %scan3A_142 : i32 to index
      %get3A_212 = arith.constant 80 : index
      %get3A_213 = tpu.vector_load %arg15[%get3A_211, %get3A_212] {strides = array<i32>} : memref<32x768xf32, #tpu.memory_space<vmem>>, vector<16xf32>,
      %mul3A_214 = arith.mulf %get3A_213, %gather3A_147 : vector<16xf32>
      %add3A_215 = arith.addf %mul3A_210, %mul3A_214 : vector<16xf32>
      %swap3A_216 = arith.index_cast %scan3A_142 : i32 to index
      %swap3A_217 = arith.constant 80 : index
      %swap3A_218 = tpu.vector_load %arg14[%swap3A_216, %swap3A_217] {strides = array<i32>} : memref<32x768xf32, #tpu.memory_space<vmem>>, vector<16xf32>,
      tpu.vector_store %arg14[%swap3A_216, %swap3A_217], %add3A_215 {strides = array<i32>} : memref<32x768xf32, #tpu.memory_space<vmem>>, vector<16xf32>,
      %get3A_219 = arith.index_cast %scan3A_142 : i32 to index
      %get3A_220 = arith.constant 96 : index
      %get3A_221 = tpu.vector_load %arg14[%get3A_219, %get3A_220] {strides = array<i32>} : memref<32x768xf32, #tpu.memory_space<vmem>>, vector<16xf32>,
      %mul3A_222 = arith.mulf %get3A_221, %gather3A_146 : vector<16xf32>
      %get3A_223 = arith.index_cast %scan3A_142 : i32 to index
      %get3A_224 = arith.constant 96 : index
      %get3A_225 = tpu.vector_load %arg15[%get3A_223, %get3A_224] {strides = array<i32>} : memref<32x768xf32, #tpu.memory_space<vmem>>, vector<16xf32>,
      %mul3A_226 = arith.mulf %get3A_225, %gather3A_147 : vector<16xf32>
      %add3A_227 = arith.addf %mul3A_222, %mul3A_226 : vector<16xf32>
      %swap3A_228 = arith.index_cast %scan3A_142 : i32 to index
      %swap3A_229 = arith.constant 96 : index
      %swap3A_230 = tpu.vector_load %arg14[%swap3A_228, %swap3A_229] {strides = array<i32>} : memref<32x768xf32, #tpu.memory_space<vmem>>, vector<16xf32>,
      tpu.vector_store %arg14[%swap3A_228, %swap3A_229], %add3A_227 {strides = array<i32>} : memref<32x768xf32, #tpu.memory_space<vmem>>, vector<16xf32>,
      %get3A_231 = arith.index_cast %scan3A_142 : i32 to index
      %get3A_232 = arith.constant 112 : index
      %get3A_233 = tpu.vector_load %arg14[%get3A_231, %get3A_232] {strides = array<i32>} : memref<32x768xf32, #tpu.memory_space<vmem>>, vector<16xf32>,
      %mul3A_234 = arith.mulf %get3A_233, %gather3A_146 : vector<16xf32>
      %get3A_235 = arith.index_cast %scan3A_142 : i32 to index
      %get3A_236 = arith.constant 112 : index
      %get3A_237 = tpu.vector_load %arg15[%get3A_235, %get3A_236] {strides = array<i32>} : memref<32x768xf32, #tpu.memory_space<vmem>>, vector<16xf32>,
      %mul3A_238 = arith.mulf %get3A_237, %gather3A_147 : vector<16xf32>
      %add3A_239 = arith.addf %mul3A_234, %mul3A_238 : vector<16xf32>
      %swap3A_240 = arith.index_cast %scan3A_142 : i32 to index
      %swap3A_241 = arith.constant 112 : index
      %swap3A_242 = tpu.vector_load %arg14[%swap3A_240, %swap3A_241] {strides = array<i32>} : memref<32x768xf32, #tpu.memory_space<vmem>>, vector<16xf32>,
      tpu.vector_store %arg14[%swap3A_240, %swap3A_241], %add3A_239 {strides = array<i32>} : memref<32x768xf32, #tpu.memory_space<vmem>>, vector<16xf32>,
      %get3A_243 = arith.index_cast %scan3A_142 : i32 to index
      %get3A_244 = arith.constant 128 : index
      %get3A_245 = tpu.vector_load %arg14[%get3A_243, %get3A_244] {strides = array<i32>} : memref<32x768xf32, #tpu.memory_space<vmem>>, vector<16xf32>,
      %mul3A_246 = arith.mulf %get3A_245, %gather3A_146 : vector<16xf32>
      %get3A_247 = arith.index_cast %scan3A_142 : i32 to index
      %get3A_248 = arith.constant 128 : index
      %get3A_249 = tpu.vector_load %arg15[%get3A_247, %get3A_248] {strides = array<i32>} : memref<32x768xf32, #tpu.memory_space<vmem>>, vector<16xf32>,
      %mul3A_250 = arith.mulf %get3A_249, %gather3A_147 : vector<16xf32>
      %add3A_251 = arith.addf %mul3A_246, %mul3A_250 : vector<16xf32>
      %swap3A_252 = arith.index_cast %scan3A_142 : i32 to index
      %swap3A_253 = arith.constant 128 : index
      %swap3A_254 = tpu.vector_load %arg14[%swap3A_252, %swap3A_253] {strides = array<i32>} : memref<32x768xf32, #tpu.memory_space<vmem>>, vector<16xf32>,
      tpu.vector_store %arg14[%swap3A_252, %swap3A_253], %add3A_251 {strides = array<i32>} : memref<32x768xf32, #tpu.memory_space<vmem>>, vector<16xf32>,
      %get3A_255 = arith.index_cast %scan3A_142 : i32 to index
      %get3A_256 = arith.constant 144 : index
      %get3A_257 = tpu.vector_load %arg14[%get3A_255, %get3A_256] {strides = array<i32>} : memref<32x768xf32, #tpu.memory_space<vmem>>, vector<16xf32>,
      %mul3A_258 = arith.mulf %get3A_257, %gather3A_146 : vector<16xf32>
      %get3A_259 = arith.index_cast %scan3A_142 : i32 to index
      %get3A_260 = arith.constant 144 : index
      %get3A_261 = tpu.vector_load %arg15[%get3A_259, %get3A_260] {strides = array<i32>} : memref<32x768xf32, #tpu.memory_space<vmem>>, vector<16xf32>,
      %mul3A_262 = arith.mulf %get3A_261, %gather3A_147 : vector<16xf32>
      %add3A_263 = arith.addf %mul3A_258, %mul3A_262 : vector<16xf32>
      %swap3A_264 = arith.index_cast %scan3A_142 : i32 to index
      %swap3A_265 = arith.constant 144 : index
      %swap3A_266 = tpu.vector_load %arg14[%swap3A_264, %swap3A_265] {strides = array<i32>} : memref<32x768xf32, #tpu.memory_space<vmem>>, vector<16xf32>,
      tpu.vector_store %arg14[%swap3A_264, %swap3A_265], %add3A_263 {strides = array<i32>} : memref<32x768xf32, #tpu.memory_space<vmem>>, vector<16xf32>,
      %get3A_267 = arith.index_cast %scan3A_142 : i32 to index
      %get3A_268 = arith.constant 160 : index
      %get3A_269 = tpu.vector_load %arg14[%get3A_267, %get3A_268] {strides = array<i32>} : memref<32x768xf32, #tpu.memory_space<vmem>>, vector<16xf32>,
      %mul3A_270 = arith.mulf %get3A_269, %gather3A_146 : vector<16xf32>
      %get3A_271 = arith.index_cast %scan3A_142 : i32 to index
      %get3A_272 = arith.constant 160 : index
      %get3A_273 = tpu.vector_load %arg15[%get3A_271, %get3A_272] {strides = array<i32>} : memref<32x768xf32, #tpu.memory_space<vmem>>, vector<16xf32>,
      %mul3A_274 = arith.mulf %get3A_273, %gather3A_147 : vector<16xf32>
      %add3A_275 = arith.addf %mul3A_270, %mul3A_274 : vector<16xf32>
      %swap3A_276 = arith.index_cast %scan3A_142 : i32 to index
      %swap3A_277 = arith.constant 160 : index
      %swap3A_278 = tpu.vector_load %arg14[%swap3A_276, %swap3A_277] {strides = array<i32>} : memref<32x768xf32, #tpu.memory_space<vmem>>, vector<16xf32>,
      tpu.vector_store %arg14[%swap3A_276, %swap3A_277], %add3A_275 {strides = array<i32>} : memref<32x768xf32, #tpu.memory_space<vmem>>, vector<16xf32>,
      %get3A_279 = arith.index_cast %scan3A_142 : i32 to index
      %get3A_280 = arith.constant 176 : index
      %get3A_281 = tpu.vector_load %arg14[%get3A_279, %get3A_280] {strides = array<i32>} : memref<32x768xf32, #tpu.memory_space<vmem>>, vector<16xf32>,
      %mul3A_282 = arith.mulf %get3A_281, %gather3A_146 : vector<16xf32>
      %get3A_283 = arith.index_cast %scan3A_142 : i32 to index
      %get3A_284 = arith.constant 176 : index
      %get3A_285 = tpu.vector_load %arg15[%get3A_283, %get3A_284] {strides = array<i32>} : memref<32x768xf32, #tpu.memory_space<vmem>>, vector<16xf32>,
      %mul3A_286 = arith.mulf %get3A_285, %gather3A_147 : vector<16xf32>
      %add3A_287 = arith.addf %mul3A_282, %mul3A_286 : vector<16xf32>
      %swap3A_288 = arith.index_cast %scan3A_142 : i32 to index
      %swap3A_289 = arith.constant 176 : index
      %swap3A_290 = tpu.vector_load %arg14[%swap3A_288, %swap3A_289] {strides = array<i32>} : memref<32x768xf32, #tpu.memory_space<vmem>>, vector<16xf32>,
      tpu.vector_store %arg14[%swap3A_288, %swap3A_289], %add3A_287 {strides = array<i32>} : memref<32x768xf32, #tpu.memory_space<vmem>>, vector<16xf32>,
      %get3A_291 = arith.index_cast %scan3A_142 : i32 to index
      %get3A_292 = arith.constant 192 : index
      %get3A_293 = tpu.vector_load %arg14[%get3A_291, %get3A_292] {strides = array<i32>} : memref<32x768xf32, #tpu.memory_space<vmem>>, vector<16xf32>,
      %mul3A_294 = arith.mulf %get3A_293, %gather3A_146 : vector<16xf32>
      %get3A_295 = arith.index_cast %scan3A_142 : i32 to index
      %get3A_296 = arith.constant 192 : index
      %get3A_297 = tpu.vector_load %arg15[%get3A_295, %get3A_296] {strides = array<i32>} : memref<32x768xf32, #tpu.memory_space<vmem>>, vector<16xf32>,
      %mul3A_298 = arith.mulf %get3A_297, %gather3A_147 : vector<16xf32>
      %add3A_299 = arith.addf %mul3A_294, %mul3A_298 : vector<16xf32>
      %swap3A_300 = arith.index_cast %scan3A_142 : i32 to index
      %swap3A_301 = arith.constant 192 : index
      %swap3A_302 = tpu.vector_load %arg14[%swap3A_300, %swap3A_301] {strides = array<i32>} : memref<32x768xf32, #tpu.memory_space<vmem>>, vector<16xf32>,
      tpu.vector_store %arg14[%swap3A_300, %swap3A_301], %add3A_299 {strides = array<i32>} : memref<32x768xf32, #tpu.memory_space<vmem>>, vector<16xf32>,
      %get3A_303 = arith.index_cast %scan3A_142 : i32 to index
      %get3A_304 = arith.constant 208 : index
      %get3A_305 = tpu.vector_load %arg14[%get3A_303, %get3A_304] {strides = array<i32>} : memref<32x768xf32, #tpu.memory_space<vmem>>, vector<16xf32>,
      %mul3A_306 = arith.mulf %get3A_305, %gather3A_146 : vector<16xf32>
      %get3A_307 = arith.index_cast %scan3A_142 : i32 to index
      %get3A_308 = arith.constant 208 : index
      %get3A_309 = tpu.vector_load %arg15[%get3A_307, %get3A_308] {strides = array<i32>} : memref<32x768xf32, #tpu.memory_space<vmem>>, vector<16xf32>,
      %mul3A_310 = arith.mulf %get3A_309, %gather3A_147 : vector<16xf32>
      %add3A_311 = arith.addf %mul3A_306, %mul3A_310 : vector<16xf32>
      %swap3A_312 = arith.index_cast %scan3A_142 : i32 to index
      %swap3A_313 = arith.constant 208 : index
      %swap3A_314 = tpu.vector_load %arg14[%swap3A_312, %swap3A_313] {strides = array<i32>} : memref<32x768xf32, #tpu.memory_space<vmem>>, vector<16xf32>,
      tpu.vector_store %arg14[%swap3A_312, %swap3A_313], %add3A_311 {strides = array<i32>} : memref<32x768xf32, #tpu.memory_space<vmem>>, vector<16xf32>,
      %get3A_315 = arith.index_cast %scan3A_142 : i32 to index
      %get3A_316 = arith.constant 224 : index
      %get3A_317 = tpu.vector_load %arg14[%get3A_315, %get3A_316] {strides = array<i32>} : memref<32x768xf32, #tpu.memory_space<vmem>>, vector<16xf32>,
      %mul3A_318 = arith.mulf %get3A_317, %gather3A_146 : vector<16xf32>
      %get3A_319 = arith.index_cast %scan3A_142 : i32 to index
      %get3A_320 = arith.constant 224 : index
      %get3A_321 = tpu.vector_load %arg15[%get3A_319, %get3A_320] {strides = array<i32>} : memref<32x768xf32, #tpu.memory_space<vmem>>, vector<16xf32>,
      %mul3A_322 = arith.mulf %get3A_321, %gather3A_147 : vector<16xf32>
      %add3A_323 = arith.addf %mul3A_318, %mul3A_322 : vector<16xf32>
      %swap3A_324 = arith.index_cast %scan3A_142 : i32 to index
      %swap3A_325 = arith.constant 224 : index
      %swap3A_326 = tpu.vector_load %arg14[%swap3A_324, %swap3A_325] {strides = array<i32>} : memref<32x768xf32, #tpu.memory_space<vmem>>, vector<16xf32>,
      tpu.vector_store %arg14[%swap3A_324, %swap3A_325], %add3A_323 {strides = array<i32>} : memref<32x768xf32, #tpu.memory_space<vmem>>, vector<16xf32>,
      %get3A_327 = arith.index_cast %scan3A_142 : i32 to index
      %get3A_328 = arith.constant 240 : index
      %get3A_329 = tpu.vector_load %arg14[%get3A_327, %get3A_328] {strides = array<i32>} : memref<32x768xf32, #tpu.memory_space<vmem>>, vector<16xf32>,
      %mul3A_330 = arith.mulf %get3A_329, %gather3A_146 : vector<16xf32>
      %get3A_331 = arith.index_cast %scan3A_142 : i32 to index
      %get3A_332 = arith.constant 240 : index
      %get3A_333 = tpu.vector_load %arg15[%get3A_331, %get3A_332] {strides = array<i32>} : memref<32x768xf32, #tpu.memory_space<vmem>>, vector<16xf32>,
      %mul3A_334 = arith.mulf %get3A_333, %gather3A_147 : vector<16xf32>
      %add3A_335 = arith.addf %mul3A_330, %mul3A_334 : vector<16xf32>
      %swap3A_336 = arith.index_cast %scan3A_142 : i32 to index
      %swap3A_337 = arith.constant 240 : index
      %swap3A_338 = tpu.vector_load %arg14[%swap3A_336, %swap3A_337] {strides = array<i32>} : memref<32x768xf32, #tpu.memory_space<vmem>>, vector<16xf32>,
      tpu.vector_store %arg14[%swap3A_336, %swap3A_337], %add3A_335 {strides = array<i32>} : memref<32x768xf32, #tpu.memory_space<vmem>>, vector<16xf32>,
      %get3A_339 = arith.index_cast %scan3A_142 : i32 to index
      %get3A_340 = arith.constant 256 : index
      %get3A_341 = tpu.vector_load %arg14[%get3A_339, %get3A_340] {strides = array<i32>} : memref<32x768xf32, #tpu.memory_space<vmem>>, vector<16xf32>,
      %mul3A_342 = arith.mulf %get3A_341, %gather3A_146 : vector<16xf32>
      %get3A_343 = arith.index_cast %scan3A_142 : i32 to index
      %get3A_344 = arith.constant 256 : index
      %get3A_345 = tpu.vector_load %arg15[%get3A_343, %get3A_344] {strides = array<i32>} : memref<32x768xf32, #tpu.memory_space<vmem>>, vector<16xf32>,
      %mul3A_346 = arith.mulf %get3A_345, %gather3A_147 : vector<16xf32>
      %add3A_347 = arith.addf %mul3A_342, %mul3A_346 : vector<16xf32>
      %swap3A_348 = arith.index_cast %scan3A_142 : i32 to index
      %swap3A_349 = arith.constant 256 : index
      %swap3A_350 = tpu.vector_load %arg14[%swap3A_348, %swap3A_349] {strides = array<i32>} : memref<32x768xf32, #tpu.memory_space<vmem>>, vector<16xf32>,
      tpu.vector_store %arg14[%swap3A_348, %swap3A_349], %add3A_347 {strides = array<i32>} : memref<32x768xf32, #tpu.memory_space<vmem>>, vector<16xf32>,
      %get3A_351 = arith.index_cast %scan3A_142 : i32 to index
      %get3A_352 = arith.constant 272 : index
      %get3A_353 = tpu.vector_load %arg14[%get3A_351, %get3A_352] {strides = array<i32>} : memref<32x768xf32, #tpu.memory_space<vmem>>, vector<16xf32>,
      %mul3A_354 = arith.mulf %get3A_353, %gather3A_146 : vector<16xf32>
      %get3A_355 = arith.index_cast %scan3A_142 : i32 to index
      %get3A_356 = arith.constant 272 : index
      %get3A_357 = tpu.vector_load %arg15[%get3A_355, %get3A_356] {strides = array<i32>} : memref<32x768xf32, #tpu.memory_space<vmem>>, vector<16xf32>,
      %mul3A_358 = arith.mulf %get3A_357, %gather3A_147 : vector<16xf32>
      %add3A_359 = arith.addf %mul3A_354, %mul3A_358 : vector<16xf32>
      %swap3A_360 = arith.index_cast %scan3A_142 : i32 to index
      %swap3A_361 = arith.constant 272 : index
      %swap3A_362 = tpu.vector_load %arg14[%swap3A_360, %swap3A_361] {strides = array<i32>} : memref<32x768xf32, #tpu.memory_space<vmem>>, vector<16xf32>,
      tpu.vector_store %arg14[%swap3A_360, %swap3A_361], %add3A_359 {strides = array<i32>} : memref<32x768xf32, #tpu.memory_space<vmem>>, vector<16xf32>,
      %get3A_363 = arith.index_cast %scan3A_142 : i32 to index
      %get3A_364 = arith.constant 288 : index
      %get3A_365 = tpu.vector_load %arg14[%get3A_363, %get3A_364] {strides = array<i32>} : memref<32x768xf32, #tpu.memory_space<vmem>>, vector<16xf32>,
      %mul3A_366 = arith.mulf %get3A_365, %gather3A_146 : vector<16xf32>
      %get3A_367 = arith.index_cast %scan3A_142 : i32 to index
      %get3A_368 = arith.constant 288 : index
      %get3A_369 = tpu.vector_load %arg15[%get3A_367, %get3A_368] {strides = array<i32>} : memref<32x768xf32, #tpu.memory_space<vmem>>, vector<16xf32>,
      %mul3A_370 = arith.mulf %get3A_369, %gather3A_147 : vector<16xf32>
      %add3A_371 = arith.addf %mul3A_366, %mul3A_370 : vector<16xf32>
      %swap3A_372 = arith.index_cast %scan3A_142 : i32 to index
      %swap3A_373 = arith.constant 288 : index
      %swap3A_374 = tpu.vector_load %arg14[%swap3A_372, %swap3A_373] {strides = array<i32>} : memref<32x768xf32, #tpu.memory_space<vmem>>, vector<16xf32>,
      tpu.vector_store %arg14[%swap3A_372, %swap3A_373], %add3A_371 {strides = array<i32>} : memref<32x768xf32, #tpu.memory_space<vmem>>, vector<16xf32>,
      %get3A_375 = arith.index_cast %scan3A_142 : i32 to index
      %get3A_376 = arith.constant 304 : index
      %get3A_377 = tpu.vector_load %arg14[%get3A_375, %get3A_376] {strides = array<i32>} : memref<32x768xf32, #tpu.memory_space<vmem>>, vector<16xf32>,
      %mul3A_378 = arith.mulf %get3A_377, %gather3A_146 : vector<16xf32>
      %get3A_379 = arith.index_cast %scan3A_142 : i32 to index
      %get3A_380 = arith.constant 304 : index
      %get3A_381 = tpu.vector_load %arg15[%get3A_379, %get3A_380] {strides = array<i32>} : memref<32x768xf32, #tpu.memory_space<vmem>>, vector<16xf32>,
      %mul3A_382 = arith.mulf %get3A_381, %gather3A_147 : vector<16xf32>
      %add3A_383 = arith.addf %mul3A_378, %mul3A_382 : vector<16xf32>
      %swap3A_384 = arith.index_cast %scan3A_142 : i32 to index
      %swap3A_385 = arith.constant 304 : index
      %swap3A_386 = tpu.vector_load %arg14[%swap3A_384, %swap3A_385] {strides = array<i32>} : memref<32x768xf32, #tpu.memory_space<vmem>>, vector<16xf32>,
      tpu.vector_store %arg14[%swap3A_384, %swap3A_385], %add3A_383 {strides = array<i32>} : memref<32x768xf32, #tpu.memory_space<vmem>>, vector<16xf32>,
      %get3A_387 = arith.index_cast %scan3A_142 : i32 to index
      %get3A_388 = arith.constant 320 : index
      %get3A_389 = tpu.vector_load %arg14[%get3A_387, %get3A_388] {strides = array<i32>} : memref<32x768xf32, #tpu.memory_space<vmem>>, vector<16xf32>,
      %mul3A_390 = arith.mulf %get3A_389, %gather3A_146 : vector<16xf32>
      %get3A_391 = arith.index_cast %scan3A_142 : i32 to index
      %get3A_392 = arith.constant 320 : index
      %get3A_393 = tpu.vector_load %arg15[%get3A_391, %get3A_392] {strides = array<i32>} : memref<32x768xf32, #tpu.memory_space<vmem>>, vector<16xf32>,
      %mul3A_394 = arith.mulf %get3A_393, %gather3A_147 : vector<16xf32>
      %add3A_395 = arith.addf %mul3A_390, %mul3A_394 : vector<16xf32>
      %swap3A_396 = arith.index_cast %scan3A_142 : i32 to index
      %swap3A_397 = arith.constant 320 : index
      %swap3A_398 = tpu.vector_load %arg14[%swap3A_396, %swap3A_397] {strides = array<i32>} : memref<32x768xf32, #tpu.memory_space<vmem>>, vector<16xf32>,
      tpu.vector_store %arg14[%swap3A_396, %swap3A_397], %add3A_395 {strides = array<i32>} : memref<32x768xf32, #tpu.memory_space<vmem>>, vector<16xf32>,
      %get3A_399 = arith.index_cast %scan3A_142 : i32 to index
      %get3A_400 = arith.constant 336 : index
      %get3A_401 = tpu.vector_load %arg14[%get3A_399, %get3A_400] {strides = array<i32>} : memref<32x768xf32, #tpu.memory_space<vmem>>, vector<16xf32>,
      %mul3A_402 = arith.mulf %get3A_401, %gather3A_146 : vector<16xf32>
      %get3A_403 = arith.index_cast %scan3A_142 : i32 to index
      %get3A_404 = arith.constant 336 : index
      %get3A_405 = tpu.vector_load %arg15[%get3A_403, %get3A_404] {strides = array<i32>} : memref<32x768xf32, #tpu.memory_space<vmem>>, vector<16xf32>,
      %mul3A_406 = arith.mulf %get3A_405, %gather3A_147 : vector<16xf32>
      %add3A_407 = arith.addf %mul3A_402, %mul3A_406 : vector<16xf32>
      %swap3A_408 = arith.index_cast %scan3A_142 : i32 to index
      %swap3A_409 = arith.constant 336 : index
      %swap3A_410 = tpu.vector_load %arg14[%swap3A_408, %swap3A_409] {strides = array<i32>} : memref<32x768xf32, #tpu.memory_space<vmem>>, vector<16xf32>,
      tpu.vector_store %arg14[%swap3A_408, %swap3A_409], %add3A_407 {strides = array<i32>} : memref<32x768xf32, #tpu.memory_space<vmem>>, vector<16xf32>,
      %get3A_411 = arith.index_cast %scan3A_142 : i32 to index
      %get3A_412 = arith.constant 352 : index
      %get3A_413 = tpu.vector_load %arg14[%get3A_411, %get3A_412] {strides = array<i32>} : memref<32x768xf32, #tpu.memory_space<vmem>>, vector<16xf32>,
      %mul3A_414 = arith.mulf %get3A_413, %gather3A_146 : vector<16xf32>
      %get3A_415 = arith.index_cast %scan3A_142 : i32 to index
      %get3A_416 = arith.constant 352 : index
      %get3A_417 = tpu.vector_load %arg15[%get3A_415, %get3A_416] {strides = array<i32>} : memref<32x768xf32, #tpu.memory_space<vmem>>, vector<16xf32>,
      %mul3A_418 = arith.mulf %get3A_417, %gather3A_147 : vector<16xf32>
      %add3A_419 = arith.addf %mul3A_414, %mul3A_418 : vector<16xf32>
      %swap3A_420 = arith.index_cast %scan3A_142 : i32 to index
      %swap3A_421 = arith.constant 352 : index
      %swap3A_422 = tpu.vector_load %arg14[%swap3A_420, %swap3A_421] {strides = array<i32>} : memref<32x768xf32, #tpu.memory_space<vmem>>, vector<16xf32>,
      tpu.vector_store %arg14[%swap3A_420, %swap3A_421], %add3A_419 {strides = array<i32>} : memref<32x768xf32, #tpu.memory_space<vmem>>, vector<16xf32>,
      %get3A_423 = arith.index_cast %scan3A_142 : i32 to index
      %get3A_424 = arith.constant 368 : index
      %get3A_425 = tpu.vector_load %arg14[%get3A_423, %get3A_424] {strides = array<i32>} : memref<32x768xf32, #tpu.memory_space<vmem>>, vector<16xf32>,
      %mul3A_426 = arith.mulf %get3A_425, %gather3A_146 : vector<16xf32>
      %get3A_427 = arith.index_cast %scan3A_142 : i32 to index
      %get3A_428 = arith.constant 368 : index
      %get3A_429 = tpu.vector_load %arg15[%get3A_427, %get3A_428] {strides = array<i32>} : memref<32x768xf32, #tpu.memory_space<vmem>>, vector<16xf32>,
      %mul3A_430 = arith.mulf %get3A_429, %gather3A_147 : vector<16xf32>
      %add3A_431 = arith.addf %mul3A_426, %mul3A_430 : vector<16xf32>
      %swap3A_432 = arith.index_cast %scan3A_142 : i32 to index
      %swap3A_433 = arith.constant 368 : index
      %swap3A_434 = tpu.vector_load %arg14[%swap3A_432, %swap3A_433] {strides = array<i32>} : memref<32x768xf32, #tpu.memory_space<vmem>>, vector<16xf32>,
      tpu.vector_store %arg14[%swap3A_432, %swap3A_433], %add3A_431 {strides = array<i32>} : memref<32x768xf32, #tpu.memory_space<vmem>>, vector<16xf32>,
      %get3A_435 = arith.index_cast %scan3A_142 : i32 to index
      %get3A_436 = arith.constant 384 : index
      %get3A_437 = tpu.vector_load %arg14[%get3A_435, %get3A_436] {strides = array<i32>} : memref<32x768xf32, #tpu.memory_space<vmem>>, vector<16xf32>,
      %mul3A_438 = arith.mulf %get3A_437, %gather3A_146 : vector<16xf32>
      %get3A_439 = arith.index_cast %scan3A_142 : i32 to index
      %get3A_440 = arith.constant 384 : index
      %get3A_441 = tpu.vector_load %arg15[%get3A_439, %get3A_440] {strides = array<i32>} : memref<32x768xf32, #tpu.memory_space<vmem>>, vector<16xf32>,
      %mul3A_442 = arith.mulf %get3A_441, %gather3A_147 : vector<16xf32>
      %add3A_443 = arith.addf %mul3A_438, %mul3A_442 : vector<16xf32>
      %swap3A_444 = arith.index_cast %scan3A_142 : i32 to index
      %swap3A_445 = arith.constant 384 : index
      %swap3A_446 = tpu.vector_load %arg14[%swap3A_444, %swap3A_445] {strides = array<i32>} : memref<32x768xf32, #tpu.memory_space<vmem>>, vector<16xf32>,
      tpu.vector_store %arg14[%swap3A_444, %swap3A_445], %add3A_443 {strides = array<i32>} : memref<32x768xf32, #tpu.memory_space<vmem>>, vector<16xf32>,
      %get3A_447 = arith.index_cast %scan3A_142 : i32 to index
      %get3A_448 = arith.constant 400 : index
      %get3A_449 = tpu.vector_load %arg14[%get3A_447, %get3A_448] {strides = array<i32>} : memref<32x768xf32, #tpu.memory_space<vmem>>, vector<16xf32>,
      %mul3A_450 = arith.mulf %get3A_449, %gather3A_146 : vector<16xf32>
      %get3A_451 = arith.index_cast %scan3A_142 : i32 to index
      %get3A_452 = arith.constant 400 : index
      %get3A_453 = tpu.vector_load %arg15[%get3A_451, %get3A_452] {strides = array<i32>} : memref<32x768xf32, #tpu.memory_space<vmem>>, vector<16xf32>,
      %mul3A_454 = arith.mulf %get3A_453, %gather3A_147 : vector<16xf32>
      %add3A_455 = arith.addf %mul3A_450, %mul3A_454 : vector<16xf32>
      %swap3A_456 = arith.index_cast %scan3A_142 : i32 to index
      %swap3A_457 = arith.constant 400 : index
      %swap3A_458 = tpu.vector_load %arg14[%swap3A_456, %swap3A_457] {strides = array<i32>} : memref<32x768xf32, #tpu.memory_space<vmem>>, vector<16xf32>,
      tpu.vector_store %arg14[%swap3A_456, %swap3A_457], %add3A_455 {strides = array<i32>} : memref<32x768xf32, #tpu.memory_space<vmem>>, vector<16xf32>,
      %get3A_459 = arith.index_cast %scan3A_142 : i32 to index
      %get3A_460 = arith.constant 416 : index
      %get3A_461 = tpu.vector_load %arg14[%get3A_459, %get3A_460] {strides = array<i32>} : memref<32x768xf32, #tpu.memory_space<vmem>>, vector<16xf32>,
      %mul3A_462 = arith.mulf %get3A_461, %gather3A_146 : vector<16xf32>
      %get3A_463 = arith.index_cast %scan3A_142 : i32 to index
      %get3A_464 = arith.constant 416 : index
      %get3A_465 = tpu.vector_load %arg15[%get3A_463, %get3A_464] {strides = array<i32>} : memref<32x768xf32, #tpu.memory_space<vmem>>, vector<16xf32>,
      %mul3A_466 = arith.mulf %get3A_465, %gather3A_147 : vector<16xf32>
      %add3A_467 = arith.addf %mul3A_462, %mul3A_466 : vector<16xf32>
      %swap3A_468 = arith.index_cast %scan3A_142 : i32 to index
      %swap3A_469 = arith.constant 416 : index
      %swap3A_470 = tpu.vector_load %arg14[%swap3A_468, %swap3A_469] {strides = array<i32>} : memref<32x768xf32, #tpu.memory_space<vmem>>, vector<16xf32>,
      tpu.vector_store %arg14[%swap3A_468, %swap3A_469], %add3A_467 {strides = array<i32>} : memref<32x768xf32, #tpu.memory_space<vmem>>, vector<16xf32>,
      %get3A_471 = arith.index_cast %scan3A_142 : i32 to index
      %get3A_472 = arith.constant 432 : index
      %get3A_473 = tpu.vector_load %arg14[%get3A_471, %get3A_472] {strides = array<i32>} : memref<32x768xf32, #tpu.memory_space<vmem>>, vector<16xf32>,
      %mul3A_474 = arith.mulf %get3A_473, %gather3A_146 : vector<16xf32>
      %get3A_475 = arith.index_cast %scan3A_142 : i32 to index
      %get3A_476 = arith.constant 432 : index
      %get3A_477 = tpu.vector_load %arg15[%get3A_475, %get3A_476] {strides = array<i32>} : memref<32x768xf32, #tpu.memory_space<vmem>>, vector<16xf32>,
      %mul3A_478 = arith.mulf %get3A_477, %gather3A_147 : vector<16xf32>
      %add3A_479 = arith.addf %mul3A_474, %mul3A_478 : vector<16xf32>
      %swap3A_480 = arith.index_cast %scan3A_142 : i32 to index
      %swap3A_481 = arith.constant 432 : index
      %swap3A_482 = tpu.vector_load %arg14[%swap3A_480, %swap3A_481] {strides = array<i32>} : memref<32x768xf32, #tpu.memory_space<vmem>>, vector<16xf32>,
      tpu.vector_store %arg14[%swap3A_480, %swap3A_481], %add3A_479 {strides = array<i32>} : memref<32x768xf32, #tpu.memory_space<vmem>>, vector<16xf32>,
      %get3A_483 = arith.index_cast %scan3A_142 : i32 to index
      %get3A_484 = arith.constant 448 : index
      %get3A_485 = tpu.vector_load %arg14[%get3A_483, %get3A_484] {strides = array<i32>} : memref<32x768xf32, #tpu.memory_space<vmem>>, vector<16xf32>,
      %mul3A_486 = arith.mulf %get3A_485, %gather3A_146 : vector<16xf32>
      %get3A_487 = arith.index_cast %scan3A_142 : i32 to index
      %get3A_488 = arith.constant 448 : index
      %get3A_489 = tpu.vector_load %arg15[%get3A_487, %get3A_488] {strides = array<i32>} : memref<32x768xf32, #tpu.memory_space<vmem>>, vector<16xf32>,
      %mul3A_490 = arith.mulf %get3A_489, %gather3A_147 : vector<16xf32>
      %add3A_491 = arith.addf %mul3A_486, %mul3A_490 : vector<16xf32>
      %swap3A_492 = arith.index_cast %scan3A_142 : i32 to index
      %swap3A_493 = arith.constant 448 : index
      %swap3A_494 = tpu.vector_load %arg14[%swap3A_492, %swap3A_493] {strides = array<i32>} : memref<32x768xf32, #tpu.memory_space<vmem>>, vector<16xf32>,
      tpu.vector_store %arg14[%swap3A_492, %swap3A_493], %add3A_491 {strides = array<i32>} : memref<32x768xf32, #tpu.memory_space<vmem>>, vector<16xf32>,
      %get3A_495 = arith.index_cast %scan3A_142 : i32 to index
      %get3A_496 = arith.constant 464 : index
      %get3A_497 = tpu.vector_load %arg14[%get3A_495, %get3A_496] {strides = array<i32>} : memref<32x768xf32, #tpu.memory_space<vmem>>, vector<16xf32>,
      %mul3A_498 = arith.mulf %get3A_497, %gather3A_146 : vector<16xf32>
      %get3A_499 = arith.index_cast %scan3A_142 : i32 to index
      %get3A_500 = arith.constant 464 : index
      %get3A_501 = tpu.vector_load %arg15[%get3A_499, %get3A_500] {strides = array<i32>} : memref<32x768xf32, #tpu.memory_space<vmem>>, vector<16xf32>,
      %mul3A_502 = arith.mulf %get3A_501, %gather3A_147 : vector<16xf32>
      %add3A_503 = arith.addf %mul3A_498, %mul3A_502 : vector<16xf32>
      %swap3A_504 = arith.index_cast %scan3A_142 : i32 to index
      %swap3A_505 = arith.constant 464 : index
      %swap3A_506 = tpu.vector_load %arg14[%swap3A_504, %swap3A_505] {strides = array<i32>} : memref<32x768xf32, #tpu.memory_space<vmem>>, vector<16xf32>,
      tpu.vector_store %arg14[%swap3A_504, %swap3A_505], %add3A_503 {strides = array<i32>} : memref<32x768xf32, #tpu.memory_space<vmem>>, vector<16xf32>,
      %get3A_507 = arith.index_cast %scan3A_142 : i32 to index
      %get3A_508 = arith.constant 480 : index
      %get3A_509 = tpu.vector_load %arg14[%get3A_507, %get3A_508] {strides = array<i32>} : memref<32x768xf32, #tpu.memory_space<vmem>>, vector<16xf32>,
      %mul3A_510 = arith.mulf %get3A_509, %gather3A_146 : vector<16xf32>
      %get3A_511 = arith.index_cast %scan3A_142 : i32 to index
      %get3A_512 = arith.constant 480 : index
      %get3A_513 = tpu.vector_load %arg15[%get3A_511, %get3A_512] {strides = array<i32>} : memref<32x768xf32, #tpu.memory_space<vmem>>, vector<16xf32>,
      %mul3A_514 = arith.mulf %get3A_513, %gather3A_147 : vector<16xf32>
      %add3A_515 = arith.addf %mul3A_510, %mul3A_514 : vector<16xf32>
      %swap3A_516 = arith.index_cast %scan3A_142 : i32 to index
      %swap3A_517 = arith.constant 480 : index
      %swap3A_518 = tpu.vector_load %arg14[%swap3A_516, %swap3A_517] {strides = array<i32>} : memref<32x768xf32, #tpu.memory_space<vmem>>, vector<16xf32>,
      tpu.vector_store %arg14[%swap3A_516, %swap3A_517], %add3A_515 {strides = array<i32>} : memref<32x768xf32, #tpu.memory_space<vmem>>, vector<16xf32>,
      %get3A_519 = arith.index_cast %scan3A_142 : i32 to index
      %get3A_520 = arith.constant 496 : index
      %get3A_521 = tpu.vector_load %arg14[%get3A_519, %get3A_520] {strides = array<i32>} : memref<32x768xf32, #tpu.memory_space<vmem>>, vector<16xf32>,
      %mul3A_522 = arith.mulf %get3A_521, %gather3A_146 : vector<16xf32>
      %get3A_523 = arith.index_cast %scan3A_142 : i32 to index
      %get3A_524 = arith.constant 496 : index
      %get3A_525 = tpu.vector_load %arg15[%get3A_523, %get3A_524] {strides = array<i32>} : memref<32x768xf32, #tpu.memory_space<vmem>>, vector<16xf32>,
      %mul3A_526 = arith.mulf %get3A_525, %gather3A_147 : vector<16xf32>
      %add3A_527 = arith.addf %mul3A_522, %mul3A_526 : vector<16xf32>
      %swap3A_528 = arith.index_cast %scan3A_142 : i32 to index
      %swap3A_529 = arith.constant 496 : index
      %swap3A_530 = tpu.vector_load %arg14[%swap3A_528, %swap3A_529] {strides = array<i32>} : memref<32x768xf32, #tpu.memory_space<vmem>>, vector<16xf32>,
      tpu.vector_store %arg14[%swap3A_528, %swap3A_529], %add3A_527 {strides = array<i32>} : memref<32x768xf32, #tpu.memory_space<vmem>>, vector<16xf32>,
      %get3A_531 = arith.index_cast %scan3A_142 : i32 to index
      %get3A_532 = arith.constant 512 : index
      %get3A_533 = tpu.vector_load %arg14[%get3A_531, %get3A_532] {strides = array<i32>} : memref<32x768xf32, #tpu.memory_space<vmem>>, vector<16xf32>,
      %mul3A_534 = arith.mulf %get3A_533, %gather3A_146 : vector<16xf32>
      %get3A_535 = arith.index_cast %scan3A_142 : i32 to index
      %get3A_536 = arith.constant 512 : index
      %get3A_537 = tpu.vector_load %arg15[%get3A_535, %get3A_536] {strides = array<i32>} : memref<32x768xf32, #tpu.memory_space<vmem>>, vector<16xf32>,
      %mul3A_538 = arith.mulf %get3A_537, %gather3A_147 : vector<16xf32>
      %add3A_539 = arith.addf %mul3A_534, %mul3A_538 : vector<16xf32>
      %swap3A_540 = arith.index_cast %scan3A_142 : i32 to index
      %swap3A_541 = arith.constant 512 : index
      %swap3A_542 = tpu.vector_load %arg14[%swap3A_540, %swap3A_541] {strides = array<i32>} : memref<32x768xf32, #tpu.memory_space<vmem>>, vector<16xf32>,
      tpu.vector_store %arg14[%swap3A_540, %swap3A_541], %add3A_539 {strides = array<i32>} : memref<32x768xf32, #tpu.memory_space<vmem>>, vector<16xf32>,
      %get3A_543 = arith.index_cast %scan3A_142 : i32 to index
      %get3A_544 = arith.constant 528 : index
      %get3A_545 = tpu.vector_load %arg14[%get3A_543, %get3A_544] {strides = array<i32>} : memref<32x768xf32, #tpu.memory_space<vmem>>, vector<16xf32>,
      %mul3A_546 = arith.mulf %get3A_545, %gather3A_146 : vector<16xf32>
      %get3A_547 = arith.index_cast %scan3A_142 : i32 to index
      %get3A_548 = arith.constant 528 : index
      %get3A_549 = tpu.vector_load %arg15[%get3A_547, %get3A_548] {strides = array<i32>} : memref<32x768xf32, #tpu.memory_space<vmem>>, vector<16xf32>,
      %mul3A_550 = arith.mulf %get3A_549, %gather3A_147 : vector<16xf32>
      %add3A_551 = arith.addf %mul3A_546, %mul3A_550 : vector<16xf32>
      %swap3A_552 = arith.index_cast %scan3A_142 : i32 to index
      %swap3A_553 = arith.constant 528 : index
      %swap3A_554 = tpu.vector_load %arg14[%swap3A_552, %swap3A_553] {strides = array<i32>} : memref<32x768xf32, #tpu.memory_space<vmem>>, vector<16xf32>,
      tpu.vector_store %arg14[%swap3A_552, %swap3A_553], %add3A_551 {strides = array<i32>} : memref<32x768xf32, #tpu.memory_space<vmem>>, vector<16xf32>,
      %get3A_555 = arith.index_cast %scan3A_142 : i32 to index
      %get3A_556 = arith.constant 544 : index
      %get3A_557 = tpu.vector_load %arg14[%get3A_555, %get3A_556] {strides = array<i32>} : memref<32x768xf32, #tpu.memory_space<vmem>>, vector<16xf32>,
      %mul3A_558 = arith.mulf %get3A_557, %gather3A_146 : vector<16xf32>
      %get3A_559 = arith.index_cast %scan3A_142 : i32 to index
      %get3A_560 = arith.constant 544 : index
      %get3A_561 = tpu.vector_load %arg15[%get3A_559, %get3A_560] {strides = array<i32>} : memref<32x768xf32, #tpu.memory_space<vmem>>, vector<16xf32>,
      %mul3A_562 = arith.mulf %get3A_561, %gather3A_147 : vector<16xf32>
      %add3A_563 = arith.addf %mul3A_558, %mul3A_562 : vector<16xf32>
      %swap3A_564 = arith.index_cast %scan3A_142 : i32 to index
      %swap3A_565 = arith.constant 544 : index
      %swap3A_566 = tpu.vector_load %arg14[%swap3A_564, %swap3A_565] {strides = array<i32>} : memref<32x768xf32, #tpu.memory_space<vmem>>, vector<16xf32>,
      tpu.vector_store %arg14[%swap3A_564, %swap3A_565], %add3A_563 {strides = array<i32>} : memref<32x768xf32, #tpu.memory_space<vmem>>, vector<16xf32>,
      %get3A_567 = arith.index_cast %scan3A_142 : i32 to index
      %get3A_568 = arith.constant 560 : index
      %get3A_569 = tpu.vector_load %arg14[%get3A_567, %get3A_568] {strides = array<i32>} : memref<32x768xf32, #tpu.memory_space<vmem>>, vector<16xf32>,
      %mul3A_570 = arith.mulf %get3A_569, %gather3A_146 : vector<16xf32>
      %get3A_571 = arith.index_cast %scan3A_142 : i32 to index
      %get3A_572 = arith.constant 560 : index
      %get3A_573 = tpu.vector_load %arg15[%get3A_571, %get3A_572] {strides = array<i32>} : memref<32x768xf32, #tpu.memory_space<vmem>>, vector<16xf32>,
      %mul3A_574 = arith.mulf %get3A_573, %gather3A_147 : vector<16xf32>
      %add3A_575 = arith.addf %mul3A_570, %mul3A_574 : vector<16xf32>
      %swap3A_576 = arith.index_cast %scan3A_142 : i32 to index
      %swap3A_577 = arith.constant 560 : index
      %swap3A_578 = tpu.vector_load %arg14[%swap3A_576, %swap3A_577] {strides = array<i32>} : memref<32x768xf32, #tpu.memory_space<vmem>>, vector<16xf32>,
      tpu.vector_store %arg14[%swap3A_576, %swap3A_577], %add3A_575 {strides = array<i32>} : memref<32x768xf32, #tpu.memory_space<vmem>>, vector<16xf32>,
      %get3A_579 = arith.index_cast %scan3A_142 : i32 to index
      %get3A_580 = arith.constant 576 : index
      %get3A_581 = tpu.vector_load %arg14[%get3A_579, %get3A_580] {strides = array<i32>} : memref<32x768xf32, #tpu.memory_space<vmem>>, vector<16xf32>,
      %mul3A_582 = arith.mulf %get3A_581, %gather3A_146 : vector<16xf32>
      %get3A_583 = arith.index_cast %scan3A_142 : i32 to index
      %get3A_584 = arith.constant 576 : index
      %get3A_585 = tpu.vector_load %arg15[%get3A_583, %get3A_584] {strides = array<i32>} : memref<32x768xf32, #tpu.memory_space<vmem>>, vector<16xf32>,
      %mul3A_586 = arith.mulf %get3A_585, %gather3A_147 : vector<16xf32>
      %add3A_587 = arith.addf %mul3A_582, %mul3A_586 : vector<16xf32>
      %swap3A_588 = arith.index_cast %scan3A_142 : i32 to index
      %swap3A_589 = arith.constant 576 : index
      %swap3A_590 = tpu.vector_load %arg14[%swap3A_588, %swap3A_589] {strides = array<i32>} : memref<32x768xf32, #tpu.memory_space<vmem>>, vector<16xf32>,
      tpu.vector_store %arg14[%swap3A_588, %swap3A_589], %add3A_587 {strides = array<i32>} : memref<32x768xf32, #tpu.memory_space<vmem>>, vector<16xf32>,
      %get3A_591 = arith.index_cast %scan3A_142 : i32 to index
      %get3A_592 = arith.constant 592 : index
      %get3A_593 = tpu.vector_load %arg14[%get3A_591, %get3A_592] {strides = array<i32>} : memref<32x768xf32, #tpu.memory_space<vmem>>, vector<16xf32>,
      %mul3A_594 = arith.mulf %get3A_593, %gather3A_146 : vector<16xf32>
      %get3A_595 = arith.index_cast %scan3A_142 : i32 to index
      %get3A_596 = arith.constant 592 : index
      %get3A_597 = tpu.vector_load %arg15[%get3A_595, %get3A_596] {strides = array<i32>} : memref<32x768xf32, #tpu.memory_space<vmem>>, vector<16xf32>,
      %mul3A_598 = arith.mulf %get3A_597, %gather3A_147 : vector<16xf32>
      %add3A_599 = arith.addf %mul3A_594, %mul3A_598 : vector<16xf32>
      %swap3A_600 = arith.index_cast %scan3A_142 : i32 to index
      %swap3A_601 = arith.constant 592 : index
      %swap3A_602 = tpu.vector_load %arg14[%swap3A_600, %swap3A_601] {strides = array<i32>} : memref<32x768xf32, #tpu.memory_space<vmem>>, vector<16xf32>,
      tpu.vector_store %arg14[%swap3A_600, %swap3A_601], %add3A_599 {strides = array<i32>} : memref<32x768xf32, #tpu.memory_space<vmem>>, vector<16xf32>,
      %get3A_603 = arith.index_cast %scan3A_142 : i32 to index
      %get3A_604 = arith.constant 608 : index
      %get3A_605 = tpu.vector_load %arg14[%get3A_603, %get3A_604] {strides = array<i32>} : memref<32x768xf32, #tpu.memory_space<vmem>>, vector<16xf32>,
      %mul3A_606 = arith.mulf %get3A_605, %gather3A_146 : vector<16xf32>
      %get3A_607 = arith.index_cast %scan3A_142 : i32 to index
      %get3A_608 = arith.constant 608 : index
      %get3A_609 = tpu.vector_load %arg15[%get3A_607, %get3A_608] {strides = array<i32>} : memref<32x768xf32, #tpu.memory_space<vmem>>, vector<16xf32>,
      %mul3A_610 = arith.mulf %get3A_609, %gather3A_147 : vector<16xf32>
      %add3A_611 = arith.addf %mul3A_606, %mul3A_610 : vector<16xf32>
      %swap3A_612 = arith.index_cast %scan3A_142 : i32 to index
      %swap3A_613 = arith.constant 608 : index
      %swap3A_614 = tpu.vector_load %arg14[%swap3A_612, %swap3A_613] {strides = array<i32>} : memref<32x768xf32, #tpu.memory_space<vmem>>, vector<16xf32>,
      tpu.vector_store %arg14[%swap3A_612, %swap3A_613], %add3A_611 {strides = array<i32>} : memref<32x768xf32, #tpu.memory_space<vmem>>, vector<16xf32>,
      %get3A_615 = arith.index_cast %scan3A_142 : i32 to index
      %get3A_616 = arith.constant 624 : index
      %get3A_617 = tpu.vector_load %arg14[%get3A_615, %get3A_616] {strides = array<i32>} : memref<32x768xf32, #tpu.memory_space<vmem>>, vector<16xf32>,
      %mul3A_618 = arith.mulf %get3A_617, %gather3A_146 : vector<16xf32>
      %get3A_619 = arith.index_cast %scan3A_142 : i32 to index
      %get3A_620 = arith.constant 624 : index
      %get3A_621 = tpu.vector_load %arg15[%get3A_619, %get3A_620] {strides = array<i32>} : memref<32x768xf32, #tpu.memory_space<vmem>>, vector<16xf32>,
      %mul3A_622 = arith.mulf %get3A_621, %gather3A_147 : vector<16xf32>
      %add3A_623 = arith.addf %mul3A_618, %mul3A_622 : vector<16xf32>
      %swap3A_624 = arith.index_cast %scan3A_142 : i32 to index
      %swap3A_625 = arith.constant 624 : index
      %swap3A_626 = tpu.vector_load %arg14[%swap3A_624, %swap3A_625] {strides = array<i32>} : memref<32x768xf32, #tpu.memory_space<vmem>>, vector<16xf32>,
      tpu.vector_store %arg14[%swap3A_624, %swap3A_625], %add3A_623 {strides = array<i32>} : memref<32x768xf32, #tpu.memory_space<vmem>>, vector<16xf32>,
      %get3A_627 = arith.index_cast %scan3A_142 : i32 to index
      %get3A_628 = arith.constant 640 : index
      %get3A_629 = tpu.vector_load %arg14[%get3A_627, %get3A_628] {strides = array<i32>} : memref<32x768xf32, #tpu.memory_space<vmem>>, vector<16xf32>,
      %mul3A_630 = arith.mulf %get3A_629, %gather3A_146 : vector<16xf32>
      %get3A_631 = arith.index_cast %scan3A_142 : i32 to index
      %get3A_632 = arith.constant 640 : index
      %get3A_633 = tpu.vector_load %arg15[%get3A_631, %get3A_632] {strides = array<i32>} : memref<32x768xf32, #tpu.memory_space<vmem>>, vector<16xf32>,
      %mul3A_634 = arith.mulf %get3A_633, %gather3A_147 : vector<16xf32>
      %add3A_635 = arith.addf %mul3A_630, %mul3A_634 : vector<16xf32>
      %swap3A_636 = arith.index_cast %scan3A_142 : i32 to index
      %swap3A_637 = arith.constant 640 : index
      %swap3A_638 = tpu.vector_load %arg14[%swap3A_636, %swap3A_637] {strides = array<i32>} : memref<32x768xf32, #tpu.memory_space<vmem>>, vector<16xf32>,
      tpu.vector_store %arg14[%swap3A_636, %swap3A_637], %add3A_635 {strides = array<i32>} : memref<32x768xf32, #tpu.memory_space<vmem>>, vector<16xf32>,
      %get3A_639 = arith.index_cast %scan3A_142 : i32 to index
      %get3A_640 = arith.constant 656 : index
      %get3A_641 = tpu.vector_load %arg14[%get3A_639, %get3A_640] {strides = array<i32>} : memref<32x768xf32, #tpu.memory_space<vmem>>, vector<16xf32>,
      %mul3A_642 = arith.mulf %get3A_641, %gather3A_146 : vector<16xf32>
      %get3A_643 = arith.index_cast %scan3A_142 : i32 to index
      %get3A_644 = arith.constant 656 : index
      %get3A_645 = tpu.vector_load %arg15[%get3A_643, %get3A_644] {strides = array<i32>} : memref<32x768xf32, #tpu.memory_space<vmem>>, vector<16xf32>,
      %mul3A_646 = arith.mulf %get3A_645, %gather3A_147 : vector<16xf32>
      %add3A_647 = arith.addf %mul3A_642, %mul3A_646 : vector<16xf32>
      %swap3A_648 = arith.index_cast %scan3A_142 : i32 to index
      %swap3A_649 = arith.constant 656 : index
      %swap3A_650 = tpu.vector_load %arg14[%swap3A_648, %swap3A_649] {strides = array<i32>} : memref<32x768xf32, #tpu.memory_space<vmem>>, vector<16xf32>,
      tpu.vector_store %arg14[%swap3A_648, %swap3A_649], %add3A_647 {strides = array<i32>} : memref<32x768xf32, #tpu.memory_space<vmem>>, vector<16xf32>,
      %get3A_651 = arith.index_cast %scan3A_142 : i32 to index
      %get3A_652 = arith.constant 672 : index
      %get3A_653 = tpu.vector_load %arg14[%get3A_651, %get3A_652] {strides = array<i32>} : memref<32x768xf32, #tpu.memory_space<vmem>>, vector<16xf32>,
      %mul3A_654 = arith.mulf %get3A_653, %gather3A_146 : vector<16xf32>
      %get3A_655 = arith.index_cast %scan3A_142 : i32 to index
      %get3A_656 = arith.constant 672 : index
      %get3A_657 = tpu.vector_load %arg15[%get3A_655, %get3A_656] {strides = array<i32>} : memref<32x768xf32, #tpu.memory_space<vmem>>, vector<16xf32>,
      %mul3A_658 = arith.mulf %get3A_657, %gather3A_147 : vector<16xf32>
      %add3A_659 = arith.addf %mul3A_654, %mul3A_658 : vector<16xf32>
      %swap3A_660 = arith.index_cast %scan3A_142 : i32 to index
      %swap3A_661 = arith.constant 672 : index
      %swap3A_662 = tpu.vector_load %arg14[%swap3A_660, %swap3A_661] {strides = array<i32>} : memref<32x768xf32, #tpu.memory_space<vmem>>, vector<16xf32>,
      tpu.vector_store %arg14[%swap3A_660, %swap3A_661], %add3A_659 {strides = array<i32>} : memref<32x768xf32, #tpu.memory_space<vmem>>, vector<16xf32>,
      %get3A_663 = arith.index_cast %scan3A_142 : i32 to index
      %get3A_664 = arith.constant 688 : index
      %get3A_665 = tpu.vector_load %arg14[%get3A_663, %get3A_664] {strides = array<i32>} : memref<32x768xf32, #tpu.memory_space<vmem>>, vector<16xf32>,
      %mul3A_666 = arith.mulf %get3A_665, %gather3A_146 : vector<16xf32>
      %get3A_667 = arith.index_cast %scan3A_142 : i32 to index
      %get3A_668 = arith.constant 688 : index
      %get3A_669 = tpu.vector_load %arg15[%get3A_667, %get3A_668] {strides = array<i32>} : memref<32x768xf32, #tpu.memory_space<vmem>>, vector<16xf32>,
      %mul3A_670 = arith.mulf %get3A_669, %gather3A_147 : vector<16xf32>
      %add3A_671 = arith.addf %mul3A_666, %mul3A_670 : vector<16xf32>
      %swap3A_672 = arith.index_cast %scan3A_142 : i32 to index
      %swap3A_673 = arith.constant 688 : index
      %swap3A_674 = tpu.vector_load %arg14[%swap3A_672, %swap3A_673] {strides = array<i32>} : memref<32x768xf32, #tpu.memory_space<vmem>>, vector<16xf32>,
      tpu.vector_store %arg14[%swap3A_672, %swap3A_673], %add3A_671 {strides = array<i32>} : memref<32x768xf32, #tpu.memory_space<vmem>>, vector<16xf32>,
      %get3A_675 = arith.index_cast %scan3A_142 : i32 to index
      %get3A_676 = arith.constant 704 : index
      %get3A_677 = tpu.vector_load %arg14[%get3A_675, %get3A_676] {strides = array<i32>} : memref<32x768xf32, #tpu.memory_space<vmem>>, vector<16xf32>,
      %mul3A_678 = arith.mulf %get3A_677, %gather3A_146 : vector<16xf32>
      %get3A_679 = arith.index_cast %scan3A_142 : i32 to index
      %get3A_680 = arith.constant 704 : index
      %get3A_681 = tpu.vector_load %arg15[%get3A_679, %get3A_680] {strides = array<i32>} : memref<32x768xf32, #tpu.memory_space<vmem>>, vector<16xf32>,
      %mul3A_682 = arith.mulf %get3A_681, %gather3A_147 : vector<16xf32>
      %add3A_683 = arith.addf %mul3A_678, %mul3A_682 : vector<16xf32>
      %swap3A_684 = arith.index_cast %scan3A_142 : i32 to index
      %swap3A_685 = arith.constant 704 : index
      %swap3A_686 = tpu.vector_load %arg14[%swap3A_684, %swap3A_685] {strides = array<i32>} : memref<32x768xf32, #tpu.memory_space<vmem>>, vector<16xf32>,
      tpu.vector_store %arg14[%swap3A_684, %swap3A_685], %add3A_683 {strides = array<i32>} : memref<32x768xf32, #tpu.memory_space<vmem>>, vector<16xf32>,
      %get3A_687 = arith.index_cast %scan3A_142 : i32 to index
      %get3A_688 = arith.constant 720 : index
      %get3A_689 = tpu.vector_load %arg14[%get3A_687, %get3A_688] {strides = array<i32>} : memref<32x768xf32, #tpu.memory_space<vmem>>, vector<16xf32>,
      %mul3A_690 = arith.mulf %get3A_689, %gather3A_146 : vector<16xf32>
      %get3A_691 = arith.index_cast %scan3A_142 : i32 to index
      %get3A_692 = arith.constant 720 : index
      %get3A_693 = tpu.vector_load %arg15[%get3A_691, %get3A_692] {strides = array<i32>} : memref<32x768xf32, #tpu.memory_space<vmem>>, vector<16xf32>,
      %mul3A_694 = arith.mulf %get3A_693, %gather3A_147 : vector<16xf32>
      %add3A_695 = arith.addf %mul3A_690, %mul3A_694 : vector<16xf32>
      %swap3A_696 = arith.index_cast %scan3A_142 : i32 to index
      %swap3A_697 = arith.constant 720 : index
      %swap3A_698 = tpu.vector_load %arg14[%swap3A_696, %swap3A_697] {strides = array<i32>} : memref<32x768xf32, #tpu.memory_space<vmem>>, vector<16xf32>,
      tpu.vector_store %arg14[%swap3A_696, %swap3A_697], %add3A_695 {strides = array<i32>} : memref<32x768xf32, #tpu.memory_space<vmem>>, vector<16xf32>,
      %get3A_699 = arith.index_cast %scan3A_142 : i32 to index
      %get3A_700 = arith.constant 736 : index
      %get3A_701 = tpu.vector_load %arg14[%get3A_699, %get3A_700] {strides = array<i32>} : memref<32x768xf32, #tpu.memory_space<vmem>>, vector<16xf32>,
      %mul3A_702 = arith.mulf %get3A_701, %gather3A_146 : vector<16xf32>
      %get3A_703 = arith.index_cast %scan3A_142 : i32 to index
      %get3A_704 = arith.constant 736 : index
      %get3A_705 = tpu.vector_load %arg15[%get3A_703, %get3A_704] {strides = array<i32>} : memref<32x768xf32, #tpu.memory_space<vmem>>, vector<16xf32>,
      %mul3A_706 = arith.mulf %get3A_705, %gather3A_147 : vector<16xf32>
      %add3A_707 = arith.addf %mul3A_702, %mul3A_706 : vector<16xf32>
      %swap3A_708 = arith.index_cast %scan3A_142 : i32 to index
      %swap3A_709 = arith.constant 736 : index
      %swap3A_710 = tpu.vector_load %arg14[%swap3A_708, %swap3A_709] {strides = array<i32>} : memref<32x768xf32, #tpu.memory_space<vmem>>, vector<16xf32>,
      tpu.vector_store %arg14[%swap3A_708, %swap3A_709], %add3A_707 {strides = array<i32>} : memref<32x768xf32, #tpu.memory_space<vmem>>, vector<16xf32>,
      %get3A_711 = arith.index_cast %scan3A_142 : i32 to index
      %get3A_712 = arith.constant 752 : index
      %get3A_713 = tpu.vector_load %arg14[%get3A_711, %get3A_712] {strides = array<i32>} : memref<32x768xf32, #tpu.memory_space<vmem>>, vector<16xf32>,
      %mul3A_714 = arith.mulf %get3A_713, %gather3A_146 : vector<16xf32>
      %get3A_715 = arith.index_cast %scan3A_142 : i32 to index
      %get3A_716 = arith.constant 752 : index
      %get3A_717 = tpu.vector_load %arg15[%get3A_715, %get3A_716] {strides = array<i32>} : memref<32x768xf32, #tpu.memory_space<vmem>>, vector<16xf32>,
      %mul3A_718 = arith.mulf %get3A_717, %gather3A_147 : vector<16xf32>
      %add3A_719 = arith.addf %mul3A_714, %mul3A_718 : vector<16xf32>
      %swap3A_720 = arith.index_cast %scan3A_142 : i32 to index
      %swap3A_721 = arith.constant 752 : index
      %swap3A_722 = tpu.vector_load %arg14[%swap3A_720, %swap3A_721] {strides = array<i32>} : memref<32x768xf32, #tpu.memory_space<vmem>>, vector<16xf32>,
      tpu.vector_store %arg14[%swap3A_720, %swap3A_721], %add3A_719 {strides = array<i32>} : memref<32x768xf32, #tpu.memory_space<vmem>>, vector<16xf32>,
    }
    %scan3A_139 = arith.constant 32 : i32
    %add3A_140 = arith.constant 32 : i32
    %add3A_141 = arith.addi %mul3A_2, %add3A_140 : i32
    "tpu.region"() ({
      %run_scoped3A = tpu.sem_alloc : memref<!tpu.dma_semaphore, #tpu.memory_space<semaphore_mem>>
      %dma_start3A_142 = arith.constant 0 : i32
      %dma_start3A_143 = tpu.memref_slice %arg5[%add3A_141, %dma_start3A_142] : memref<2048x768xf32, #tpu.memory_space<hbm>> -> memref<32x768xf32, #tpu.memory_space<hbm>>
      %dma_start3A_144 = arith.constant 0 : i32
      %dma_start3A_145 = tpu.memref_slice %arg5[%add3A_141, %dma_start3A_144] : memref<2048x768xf32, #tpu.memory_space<hbm>> -> memref<32x768xf32, #tpu.memory_space<hbm>>
      tpu.enqueue_dma source(%arg14 : memref<32x768xf32, #tpu.memory_space<vmem>>) target(%dma_start3A_145 : memref<32x768xf32, #tpu.memory_space<hbm>>) target_semaphore(%run_scoped3A : memref<!tpu.dma_semaphore, #tpu.memory_space<semaphore_mem>>)
      %dma_wait3A_146 = arith.constant 0 : i32
      %dma_wait3A_147 = tpu.memref_slice %arg5[%add3A_141, %dma_wait3A_146] : memref<2048x768xf32, #tpu.memory_space<hbm>> -> memref<32x768xf32, #tpu.memory_space<hbm>>
      %dma_wait3A_148 = arith.constant 0 : i32
      %dma_wait3A_149 = tpu.memref_slice %arg5[%add3A_141, %dma_wait3A_148] : memref<2048x768xf32, #tpu.memory_space<hbm>> -> memref<32x768xf32, #tpu.memory_space<hbm>>
      tpu.wait_dma2 semaphore(%run_scoped3A : memref<!tpu.dma_semaphore, #tpu.memory_space<semaphore_mem>>) src(%arg14 : memref<32x768xf32, #tpu.memory_space<vmem>>) dst(%dma_wait3A_149 : memref<32x768xf32, #tpu.memory_space<hbm>>)
      tpu.yield
    }) : () -> ()
    return
  }
}

module attributes {stable_mosaic.version = 14 : i64} {
  func.func @_gemm_body(%arg0: i32, %arg1: memref<24xi32, #tpu.memory_space<smem>>, %arg2: memref<256x768xf32, #tpu.memory_space<vmem>>, %arg3: memref<1x768x768xf32, #tpu.memory_space<vmem>>, %arg4: memref<1x768x768xf32, #tpu.memory_space<vmem>>, %arg5: memref<1x1x768xf32, #tpu.memory_space<vmem>>, %arg6: memref<1x1x768xf32, #tpu.memory_space<vmem>>, %arg7: memref<1x768x768xf32, #tpu.memory_space<vmem>>, %arg8: memref<1x768x768xf32, #tpu.memory_space<vmem>>, %arg9: memref<1x1x768xf32, #tpu.memory_space<vmem>>, %arg10: memref<256x768xf32, #tpu.memory_space<vmem>>) attributes {dimension_semantics = [#tpu.dimension_semantics<arbitrary>], iteration_bounds = array<i64: 24>, scalar_prefetch = 1 : i64, scratch_operands = 0 : i64, tpu.core_type = #tpu.core_type<tc>, window_params = [{transform_indices = @transform_0, window_bounds = array<i64: 256, 768>}, {transform_indices = @transform_1, window_bounds = array<i64: 1, 768, 768>}, {transform_indices = @transform_2, window_bounds = array<i64: 1, 768, 768>}, {transform_indices = @transform_3, window_bounds = array<i64: 1, 1, 768>}, {transform_indices = @transform_4, window_bounds = array<i64: 1, 1, 768>}, {transform_indices = @transform_5, window_bounds = array<i64: 1, 768, 768>}, {transform_indices = @transform_6, window_bounds = array<i64: 1, 768, 768>}, {transform_indices = @transform_7, window_bounds = array<i64: 1, 1, 768>}, {transform_indices = @transform_8, window_bounds = array<i64: 256, 768>}]} {
    %get3A = arith.index_cast %arg0 : i32 to index
    %get3A_0 = memref.load %arg1[%get3A] : memref<24xi32, #tpu.memory_space<smem>>
    %ge3A = arith.constant 0 : i32
    %ge3A_1 = arith.cmpi sge, %get3A_0, %ge3A : i32
    %convert_element_type3A = arith.extui %ge3A_1 : i1 to i32
    %cond3A = arith.constant 0 : i32
    %cond3A_2 = arith.cmpi ne, %convert_element_type3A, %cond3A : i32
    scf.if %cond3A_2 {
      %get3A_3 = arith.constant 0 : index
      %get3A_4 = arith.constant 0 : index
      %get3A_5 = vector.load %arg2[%get3A_3, %get3A_4] : memref<256x768xf32, #tpu.memory_space<vmem>>, vector<256x768xf32>
      %get3A_6 = arith.constant 0 : index
      %get3A_7 = arith.constant 0 : index
      %get3A_8 = arith.constant 0 : index
      %get3A_9 = vector.load %arg3[%get3A_6, %get3A_7, %get3A_8] : memref<1x768x768xf32, #tpu.memory_space<vmem>>, vector<1x768x768xf32>
      %get3A_10 = vector.shape_cast %get3A_9 : vector<1x768x768xf32> to vector<768x768xf32>
      %dot_general3A = arith.constant dense<0.000000e+00> : vector<256x768xf32>
      %dot_general3A_11 = tpu.matmul %get3A_5, %get3A_10, %dot_general3A {dimension_numbers = #tpu.dot_dimension_numbers<[1], [0], [0], [1], [0, 0, 1, 1], [], []>, transpose_lhs_hint = false} : vector<256x768xf32>, vector<768x768xf32>, vector<256x768xf32> -> vector<256x768xf32>
      %get3A_12 = arith.constant 0 : index
      %get3A_13 = arith.constant 0 : index
      %get3A_14 = arith.constant 0 : index
      %get3A_15 = vector.load %arg5[%get3A_12, %get3A_13, %get3A_14] : memref<1x1x768xf32, #tpu.memory_space<vmem>>, vector<1x1x768xf32>
      %get3A_16 = vector.shape_cast %get3A_15 : vector<1x1x768xf32> to vector<1x768xf32>
      %add3A = vector.broadcast %get3A_16 : vector<1x768xf32> to vector<256x768xf32>
      %add3A_17 = arith.addf %dot_general3A_11, %add3A : vector<256x768xf32>
      %max3A = arith.constant 0.000000e+00 : f32
      %max3A_18 = vector.broadcast %max3A : f32 to vector<256x768xf32>
      %max3A_19 = arith.maximumf %add3A_17, %max3A_18 : vector<256x768xf32>
      %get3A_20 = arith.constant 0 : index
      %get3A_21 = arith.constant 0 : index
      %get3A_22 = arith.constant 0 : index
      %get3A_23 = vector.load %arg4[%get3A_20, %get3A_21, %get3A_22] : memref<1x768x768xf32, #tpu.memory_space<vmem>>, vector<1x768x768xf32>
      %get3A_24 = vector.shape_cast %get3A_23 : vector<1x768x768xf32> to vector<768x768xf32>
      %dot_general3A_25 = arith.constant dense<0.000000e+00> : vector<256x768xf32>
      %dot_general3A_26 = tpu.matmul %get3A_5, %get3A_24, %dot_general3A_25 {dimension_numbers = #tpu.dot_dimension_numbers<[1], [0], [0], [1], [0, 0, 1, 1], [], []>, transpose_lhs_hint = false} : vector<256x768xf32>, vector<768x768xf32>, vector<256x768xf32> -> vector<256x768xf32>
      %get3A_27 = arith.constant 0 : index
      %get3A_28 = arith.constant 0 : index
      %get3A_29 = arith.constant 0 : index
      %get3A_30 = vector.load %arg6[%get3A_27, %get3A_28, %get3A_29] : memref<1x1x768xf32, #tpu.memory_space<vmem>>, vector<1x1x768xf32>
      %get3A_31 = vector.shape_cast %get3A_30 : vector<1x1x768xf32> to vector<1x768xf32>
      %add3A_32 = vector.broadcast %get3A_31 : vector<1x768xf32> to vector<256x768xf32>
      %add3A_33 = arith.addf %dot_general3A_26, %add3A_32 : vector<256x768xf32>
      %max3A_34 = arith.constant 0.000000e+00 : f32
      %max3A_35 = vector.broadcast %max3A_34 : f32 to vector<256x768xf32>
      %max3A_36 = arith.maximumf %add3A_33, %max3A_35 : vector<256x768xf32>
      %get3A_37 = arith.constant 0 : index
      %get3A_38 = arith.constant 0 : index
      %get3A_39 = arith.constant 0 : index
      %get3A_40 = vector.load %arg7[%get3A_37, %get3A_38, %get3A_39] : memref<1x768x768xf32, #tpu.memory_space<vmem>>, vector<1x768x768xf32>
      %get3A_41 = vector.shape_cast %get3A_40 : vector<1x768x768xf32> to vector<768x768xf32>
      %dot_general3A_42 = arith.constant dense<0.000000e+00> : vector<256x768xf32>
      %dot_general3A_43 = tpu.matmul %max3A_19, %get3A_41, %dot_general3A_42 {dimension_numbers = #tpu.dot_dimension_numbers<[1], [0], [0], [1], [0, 0, 1, 1], [], []>, transpose_lhs_hint = false} : vector<256x768xf32>, vector<768x768xf32>, vector<256x768xf32> -> vector<256x768xf32>
      %get3A_44 = arith.constant 0 : index
      %get3A_45 = arith.constant 0 : index
      %get3A_46 = arith.constant 0 : index
      %get3A_47 = vector.load %arg8[%get3A_44, %get3A_45, %get3A_46] : memref<1x768x768xf32, #tpu.memory_space<vmem>>, vector<1x768x768xf32>
      %get3A_48 = vector.shape_cast %get3A_47 : vector<1x768x768xf32> to vector<768x768xf32>
      %dot_general3A_49 = arith.constant dense<0.000000e+00> : vector<256x768xf32>
      %dot_general3A_50 = tpu.matmul %max3A_36, %get3A_48, %dot_general3A_49 {dimension_numbers = #tpu.dot_dimension_numbers<[1], [0], [0], [1], [0, 0, 1, 1], [], []>, transpose_lhs_hint = false} : vector<256x768xf32>, vector<768x768xf32>, vector<256x768xf32> -> vector<256x768xf32>
      %add3A_51 = arith.addf %dot_general3A_43, %dot_general3A_50 : vector<256x768xf32>
      %get3A_52 = arith.constant 0 : index
      %get3A_53 = arith.constant 0 : index
      %get3A_54 = arith.constant 0 : index
      %get3A_55 = vector.load %arg9[%get3A_52, %get3A_53, %get3A_54] : memref<1x1x768xf32, #tpu.memory_space<vmem>>, vector<1x1x768xf32>
      %get3A_56 = vector.shape_cast %get3A_55 : vector<1x1x768xf32> to vector<1x768xf32>
      %add3A_57 = vector.broadcast %get3A_56 : vector<1x768xf32> to vector<256x768xf32>
      %add3A_58 = arith.addf %add3A_51, %add3A_57 : vector<256x768xf32>
      %swap3A = arith.constant 0 : index
      %swap3A_59 = arith.constant 0 : index
      %swap3A_60 = vector.load %arg10[%swap3A, %swap3A_59] : memref<256x768xf32, #tpu.memory_space<vmem>>, vector<256x768xf32>
      tpu.vector_store %arg10[%swap3A, %swap3A_59], %add3A_58 {strides = array<i32>} : memref<256x768xf32, #tpu.memory_space<vmem>>, vector<256x768xf32>,
    } else {
    }
    return
  }
  func.func @transform_0(%arg0: i32, %arg1: memref<24xi32, #tpu.memory_space<smem>>) -> (i32, i32) {
    %c0_i32 = arith.constant 0 : i32
    %c0_i32_0 = arith.constant 0 : i32
    return %arg0, %c0_i32 : i32, i32
  }
  func.func @transform_1(%arg0: i32, %arg1: memref<24xi32, #tpu.memory_space<smem>>) -> (i32, i32, i32) {
    %get3A = arith.index_cast %arg0 : i32 to index
    %get3A_0 = memref.load %arg1[%get3A] : memref<24xi32, #tpu.memory_space<smem>>
    %max3A = arith.constant 0 : i32
    %max3A_1 = arith.maxsi %get3A_0, %max3A : i32
    %c0_i32 = arith.constant 0 : i32
    %c0_i32_2 = arith.constant 0 : i32
    %c0_i32_3 = arith.constant 0 : i32
    return %max3A_1, %c0_i32, %c0_i32_2 : i32, i32, i32
  }
  func.func @transform_2(%arg0: i32, %arg1: memref<24xi32, #tpu.memory_space<smem>>) -> (i32, i32, i32) {
    %get3A = arith.index_cast %arg0 : i32 to index
    %get3A_0 = memref.load %arg1[%get3A] : memref<24xi32, #tpu.memory_space<smem>>
    %max3A = arith.constant 0 : i32
    %max3A_1 = arith.maxsi %get3A_0, %max3A : i32
    %c0_i32 = arith.constant 0 : i32
    %c1_i32 = arith.constant 1 : i32
    %c0_i32_2 = arith.constant 0 : i32
    return %max3A_1, %c0_i32, %c1_i32 : i32, i32, i32
  }
  func.func @transform_3(%arg0: i32, %arg1: memref<24xi32, #tpu.memory_space<smem>>) -> (i32, i32, i32) {
    %get3A = arith.index_cast %arg0 : i32 to index
    %get3A_0 = memref.load %arg1[%get3A] : memref<24xi32, #tpu.memory_space<smem>>
    %max3A = arith.constant 0 : i32
    %max3A_1 = arith.maxsi %get3A_0, %max3A : i32
    %c0_i32 = arith.constant 0 : i32
    %c0_i32_2 = arith.constant 0 : i32
    %c0_i32_3 = arith.constant 0 : i32
    return %max3A_1, %c0_i32, %c0_i32_2 : i32, i32, i32
  }
  func.func @transform_4(%arg0: i32, %arg1: memref<24xi32, #tpu.memory_space<smem>>) -> (i32, i32, i32) {
    %get3A = arith.index_cast %arg0 : i32 to index
    %get3A_0 = memref.load %arg1[%get3A] : memref<24xi32, #tpu.memory_space<smem>>
    %max3A = arith.constant 0 : i32
    %max3A_1 = arith.maxsi %get3A_0, %max3A : i32
    %c0_i32 = arith.constant 0 : i32
    %c1_i32 = arith.constant 1 : i32
    %c0_i32_2 = arith.constant 0 : i32
    return %max3A_1, %c0_i32, %c1_i32 : i32, i32, i32
  }
  func.func @transform_5(%arg0: i32, %arg1: memref<24xi32, #tpu.memory_space<smem>>) -> (i32, i32, i32) {
    %get3A = arith.index_cast %arg0 : i32 to index
    %get3A_0 = memref.load %arg1[%get3A] : memref<24xi32, #tpu.memory_space<smem>>
    %max3A = arith.constant 0 : i32
    %max3A_1 = arith.maxsi %get3A_0, %max3A : i32
    %c0_i32 = arith.constant 0 : i32
    %c0_i32_2 = arith.constant 0 : i32
    %c0_i32_3 = arith.constant 0 : i32
    return %max3A_1, %c0_i32, %c0_i32_2 : i32, i32, i32
  }
  func.func @transform_6(%arg0: i32, %arg1: memref<24xi32, #tpu.memory_space<smem>>) -> (i32, i32, i32) {
    %get3A = arith.index_cast %arg0 : i32 to index
    %get3A_0 = memref.load %arg1[%get3A] : memref<24xi32, #tpu.memory_space<smem>>
    %max3A = arith.constant 0 : i32
    %max3A_1 = arith.maxsi %get3A_0, %max3A : i32
    %c1_i32 = arith.constant 1 : i32
    %c0_i32 = arith.constant 0 : i32
    %c0_i32_2 = arith.constant 0 : i32
    return %max3A_1, %c1_i32, %c0_i32 : i32, i32, i32
  }
  func.func @transform_7(%arg0: i32, %arg1: memref<24xi32, #tpu.memory_space<smem>>) -> (i32, i32, i32) {
    %get3A = arith.index_cast %arg0 : i32 to index
    %get3A_0 = memref.load %arg1[%get3A] : memref<24xi32, #tpu.memory_space<smem>>
    %max3A = arith.constant 0 : i32
    %max3A_1 = arith.maxsi %get3A_0, %max3A : i32
    %c0_i32 = arith.constant 0 : i32
    %c0_i32_2 = arith.constant 0 : i32
    %c0_i32_3 = arith.constant 0 : i32
    return %max3A_1, %c0_i32, %c0_i32_2 : i32, i32, i32
  }
  func.func @transform_8(%arg0: i32, %arg1: memref<24xi32, #tpu.memory_space<smem>>) -> (i32, i32) {
    %c0_i32 = arith.constant 0 : i32
    %c0_i32_0 = arith.constant 0 : i32
    return %arg0, %c0_i32 : i32, i32
  }
}

module attributes {stable_mosaic.version = 14 : i64} {
  func.func @_router_plan_body(%arg0: memref<2048x768xf32, #tpu.memory_space<vmem>>, %arg1: memref<768x8xf32, #tpu.memory_space<vmem>>, %arg2: memref<2048x8xi32, #tpu.memory_space<vmem>>, %arg3: memref<2048x8xf32, #tpu.memory_space<vmem>>, %arg4: memref<1x64xi32, #tpu.memory_space<vmem>>) attributes {dimension_semantics = [], scalar_prefetch = 0 : i64, scratch_operands = 0 : i64, tpu.core_type = #tpu.core_type<tc>} {
    %get3A = arith.constant 0 : index
    %get3A_0 = arith.constant 0 : index
    %get3A_1 = vector.load %arg0[%get3A, %get3A_0] : memref<2048x768xf32, #tpu.memory_space<vmem>>, vector<2048x768xf32>
    %get3A_2 = arith.constant 0 : index
    %get3A_3 = arith.constant 0 : index
    %get3A_4 = vector.load %arg1[%get3A_2, %get3A_3] : memref<768x8xf32, #tpu.memory_space<vmem>>, vector<768x8xf32>
    %dot_general3A = arith.constant dense<0.000000e+00> : vector<2048x8xf32>
    %dot_general3A_5 = tpu.matmul %get3A_1, %get3A_4, %dot_general3A {dimension_numbers = #tpu.dot_dimension_numbers<[1], [0], [0], [1], [0, 0, 1, 1], [], []>, transpose_lhs_hint = false} : vector<2048x768xf32>, vector<768x8xf32>, vector<2048x8xf32> -> vector<2048x8xf32>
    %iota3A = tpu.iota {dimensions = array<i32: 1>} : vector<2048x8xi32>
    %reduce_max3A = arith.constant dense<0xFF800000> : vector<2048xf32>
    %reduce_max3A_6 = vector.multi_reduction <maximumf>, %dot_general3A_5, %reduce_max3A [1] : vector<2048x8xf32> to vector<2048xf32>
    %broadcast_in_dim3A = vector.shape_cast %reduce_max3A_6 : vector<2048xf32> to vector<2048x1xf32>
    %argmax3A = tpu.reduce_index %dot_general3A_5 {axis = 1 : i32, kind = #tpu.reduction_kind<arg_max>} : vector<2048x8xf32> -> vector<2048xi32>
    %broadcast_in_dim3A_7 = vector.shape_cast %argmax3A : vector<2048xi32> to vector<2048x1xi32>
    %eq3A = vector.broadcast %broadcast_in_dim3A_7 : vector<2048x1xi32> to vector<2048x8xi32>
    %eq3A_8 = arith.cmpi eq, %iota3A, %eq3A : vector<2048x8xi32>
    %jit3A = arith.constant 0xFF800000 : f32
    %broadcast_in_dim3A_9 = vector.broadcast %jit3A : f32 to vector<2048x8xf32>
    %select_n3A = arith.select %eq3A_8, %broadcast_in_dim3A_9, %dot_general3A_5 : vector<2048x8xi1>, vector<2048x8xf32>
    %reduce_max3A_10 = arith.constant dense<0xFF800000> : vector<2048xf32>
    %reduce_max3A_11 = vector.multi_reduction <maximumf>, %select_n3A, %reduce_max3A_10 [1] : vector<2048x8xf32> to vector<2048xf32>
    %broadcast_in_dim3A_12 = vector.shape_cast %reduce_max3A_11 : vector<2048xf32> to vector<2048x1xf32>
    %argmax3A_13 = tpu.reduce_index %select_n3A {axis = 1 : i32, kind = #tpu.reduction_kind<arg_max>} : vector<2048x8xf32> -> vector<2048xi32>
    %broadcast_in_dim3A_14 = vector.shape_cast %argmax3A_13 : vector<2048xi32> to vector<2048x1xi32>
    %sub3A = arith.subf %broadcast_in_dim3A_12, %broadcast_in_dim3A : vector<2048x1xf32>
    %exp3A = math.exp %sub3A : vector<2048x1xf32>
    %add3A = arith.constant 1.000000e+00 : f32
    %add3A_15 = vector.broadcast %add3A : f32 to vector<2048x1xf32>
    %add3A_16 = arith.addf %add3A_15, %exp3A : vector<2048x1xf32>
    %div3A = arith.constant 1.000000e+00 : f32
    %div3A_17 = vector.broadcast %div3A : f32 to vector<2048x1xf32>
    %div3A_18 = arith.divf %div3A_17, %add3A_16 : vector<2048x1xf32>
    %sub3A_19 = arith.constant 1.000000e+00 : f32
    %sub3A_20 = vector.broadcast %sub3A_19 : f32 to vector<2048x1xf32>
    %sub3A_21 = arith.subf %sub3A_20, %div3A_18 : vector<2048x1xf32>
    %eq3A_22 = vector.broadcast %broadcast_in_dim3A_7 : vector<2048x1xi32> to vector<2048x8xi32>
    %eq3A_23 = arith.cmpi eq, %iota3A, %eq3A_22 : vector<2048x8xi32>
    %convert_element_type3A = arith.extui %eq3A_23 : vector<2048x8xi1> to vector<2048x8xi32>
    %convert_element_type3A_24 = arith.sitofp %convert_element_type3A : vector<2048x8xi32> to vector<2048x8xf32>
    %eq3A_25 = vector.broadcast %broadcast_in_dim3A_14 : vector<2048x1xi32> to vector<2048x8xi32>
    %eq3A_26 = arith.cmpi eq, %iota3A, %eq3A_25 : vector<2048x8xi32>
    %convert_element_type3A_27 = arith.extui %eq3A_26 : vector<2048x8xi1> to vector<2048x8xi32>
    %convert_element_type3A_28 = arith.sitofp %convert_element_type3A_27 : vector<2048x8xi32> to vector<2048x8xf32>
    %iota3A_29 = tpu.iota {dimensions = array<i32: 0>} : vector<2048x2048xi32>
    %iota3A_30 = tpu.iota {dimensions = array<i32: 1>} : vector<2048x2048xi32>
    %ge3A = arith.cmpi sge, %iota3A_29, %iota3A_30 : vector<2048x2048xi32>
    %convert_element_type3A_31 = arith.extui %ge3A : vector<2048x2048xi1> to vector<2048x2048xi32>
    %convert_element_type3A_32 = arith.sitofp %convert_element_type3A_31 : vector<2048x2048xi32> to vector<2048x2048xf32>
    %concatenate3A = tpu.concatenate %convert_element_type3A_24, %convert_element_type3A_28 in 1 : vector<2048x8xf32>, vector<2048x8xf32> -> vector<2048x16xf32>
    %dot_general3A_33 = arith.constant dense<0.000000e+00> : vector<2048x16xf32>
    %dot_general3A_34 = tpu.matmul %convert_element_type3A_32, %concatenate3A, %dot_general3A_33 {dimension_numbers = #tpu.dot_dimension_numbers<[1], [0], [0], [1], [0, 0, 1, 1], [], []>, transpose_lhs_hint = false} : vector<2048x2048xf32>, vector<2048x16xf32>, vector<2048x16xf32> -> vector<2048x16xf32>
    %slice3A = vector.extract_strided_slice %dot_general3A_34 {offsets = [0, 0], sizes = [2048, 8], strides = [1, 1]} : vector<2048x16xf32> to vector<2048x8xf32>
    %slice3A_35 = vector.extract_strided_slice %dot_general3A_34 {offsets = [0, 8], sizes = [2048, 8], strides = [1, 1]} : vector<2048x16xf32> to vector<2048x8xf32>
    %slice3A_36 = vector.extract_strided_slice %slice3A {offsets = [2047, 0], sizes = [1, 8], strides = [1, 1]} : vector<2048x8xf32> to vector<1x8xf32>
    %slice3A_37 = vector.extract_strided_slice %slice3A_35 {offsets = [2047, 0], sizes = [1, 8], strides = [1, 1]} : vector<2048x8xf32> to vector<1x8xf32>
    %add3A_38 = arith.addf %slice3A_36, %slice3A_37 : vector<1x8xf32>
    %div3A_39 = arith.constant 2.560000e+02 : f32
    %div3A_40 = vector.broadcast %div3A_39 : f32 to vector<1x8xf32>
    %div3A_41 = arith.divf %add3A_38, %div3A_40 : vector<1x8xf32>
    %ceil3A = math.ceil %div3A_41 : vector<1x8xf32>
    %mul3A = arith.constant 2.560000e+02 : f32
    %mul3A_42 = vector.broadcast %mul3A : f32 to vector<1x8xf32>
    %mul3A_43 = arith.mulf %ceil3A, %mul3A_42 : vector<1x8xf32>
    %iota3A_44 = tpu.iota {dimensions = array<i32: 0>} : vector<8x8xi32>
    %iota3A_45 = tpu.iota {dimensions = array<i32: 1>} : vector<8x8xi32>
    %lt3A = arith.cmpi slt, %iota3A_44, %iota3A_45 : vector<8x8xi32>
    %convert_element_type3A_46 = arith.extui %lt3A : vector<8x8xi1> to vector<8x8xi32>
    %convert_element_type3A_47 = arith.sitofp %convert_element_type3A_46 : vector<8x8xi32> to vector<8x8xf32>
    %dot_general3A_48 = arith.constant dense<0.000000e+00> : vector<1x8xf32>
    %dot_general3A_49 = tpu.matmul %mul3A_43, %convert_element_type3A_47, %dot_general3A_48 {dimension_numbers = #tpu.dot_dimension_numbers<[1], [0], [0], [1], [0, 0, 1, 1], [], []>, transpose_lhs_hint = false} : vector<1x8xf32>, vector<8x8xf32>, vector<1x8xf32> -> vector<1x8xf32>
    %add3A_50 = vector.broadcast %dot_general3A_49 : vector<1x8xf32> to vector<2048x8xf32>
    %add3A_51 = arith.addf %add3A_50, %slice3A : vector<2048x8xf32>
    %sub3A_52 = arith.constant 1.000000e+00 : f32
    %sub3A_53 = vector.broadcast %sub3A_52 : f32 to vector<2048x8xf32>
    %sub3A_54 = arith.subf %add3A_51, %sub3A_53 : vector<2048x8xf32>
    %mul3A_55 = arith.mulf %convert_element_type3A_24, %sub3A_54 : vector<2048x8xf32>
    %reduce_sum3A = arith.constant dense<0.000000e+00> : vector<2048xf32>
    %reduce_sum3A_56 = vector.multi_reduction <add>, %mul3A_55, %reduce_sum3A [1] : vector<2048x8xf32> to vector<2048xf32>
    %broadcast_in_dim3A_57 = vector.shape_cast %reduce_sum3A_56 : vector<2048xf32> to vector<2048x1xf32>
    %add3A_58 = arith.addf %dot_general3A_49, %slice3A_36 : vector<1x8xf32>
    %add3A_59 = vector.broadcast %add3A_58 : vector<1x8xf32> to vector<2048x8xf32>
    %add3A_60 = arith.addf %add3A_59, %slice3A_35 : vector<2048x8xf32>
    %sub3A_61 = arith.constant 1.000000e+00 : f32
    %sub3A_62 = vector.broadcast %sub3A_61 : f32 to vector<2048x8xf32>
    %sub3A_63 = arith.subf %add3A_60, %sub3A_62 : vector<2048x8xf32>
    %mul3A_64 = arith.mulf %convert_element_type3A_28, %sub3A_63 : vector<2048x8xf32>
    %reduce_sum3A_65 = arith.constant dense<0.000000e+00> : vector<2048xf32>
    %reduce_sum3A_66 = vector.multi_reduction <add>, %mul3A_64, %reduce_sum3A_65 [1] : vector<2048x8xf32> to vector<2048xf32>
    %broadcast_in_dim3A_67 = vector.shape_cast %reduce_sum3A_66 : vector<2048xf32> to vector<2048x1xf32>
    %eq3A_68 = arith.constant 0 : i32
    %eq3A_69 = vector.broadcast %eq3A_68 : i32 to vector<2048x8xi32>
    %eq3A_70 = arith.cmpi eq, %iota3A, %eq3A_69 : vector<2048x8xi32>
    %convert_element_type3A_71 = arith.extui %eq3A_70 : vector<2048x8xi1> to vector<2048x8xi32>
    %convert_element_type3A_72 = arith.sitofp %convert_element_type3A_71 : vector<2048x8xi32> to vector<2048x8xf32>
    %mul3A_73 = vector.broadcast %broadcast_in_dim3A_57 : vector<2048x1xf32> to vector<2048x8xf32>
    %mul3A_74 = arith.mulf %mul3A_73, %convert_element_type3A_72 : vector<2048x8xf32>
    %eq3A_75 = arith.constant 1 : i32
    %eq3A_76 = vector.broadcast %eq3A_75 : i32 to vector<2048x8xi32>
    %eq3A_77 = arith.cmpi eq, %iota3A, %eq3A_76 : vector<2048x8xi32>
    %convert_element_type3A_78 = arith.extui %eq3A_77 : vector<2048x8xi1> to vector<2048x8xi32>
    %convert_element_type3A_79 = arith.sitofp %convert_element_type3A_78 : vector<2048x8xi32> to vector<2048x8xf32>
    %mul3A_80 = vector.broadcast %broadcast_in_dim3A_67 : vector<2048x1xf32> to vector<2048x8xf32>
    %mul3A_81 = arith.mulf %mul3A_80, %convert_element_type3A_79 : vector<2048x8xf32>
    %add3A_82 = arith.addf %mul3A_74, %mul3A_81 : vector<2048x8xf32>
    %convert_element_type3A_83 = arith.fptosi %add3A_82 : vector<2048x8xf32> to vector<2048x8xi32>
    %swap3A = arith.constant 0 : index
    %swap3A_84 = arith.constant 0 : index
    %swap3A_85 = vector.load %arg2[%swap3A, %swap3A_84] : memref<2048x8xi32, #tpu.memory_space<vmem>>, vector<2048x8xi32>
    tpu.vector_store %arg2[%swap3A, %swap3A_84], %convert_element_type3A_83 {strides = array<i32>} : memref<2048x8xi32, #tpu.memory_space<vmem>>, vector<2048x8xi32>,
    %eq3A_86 = arith.constant 0 : i32
    %eq3A_87 = vector.broadcast %eq3A_86 : i32 to vector<2048x8xi32>
    %eq3A_88 = arith.cmpi eq, %iota3A, %eq3A_87 : vector<2048x8xi32>
    %convert_element_type3A_89 = arith.extui %eq3A_88 : vector<2048x8xi1> to vector<2048x8xi32>
    %convert_element_type3A_90 = arith.sitofp %convert_element_type3A_89 : vector<2048x8xi32> to vector<2048x8xf32>
    %mul3A_91 = vector.broadcast %div3A_18 : vector<2048x1xf32> to vector<2048x8xf32>
    %mul3A_92 = arith.mulf %mul3A_91, %convert_element_type3A_90 : vector<2048x8xf32>
    %eq3A_93 = arith.constant 1 : i32
    %eq3A_94 = vector.broadcast %eq3A_93 : i32 to vector<2048x8xi32>
    %eq3A_95 = arith.cmpi eq, %iota3A, %eq3A_94 : vector<2048x8xi32>
    %convert_element_type3A_96 = arith.extui %eq3A_95 : vector<2048x8xi1> to vector<2048x8xi32>
    %convert_element_type3A_97 = arith.sitofp %convert_element_type3A_96 : vector<2048x8xi32> to vector<2048x8xf32>
    %mul3A_98 = vector.broadcast %sub3A_21 : vector<2048x1xf32> to vector<2048x8xf32>
    %mul3A_99 = arith.mulf %mul3A_98, %convert_element_type3A_97 : vector<2048x8xf32>
    %add3A_100 = arith.addf %mul3A_92, %mul3A_99 : vector<2048x8xf32>
    %swap3A_101 = arith.constant 0 : index
    %swap3A_102 = arith.constant 0 : index
    %swap3A_103 = vector.load %arg3[%swap3A_101, %swap3A_102] : memref<2048x8xf32, #tpu.memory_space<vmem>>, vector<2048x8xf32>
    tpu.vector_store %arg3[%swap3A_101, %swap3A_102], %add3A_100 {strides = array<i32>} : memref<2048x8xf32, #tpu.memory_space<vmem>>, vector<2048x8xf32>,
    %iota3A_104 = tpu.iota {dimensions = array<i32: 1>} : vector<1x64xi32>
    %convert_element_type3A_105 = arith.sitofp %iota3A_104 : vector<1x64xi32> to vector<1x64xf32>
    %mul3A_106 = arith.constant 2.560000e+02 : f32
    %mul3A_107 = vector.broadcast %mul3A_106 : f32 to vector<1x64xf32>
    %mul3A_108 = arith.mulf %convert_element_type3A_105, %mul3A_107 : vector<1x64xf32>
    %broadcast_in_dim3A_109 = arith.constant -1.000000e+00 : f32
    %broadcast_in_dim3A_110 = vector.broadcast %broadcast_in_dim3A_109 : f32 to vector<1x64xf32>
    %slice3A_111 = vector.extract_strided_slice %dot_general3A_49 {offsets = [0, 0], sizes = [1, 1], strides = [1, 1]} : vector<1x8xf32> to vector<1x1xf32>
    %ge3A_112 = vector.broadcast %slice3A_111 : vector<1x1xf32> to vector<1x64xf32>
    %ge3A_113 = arith.cmpf oge, %mul3A_108, %ge3A_112 : vector<1x64xf32>
    %slice3A_114 = vector.extract_strided_slice %mul3A_43 {offsets = [0, 0], sizes = [1, 1], strides = [1, 1]} : vector<1x8xf32> to vector<1x1xf32>
    %add3A_115 = arith.addf %slice3A_111, %slice3A_114 : vector<1x1xf32>
    %lt3A_116 = vector.broadcast %add3A_115 : vector<1x1xf32> to vector<1x64xf32>
    %lt3A_117 = arith.cmpf olt, %mul3A_108, %lt3A_116 : vector<1x64xf32>
    %and3A = arith.andi %ge3A_113, %lt3A_117 : vector<1x64xi1>
    %convert_element_type3A_118 = arith.extui %and3A : vector<1x64xi1> to vector<1x64xi32>
    %convert_element_type3A_119 = arith.sitofp %convert_element_type3A_118 : vector<1x64xi32> to vector<1x64xf32>
    %mul3A_120 = arith.constant 1.000000e+00 : f32
    %mul3A_121 = vector.broadcast %mul3A_120 : f32 to vector<1x64xf32>
    %mul3A_122 = arith.mulf %mul3A_121, %convert_element_type3A_119 : vector<1x64xf32>
    %add3A_123 = arith.addf %broadcast_in_dim3A_110, %mul3A_122 : vector<1x64xf32>
    %slice3A_124 = vector.extract_strided_slice %dot_general3A_49 {offsets = [0, 1], sizes = [1, 1], strides = [1, 1]} : vector<1x8xf32> to vector<1x1xf32>
    %ge3A_125 = vector.broadcast %slice3A_124 : vector<1x1xf32> to vector<1x64xf32>
    %ge3A_126 = arith.cmpf oge, %mul3A_108, %ge3A_125 : vector<1x64xf32>
    %slice3A_127 = vector.extract_strided_slice %mul3A_43 {offsets = [0, 1], sizes = [1, 1], strides = [1, 1]} : vector<1x8xf32> to vector<1x1xf32>
    %add3A_128 = arith.addf %slice3A_124, %slice3A_127 : vector<1x1xf32>
    %lt3A_129 = vector.broadcast %add3A_128 : vector<1x1xf32> to vector<1x64xf32>
    %lt3A_130 = arith.cmpf olt, %mul3A_108, %lt3A_129 : vector<1x64xf32>
    %and3A_131 = arith.andi %ge3A_126, %lt3A_130 : vector<1x64xi1>
    %convert_element_type3A_132 = arith.extui %and3A_131 : vector<1x64xi1> to vector<1x64xi32>
    %convert_element_type3A_133 = arith.sitofp %convert_element_type3A_132 : vector<1x64xi32> to vector<1x64xf32>
    %mul3A_134 = arith.constant 2.000000e+00 : f32
    %mul3A_135 = vector.broadcast %mul3A_134 : f32 to vector<1x64xf32>
    %mul3A_136 = arith.mulf %mul3A_135, %convert_element_type3A_133 : vector<1x64xf32>
    %add3A_137 = arith.addf %add3A_123, %mul3A_136 : vector<1x64xf32>
    %slice3A_138 = vector.extract_strided_slice %dot_general3A_49 {offsets = [0, 2], sizes = [1, 1], strides = [1, 1]} : vector<1x8xf32> to vector<1x1xf32>
    %ge3A_139 = vector.broadcast %slice3A_138 : vector<1x1xf32> to vector<1x64xf32>
    %ge3A_140 = arith.cmpf oge, %mul3A_108, %ge3A_139 : vector<1x64xf32>
    %slice3A_141 = vector.extract_strided_slice %mul3A_43 {offsets = [0, 2], sizes = [1, 1], strides = [1, 1]} : vector<1x8xf32> to vector<1x1xf32>
    %add3A_142 = arith.addf %slice3A_138, %slice3A_141 : vector<1x1xf32>
    %lt3A_143 = vector.broadcast %add3A_142 : vector<1x1xf32> to vector<1x64xf32>
    %lt3A_144 = arith.cmpf olt, %mul3A_108, %lt3A_143 : vector<1x64xf32>
    %and3A_145 = arith.andi %ge3A_140, %lt3A_144 : vector<1x64xi1>
    %convert_element_type3A_146 = arith.extui %and3A_145 : vector<1x64xi1> to vector<1x64xi32>
    %convert_element_type3A_147 = arith.sitofp %convert_element_type3A_146 : vector<1x64xi32> to vector<1x64xf32>
    %mul3A_148 = arith.constant 3.000000e+00 : f32
    %mul3A_149 = vector.broadcast %mul3A_148 : f32 to vector<1x64xf32>
    %mul3A_150 = arith.mulf %mul3A_149, %convert_element_type3A_147 : vector<1x64xf32>
    %add3A_151 = arith.addf %add3A_137, %mul3A_150 : vector<1x64xf32>
    %slice3A_152 = vector.extract_strided_slice %dot_general3A_49 {offsets = [0, 3], sizes = [1, 1], strides = [1, 1]} : vector<1x8xf32> to vector<1x1xf32>
    %ge3A_153 = vector.broadcast %slice3A_152 : vector<1x1xf32> to vector<1x64xf32>
    %ge3A_154 = arith.cmpf oge, %mul3A_108, %ge3A_153 : vector<1x64xf32>
    %slice3A_155 = vector.extract_strided_slice %mul3A_43 {offsets = [0, 3], sizes = [1, 1], strides = [1, 1]} : vector<1x8xf32> to vector<1x1xf32>
    %add3A_156 = arith.addf %slice3A_152, %slice3A_155 : vector<1x1xf32>
    %lt3A_157 = vector.broadcast %add3A_156 : vector<1x1xf32> to vector<1x64xf32>
    %lt3A_158 = arith.cmpf olt, %mul3A_108, %lt3A_157 : vector<1x64xf32>
    %and3A_159 = arith.andi %ge3A_154, %lt3A_158 : vector<1x64xi1>
    %convert_element_type3A_160 = arith.extui %and3A_159 : vector<1x64xi1> to vector<1x64xi32>
    %convert_element_type3A_161 = arith.sitofp %convert_element_type3A_160 : vector<1x64xi32> to vector<1x64xf32>
    %mul3A_162 = arith.constant 4.000000e+00 : f32
    %mul3A_163 = vector.broadcast %mul3A_162 : f32 to vector<1x64xf32>
    %mul3A_164 = arith.mulf %mul3A_163, %convert_element_type3A_161 : vector<1x64xf32>
    %add3A_165 = arith.addf %add3A_151, %mul3A_164 : vector<1x64xf32>
    %slice3A_166 = vector.extract_strided_slice %dot_general3A_49 {offsets = [0, 4], sizes = [1, 1], strides = [1, 1]} : vector<1x8xf32> to vector<1x1xf32>
    %ge3A_167 = vector.broadcast %slice3A_166 : vector<1x1xf32> to vector<1x64xf32>
    %ge3A_168 = arith.cmpf oge, %mul3A_108, %ge3A_167 : vector<1x64xf32>
    %slice3A_169 = vector.extract_strided_slice %mul3A_43 {offsets = [0, 4], sizes = [1, 1], strides = [1, 1]} : vector<1x8xf32> to vector<1x1xf32>
    %add3A_170 = arith.addf %slice3A_166, %slice3A_169 : vector<1x1xf32>
    %lt3A_171 = vector.broadcast %add3A_170 : vector<1x1xf32> to vector<1x64xf32>
    %lt3A_172 = arith.cmpf olt, %mul3A_108, %lt3A_171 : vector<1x64xf32>
    %and3A_173 = arith.andi %ge3A_168, %lt3A_172 : vector<1x64xi1>
    %convert_element_type3A_174 = arith.extui %and3A_173 : vector<1x64xi1> to vector<1x64xi32>
    %convert_element_type3A_175 = arith.sitofp %convert_element_type3A_174 : vector<1x64xi32> to vector<1x64xf32>
    %mul3A_176 = arith.constant 5.000000e+00 : f32
    %mul3A_177 = vector.broadcast %mul3A_176 : f32 to vector<1x64xf32>
    %mul3A_178 = arith.mulf %mul3A_177, %convert_element_type3A_175 : vector<1x64xf32>
    %add3A_179 = arith.addf %add3A_165, %mul3A_178 : vector<1x64xf32>
    %slice3A_180 = vector.extract_strided_slice %dot_general3A_49 {offsets = [0, 5], sizes = [1, 1], strides = [1, 1]} : vector<1x8xf32> to vector<1x1xf32>
    %ge3A_181 = vector.broadcast %slice3A_180 : vector<1x1xf32> to vector<1x64xf32>
    %ge3A_182 = arith.cmpf oge, %mul3A_108, %ge3A_181 : vector<1x64xf32>
    %slice3A_183 = vector.extract_strided_slice %mul3A_43 {offsets = [0, 5], sizes = [1, 1], strides = [1, 1]} : vector<1x8xf32> to vector<1x1xf32>
    %add3A_184 = arith.addf %slice3A_180, %slice3A_183 : vector<1x1xf32>
    %lt3A_185 = vector.broadcast %add3A_184 : vector<1x1xf32> to vector<1x64xf32>
    %lt3A_186 = arith.cmpf olt, %mul3A_108, %lt3A_185 : vector<1x64xf32>
    %and3A_187 = arith.andi %ge3A_182, %lt3A_186 : vector<1x64xi1>
    %convert_element_type3A_188 = arith.extui %and3A_187 : vector<1x64xi1> to vector<1x64xi32>
    %convert_element_type3A_189 = arith.sitofp %convert_element_type3A_188 : vector<1x64xi32> to vector<1x64xf32>
    %mul3A_190 = arith.constant 6.000000e+00 : f32
    %mul3A_191 = vector.broadcast %mul3A_190 : f32 to vector<1x64xf32>
    %mul3A_192 = arith.mulf %mul3A_191, %convert_element_type3A_189 : vector<1x64xf32>
    %add3A_193 = arith.addf %add3A_179, %mul3A_192 : vector<1x64xf32>
    %slice3A_194 = vector.extract_strided_slice %dot_general3A_49 {offsets = [0, 6], sizes = [1, 1], strides = [1, 1]} : vector<1x8xf32> to vector<1x1xf32>
    %ge3A_195 = vector.broadcast %slice3A_194 : vector<1x1xf32> to vector<1x64xf32>
    %ge3A_196 = arith.cmpf oge, %mul3A_108, %ge3A_195 : vector<1x64xf32>
    %slice3A_197 = vector.extract_strided_slice %mul3A_43 {offsets = [0, 6], sizes = [1, 1], strides = [1, 1]} : vector<1x8xf32> to vector<1x1xf32>
    %add3A_198 = arith.addf %slice3A_194, %slice3A_197 : vector<1x1xf32>
    %lt3A_199 = vector.broadcast %add3A_198 : vector<1x1xf32> to vector<1x64xf32>
    %lt3A_200 = arith.cmpf olt, %mul3A_108, %lt3A_199 : vector<1x64xf32>
    %and3A_201 = arith.andi %ge3A_196, %lt3A_200 : vector<1x64xi1>
    %convert_element_type3A_202 = arith.extui %and3A_201 : vector<1x64xi1> to vector<1x64xi32>
    %convert_element_type3A_203 = arith.sitofp %convert_element_type3A_202 : vector<1x64xi32> to vector<1x64xf32>
    %mul3A_204 = arith.constant 7.000000e+00 : f32
    %mul3A_205 = vector.broadcast %mul3A_204 : f32 to vector<1x64xf32>
    %mul3A_206 = arith.mulf %mul3A_205, %convert_element_type3A_203 : vector<1x64xf32>
    %add3A_207 = arith.addf %add3A_193, %mul3A_206 : vector<1x64xf32>
    %slice3A_208 = vector.extract_strided_slice %dot_general3A_49 {offsets = [0, 7], sizes = [1, 1], strides = [1, 1]} : vector<1x8xf32> to vector<1x1xf32>
    %ge3A_209 = vector.broadcast %slice3A_208 : vector<1x1xf32> to vector<1x64xf32>
    %ge3A_210 = arith.cmpf oge, %mul3A_108, %ge3A_209 : vector<1x64xf32>
    %slice3A_211 = vector.extract_strided_slice %mul3A_43 {offsets = [0, 7], sizes = [1, 1], strides = [1, 1]} : vector<1x8xf32> to vector<1x1xf32>
    %add3A_212 = arith.addf %slice3A_208, %slice3A_211 : vector<1x1xf32>
    %lt3A_213 = vector.broadcast %add3A_212 : vector<1x1xf32> to vector<1x64xf32>
    %lt3A_214 = arith.cmpf olt, %mul3A_108, %lt3A_213 : vector<1x64xf32>
    %and3A_215 = arith.andi %ge3A_210, %lt3A_214 : vector<1x64xi1>
    %convert_element_type3A_216 = arith.extui %and3A_215 : vector<1x64xi1> to vector<1x64xi32>
    %convert_element_type3A_217 = arith.sitofp %convert_element_type3A_216 : vector<1x64xi32> to vector<1x64xf32>
    %mul3A_218 = arith.constant 8.000000e+00 : f32
    %mul3A_219 = vector.broadcast %mul3A_218 : f32 to vector<1x64xf32>
    %mul3A_220 = arith.mulf %mul3A_219, %convert_element_type3A_217 : vector<1x64xf32>
    %add3A_221 = arith.addf %add3A_207, %mul3A_220 : vector<1x64xf32>
    %convert_element_type3A_222 = arith.fptosi %add3A_221 : vector<1x64xf32> to vector<1x64xi32>
    %swap3A_223 = arith.constant 0 : index
    %swap3A_224 = arith.constant 0 : index
    %swap3A_225 = vector.load %arg4[%swap3A_223, %swap3A_224] : memref<1x64xi32, #tpu.memory_space<vmem>>, vector<1x64xi32>
    tpu.vector_store %arg4[%swap3A_223, %swap3A_224], %convert_element_type3A_222 {strides = array<i32>} : memref<1x64xi32, #tpu.memory_space<vmem>>, vector<1x64xi32>,
    return
  }
}

</mosaic_0001>

<sc_bundles>
// kernel: kernel.6.cloned.1.call-start
scs
__scs_entry_jumppad:
0x0: {  	(pc) =	sbr.rel $0x88, $3  }
0x1: {  	(tag) =	ssettag $0x0;
	lr =	simm.s32 $0x1  }
0x2: {  	[smem:$0x3F9B] =	sst lr;
	_ =	strace $0xD0000000  }
0x3: {  	_ = 	snop  }
0x4: {  	_ = 	snop  }
0x5: {  	_ = 	snop  }
0x6: {  	_ = 	snop  }
0x7: {  	_ = 	snop  }
__scs_overlays_trampoline_lowered:
0x8: {  	[smem:$0x3FAA] =	sst s0  }
0x9: {  	[smem:$0x3FAB] =	sst s1  }
0xa: {  	[smem:$0x3FAC] =	sst s2  }
0xb: {  	[smem:$0x3FAD] =	sst s3  }
0xc: {  	[smem:$0x3FAE] =	sst s4  }
0xd: {  	[smem:$0x3FAF] =	sst s5  }
0xe: {  	[smem:$0x3FB0] =	sst s6  }
0xf: {  	[smem:$0x3FB1] =	sst s7  }
0x10: {  	[smem:$0x3FB2] =	sst s8  }
0x11: {  	[smem:$0x3FB3] =	sst s9;
	s0 =	simm.s32 @!p0 $0x0  }
0x12: {  	s1 =	sld [smem:$0x3F99];
	s0 =	simm.s32 @p0 $0x1  }
0x13: {  	[smem:$0x3FB4] =	sst s0;
	s0 =	simm.s32 @!p1 $0x0  }
0x14: {  	s2 =	sld [smem:$0x3F98];
	s0 =	simm.s32 @p1 $0x1  }
0x15: {  	[smem:$0x3FB5] =	sst s0;
	s0 =	simm.s32 @!p2 $0x0  }
0x16: {  	s3 =	sld [smem:$0x3FDB];
	s0 =	simm.s32 @p2 $0x1  }
0x17: {  	s4 =	simm.s32 $0x1BF5;
	[smem:$0x3FB7] =	sst s0  }
0x18: {  	s0 =	sld [smem:$0x3F9A];
	_ =	swait.ge [sflag:s4], $0x0  }
0x19: {  	s7 =	sld [smem:$0x3F9B]  }
0x1a: {  	s8 =	sadd.s32 $0xFFFFE003, lr  }
0x1b: {  	s9 =	sadd.s32 $0xFFFFFEF7, lr;
	s5 =	simm.s32 $0xFFFFFFFF;
	p2 =	slt.u32 s8, $0xFFFFF086  }
0x1c: {  	p1 =	slt.u32 s9, $0xF7A;
	s5 =	simm.s32 @!p2 $0x0  }
0x1d: {  	s5 =	simm.s32 @p1 $0x1;
	p0 =	seq.s32 s7, s2  }
0x1e: {  	s7 =	smul.u32 @!p0 $0xF7A, s2;
	p2 =	seq.s32 @!p0 s5, $0x0  }
0x1f: {  	s9 =	smul.u32 $0xF7A, s1;
	s8 =	simm.s32 @!p0 $0x1BF5;
	p2 =	por !p2, p0  }
0x20: {  	[sflag:s8] =	ssyncset.s32 @!p0 $0xFFFFF086;
	s6 =	sadd.s32 @!p0 s3, s7;
	s7 =	simm.s32 @!p0 $0x108  }
0x21: {  	s3 =	sadd.s32 s3, s9;
	s6 =	sadd.s32 @!p0 $0x88, s6;
	s7 =	simm.s32 @p2 $0x1082  }
0x22: {  	[simem:s7], [sflag:s8] =	dma.local @!p0 [hbm:s6], $0xF7A  }
0x23: {  	s9 =	sor.u32 $0xD0000000, s2;
	s6 =	simm.s32 $0x108;
	_ =	swait.ge @!p0 [sflag:s8], $0x0  }
0x24: {  	s3 =	sadd.s32 $0x88, s3;
	s6 =	simm.s32 @!p1 $0x1082;
	[sflag:s4] =	ssyncset.s32 $0xFFFFF086  }
0x25: {  	[simem:s6], [sflag:s4] =	dma.local [hbm:s3], $0xF7A  }
0x26: {  	[smem:$0x3F9B] =	sst s1;
	(tag) =	ssettag s2;
	_ =	strace s9  }
0x27: {  	s1 =	sld [smem:$0x3FAB]  }
0x28: {  	s2 =	sld [smem:$0x3FAC]  }
0x29: {  	s4 =	sld [smem:$0x3FAE]  }
0x2a: {  	p0 =	seq.s32 s5, $0x0;
	s5 =	sld [smem:$0x3FAF]  }
0x2b: {  	s6 =	sld [smem:$0x3FB0]  }
0x2c: {  	s7 =	sld [smem:$0x3FB1]  }
0x2d: {  	s3 =	simm.s32 $0x108;
	s8 =	sld [smem:$0x3FB2]  }
0x2e: {  	s3 =	simm.s32 @!p0 $0x1082;
	s9 =	sld [smem:$0x3FB3]  }
0x2f: {  	lr =	sadd.s32 s0, s3;
	s0 =	sld [smem:$0x3FAA]  }
0x30: {  	s3 =	sld [smem:$0x3FAD]  }
0x31: {  	[smem:$0x3FB6] =	sst s10  }
0x32: {  	s10 =	sld [smem:$0x3FB4];
	_ =	sdelay $0x3  }
0x33: {  	p0 =	seq.s32 s10, $0x1;
	s10 =	sld [smem:$0x3FB6];
	_ =	sdelay $0x3  }
0x34: {  	[smem:$0x3FB6] =	sst s10  }
0x35: {  	s10 =	sld [smem:$0x3FB5];
	_ =	sdelay $0x3  }
0x36: {  	p1 =	seq.s32 s10, $0x1;
	s10 =	sld [smem:$0x3FB6];
	_ =	sdelay $0x3  }
0x37: {  	[smem:$0x3FB6] =	sst s10  }
0x38: {  	s10 =	sld [smem:$0x3FB7]  }
0x39: {  	_ = 	snop;
	(pc) =	sbr.ind lr, $3  }
0x3a: {  	_ = 	snop  }
0x3b: {  	_ = 	snop  }
0x3c: {  	p2 =	seq.s32 s10, $0x1;
	s10 =	sld [smem:$0x3FB6]  }
0x3d: {  	_ =	shalt  }
0x3e: {  	_ =	shalt  }
0x3f: {  	_ =	shalt  }
0x40: {  	_ =	shalt  }
0x41: {  	_ =	shalt  }
0x42: {  	_ =	shalt  }
0x43: {  	_ =	shalt  }
0x44: {  	_ =	shalt  }
0x45: {  	_ =	shalt  }
0x46: {  	_ =	shalt  }
0x47: {  	_ =	shalt  }
0x48: {  	_ =	shalt  }
0x49: {  	_ =	shalt  }
0x4a: {  	_ =	shalt  }
0x4b: {  	_ =	shalt  }
0x4c: {  	_ =	shalt  }
0x4d: {  	_ =	shalt  }
0x4e: {  	_ =	shalt  }
0x4f: {  	_ =	shalt  }
0x50: {  	_ =	shalt  }
0x51: {  	_ =	shalt  }
0x52: {  	_ =	shalt  }
0x53: {  	_ =	shalt  }
0x54: {  	_ =	shalt  }
0x55: {  	_ =	shalt  }
0x56: {  	_ =	shalt  }
0x57: {  	_ =	shalt  }
0x58: {  	_ =	shalt  }
0x59: {  	_ =	shalt  }
0x5a: {  	_ =	shalt  }
0x5b: {  	_ =	shalt  }
0x5c: {  	_ =	shalt  }
0x5d: {  	_ =	shalt  }
0x5e: {  	_ =	shalt  }
0x5f: {  	_ =	shalt  }
0x60: {  	_ =	shalt  }
0x61: {  	_ =	shalt  }
0x62: {  	_ =	shalt  }
0x63: {  	_ =	shalt  }
0x64: {  	_ =	shalt  }
0x65: {  	_ =	shalt  }
0x66: {  	_ =	shalt  }
0x67: {  	_ =	shalt  }
0x68: {  	_ =	shalt  }
0x69: {  	_ =	shalt  }
0x6a: {  	_ =	shalt  }
0x6b: {  	_ =	shalt  }
0x6c: {  	_ =	shalt  }
0x6d: {  	_ =	shalt  }
0x6e: {  	_ =	shalt  }
0x6f: {  	_ =	shalt  }
0x70: {  	_ =	shalt  }
0x71: {  	_ =	shalt  }
0x72: {  	_ =	shalt  }
0x73: {  	_ =	shalt  }
0x74: {  	_ =	shalt  }
0x75: {  	_ =	shalt  }
0x76: {  	_ =	shalt  }
0x77: {  	_ =	shalt  }
0x78: {  	_ =	shalt  }
0x79: {  	_ =	shalt  }
0x7a: {  	_ =	shalt  }
0x7b: {  	_ =	shalt  }
0x7c: {  	_ =	shalt  }
0x7d: {  	_ =	shalt  }
0x7e: {  	_ =	shalt  }
0x7f: {  	_ =	shalt  }
0x80: {  	_ =	shalt  }
0x81: {  	_ =	shalt  }
0x82: {  	_ =	shalt  }
0x83: {  	_ =	shalt  }
0x84: {  	_ =	shalt  }
0x85: {  	_ =	shalt  }
0x86: {  	_ =	shalt  }
0x87: {  	_ =	shalt  }
.Lfunc_end0:
.L_simem_size_0:
called_computation_lowered:
.L_overlay_start_0:
0x88: {  	s2 =	sld [smem:$0x3FD9]  }
0x89: {  	s3 =	sld [smem:$0x3FFE];
	_ =	sdelay $0x1  }
0x8a: {  	s1 =	srdreg.scid  }
0x8b: {  	s0 =	sand.u32 $0x1, s1  }
0x8c: {  	s17 =	sshll.u32 s0, $0xA;
	s2 =	sadd.s32 s3, s2  }
0x8d: {  	s2 =	sadd.s32 s2, s17  }
0x8e: {  	[smem:$0x3FC2] =	sst s2  }
0x8f: {  	_ = 	snop  }
0x90: {  	s2 =	sld [smem:$0x3FC9];
	(tm) =	ssettm $0x1  }
0x91: {  	s18 =	sld [smem:$0x3FFB];
	_ =	sdelay $0x3  }
0x92: {  	_ =	strace s18  }
0x93: {  	s3 =	sld [smem:$0x3FFC];
	_ =	sdelay $0x3  }
0x94: {  	_ =	strace s3  }
0x95: {  	s3 =	sld [smem:$0x3FFD];
	_ =	sdelay $0x3  }
0x96: {  	_ =	strace s3  }
0x97: {  	_ =	strace $0x8FFFFFFF  }
0x98: {  	s19 =	sld [smem:$0x3FDB];
	_ =	sdelay $0x1  }
0x99: {  	s4 =	simm.s32 $_scs_section_size  }
0x9a: {  	s5 =	simm.s32 $_size__tile_overlayer_lowered;
	s6 =	simm.s32 $_tile_overlayer_lowered  }
0x9b: {  	s22 =	simm.s32 $0x1BFF;
	s21 =	sshll.u32 s6, $0x1;
	s3 =	sadd.s32 s4, s19  }
0x9c: {  	s7 =	simm.s32 $0x0;
	s20 =	sshll.u32 s5, $0x1;
	s5 =	sadd.s32 s21, s3  }
0x9d: {  	[timem:s7], [sflag:s22] =	dma.local [hbm:s5], s20  }
0x9e: {  	_ =	swait.ge [sflag:s22], s20  }
0x9f: {  	s4 =	ssub.s32 $0x0, s20;
	[sflag:s22] =	ssyncset.done $0x0  }
0xa0: {  	[sflag:s22] =	ssyncadd.s32 s4;
	_ =	sdelay $0x1  }
0xa1: {  	s23 =	simm.s32 $0x1B8B  }
0xa2: {  	_ =	swait.ge [sflag:s23], $0x1  }
0xa3: {  	[sflag:s23] =	ssyncset.done $0x0  }
0xa4: {  	s25 =	simm.s32 $0x1B8E;
	s24 =	sld [smem:$0x3FFE];
	[sflag:s23] =	ssyncadd.s32 $0xFFFFFFFF  }
0xa5: {  	s26 =	simm.s32 $execute0_lowered;
	[smem:$0x3FD2] =	sst s25  }
0xa6: {  	s5 =	sshll.u32 s26, $0x1;
	_ =	strace $0x80000046;
	[dreg:$0x1] =	wrdreg $0xFFFFFFFF  }
0xa7: {  	s28 =	simm.s32 $_size_execute0_lowered;
	s3 =	sadd.s32 s3, s5;
	[dreg:$0x0] =	wrdreg $0x0  }
0xa8: {  	s5 =	sshll.u32 s28, $0x1;
	[dreg:$0x2] =	wrdreg s3  }
0xa9: {  	[dreg:$0x3] =	wrdreg s5  }
0xaa: {  	[dreg:$0x4] =	wrdreg $0xC0  }
0xab: {  	_ =	task [dreg:s7], $0x5FFFF  }
0xac: {  	[dreg:$0x1] =	wrdreg $0xFFFFFFFF  }
0xad: {  	[dreg:$0x0] =	wrdreg $0x60  }
0xae: {  	[dreg:$0x2] =	wrdreg s2  }
0xaf: {  	[dreg:$0x3] =	wrdreg s24  }
0xb0: {  	[dreg:$0x4] =	wrdreg $0x9  }
0xb1: {  	_ =	task.clear_ibuf [dreg:s7], $0x5FFFF;
	_ =	strace $0x90000046  }
0xb2: {  	s29 =	simm.s32 $0x9;
	_ =	strace $0x80000048  }
0xb3: {  	_ =	swait.ge [sflag:s29], $0x1  }
0xb4: {  	[sflag:s29] =	ssyncadd.s32 $0xFFFFFFFF  }
0xb5: {  	_ =	strace $0x90000048  }
0xb6: {  	_ =	sfence  }
0xb7: {  	s30 =	sld [smem:$0x0];
	_ =	sdelay $0x2  }
0xb8: {  	s31 =	sshll.u32 s1, $0xD;
	s1 =	sshrl.u32 s1, $0x2  }
0xb9: {  	s3 =	sand.u32 $0x4000, s31;
	s1 =	sadd.s32 s1, s30  }
0xba: {  	s0 =	sor.u32 s3, s0;
	s1 =	sshll.u32 s1, $0x11  }
0xbb: {  	s0 =	sor.u32 s1, s0  }
0xbc: {  	s0 =	sadd.s32 $0x8F2B, s0  }
0xbd: {  	[sflag:s0] =	ssyncadd.remote.s32 $0x1  }
0xbe: {  	_ =	sfence.sel $0xFFFF  }
0xbf: {  	[dreg:$0x0] =	wrdreg $0xFFFFFFFF;
	(pc) =	sbr.abs _section_cstart, $3  }
0xc0: {  	[dreg:$0x1] =	wrdreg $0xFFFFFFFF  }
0xc1: {  	_ =	task.clear_ibuf [dreg:s7], $0x2FFFF;
	_ =	strace $0x9FFFFFFF  }
0xc2: {  	(tm) =	ssettm $0x7FFFFFFF  }
0xc3: {  	_ =	shalt  }
tec
execute0_lowered:
.L_overlay_start_1:
0x0: {  	(tag) =	ssettag $0x1  }
0x1: {  	s0 =	rddreg [dreg:$0x0]  }
0x2: {  	s1 =	rddreg [dreg:$0x1];
	s2 =	srdreg.scid  }
0x3: {  	s4 =	stileid.u32;
	s8 =	simm.s32 $0x2100;
	s10 =	simm.s32 $0x3100  }
0x4: {  	s11 =	simm.s32 $0x3900;
	s12 =	simm.s32 $0x4100;
	s13 =	simm.s32 $0x4900  }
0x5: {  	s14 =	simm.s32 $0x5100;
	s15 =	simm.s32 $0x5900;
	s16 =	simm.s32 $0x6100  }
0x6: {  	s17 =	simm.s32 $0x6900;
	s18 =	simm.s32 $0x7100;
	s19 =	simm.s32 $0x7900  }
0x7: {  	s20 =	simm.s32 $0x8100;
	s21 =	simm.s32 $0x8900;
	s22 =	simm.s32 $0x9100  }
0x8: {  	s23 =	simm.s32 $0x9900;
	s24 =	simm.s32 $0xA100;
	s25 =	simm.s32 $0xA900  }
0x9: {  	s26 =	simm.s32 $0xB100;
	s28 =	simm.s32 $0xB900;
	s29 =	simm.s32 $0xC100  }
0xa: {  	s30 =	simm.s32 $0xC900;
	s31 =	simm.s32 $0xD100;
	s3 =	sand.u32 $0x1, s2  }
0xb: {  	s2 =	simm.s32 $0x0;
	s4 =	sshll.u32 s4, $0x7;
	s5 =	sshll.u32 s3, $0x6  }
0xc: {  	[smem:$0x7FF] =	sst s2;
	s6 =	ssub.s32 $0x2, s3;
	s4 =	sor.u32 s5, s4  }
0xd: {  	v10 =	vlaneseq.u32;
	s3 =	sadd.s32 $0x11600, s1;
	_ =	strace $0x80000047;
	s5 =	sshll.u32 s4, $0x4  }
0xe: {  	v0 =	vmul.u32 $0x80, v10;
	s7 =	sshrl.u32 s6, $0x1;
	s4 =	sshrl.u32 s4, $0x3;
	s5 =	sadd.s32 s5, s1  }
0xf: {  	vm0 =	vmmov $0xffff;
	v9 =	vshrl.u32 v10, $0x3;
	v8 =	vand.u32 $0x7, v10;
	s6 =	ssub.s32 s6, s7;
	s4 =	smul.u32 $0x300, s4;
	s5 =	sadd.s32 $0x1600, s5  }
0x10: {  	v10 =	vor.u32 $0x8, v10;
	v9 =	vmul.u32 $0x8, v9;
	v1 =	vor.u32 $0x1, v0;
	s7 =	simm.s32 $0x2;
	s6 =	smax.u32 s6, $0x1;
	[dreg:$0x3] =	wrdreg s5  }
0x11: {  	v2 =	vor.u32 $0x800, v0;
	v3 =	vor.u32 $0x801, v0;
	v4 =	vor.u32 $0x1000, v0;
	s0 =	sadd.s32 s0, s4;
	s4 =	sadd.s32 $0x11700, s1;
	s5 =	sadd.s32 $0x11800, s1  }
0x12: {  	v5 =	vor.u32 $0x1001, v0;
	v6 =	vor.u32 $0x1800, v0;
	v7 =	vor.u32 $0x1801, v0;
	s1 =	simm.s32 $0x1;
	[dreg:$0x4] =	wrdreg s0;
	s0 =	simm.s32 $0xD900  }
.LBB2_1:
0x13: {  	s9 =	rddreg [dreg:$0x3]  }
0x14: {  	[tilespmem:s2], [sflag:$0x2] =	stream.linear.gather [hbm4b:s9+s2], $0x2000, $0x38;
	[tilespmem:$0xE100] =	vst v63  }
0x15: {  	_ =	swait.ge [sflag:s7], $0x2000  }
0x16: {  	[sflag:s7] =	ssyncset.done $0x0  }
0x17: {  	s9 =	rddreg [dreg:$0x4];
	[sflag:s7] =	ssyncadd.s32 $0xFFFFE000  }
0x18: {  	[tilespmem:s8], [sflag:$0x2] =	stream.linear.gather [hbm4b:s9+s2], $0xC000, $0x38;
	[tilespmem:$0xE100] =	vst v63  }
0x19: {  	_ =	swait.ge [sflag:s7], $0xC000  }
0x1a: {  	[sflag:s7] =	ssyncset.done $0x0  }
0x1b: {  	[sflag:s7] =	ssyncadd.s32 $0xFFFF4000  }
0x1c: {  	v11 =	vld.idx.msk [tilespmem:v0+s2+$0x0], $0xffff;
	_ =	sdelay $0x4  }
0x1d: {  	[tilespmem:$0x2000] =	vst v11  }
0x1e: {  	v11 =	vld.idx.msk [tilespmem:v1+s2+$0x0], $0xffff;
	_ =	sdelay $0x4  }
0x1f: {  	[tilespmem:$0x2080] =	vst v11  }
0x20: {  	v11 =	vld.idx.msk [tilespmem:v2+s2+$0x0], $0xffff;
	_ =	sdelay $0x4  }
0x21: {  	[tilespmem:$0x2010] =	vst v11  }
0x22: {  	v11 =	vld.idx.msk [tilespmem:v3+s2+$0x0], $0xffff;
	_ =	sdelay $0x4  }
0x23: {  	[tilespmem:$0x2090] =	vst v11  }
0x24: {  	v11 =	vld.idx.msk [tilespmem:v4+s2+$0x0], $0xffff;
	_ =	sdelay $0x4  }
0x25: {  	[tilespmem:$0x2020] =	vst v11  }
0x26: {  	v11 =	vld.idx.msk [tilespmem:v5+s2+$0x0], $0xffff;
	_ =	sdelay $0x1  }
0x27: {  	v12 =	vld [tilespmem:$0x2000];
	_ =	sdelay $0x2  }
0x28: {  	[tilespmem:$0x20A0] =	vst v11  }
0x29: {  	v11 =	vld.idx.msk [tilespmem:v6+s2+$0x0], $0xffff  }
0x2a: {  	v13 =	vshrl.u32 v12, $0x3  }
0x2b: {  	v13 =	vmul.u32 $0x30, v13  }
0x2c: {  	v12 =	vand.u32 $0x7, v12  }
0x2d: {  	v12 =	vor.u32 v12, v13  }
0x2e: {  	[tilespmem:$0x2030] =	vst v11;
	v11 =	vperm.xlane v12, v8  }
0x2f: {  	v56 =	vld.idx.msk [tilespmem:v7+s2+$0x0], $0xffff  }
0x30: {  	v11 =	vadd.s32 v9, v11;
	_ =	sdelay $0x3  }
0x31: {  	v12 =	vperm.xlane v12, v10;
	[tilespmem:$0x20B0] =	vst v56  }
0x32: {  	[hbm4b:s3+s2] =	stream.indirect_vreg.scatter [tilespmem:s8], [sflag:$0x1], $0x80, v11, vm0, $0xb8;
	[tilespmem:$0xE100] =	vst v63  }
0x33: {  	s9 =	simm.s32 $0x2900;
	v12 =	vadd.s32 v9, v12  }
0x34: {  	[hbm4b:s4+s2] =	stream.indirect_vreg.scatter [tilespmem:s9], [sflag:$0x1], $0x80, v11, vm0, $0xb8;
	[tilespmem:$0xE100] =	vst v63  }
0x35: {  	_ = 	snop  }
0x36: {  	[hbm4b:s5+s2] =	stream.indirect_vreg.scatter [tilespmem:s10], [sflag:$0x1], $0x80, v11, vm0, $0xb8;
	[tilespmem:$0xE100] =	vst v63  }
0x37: {  	_ = 	snop  }
0x38: {  	[hbm4b:s3+s2] =	stream.indirect_vreg.scatter [tilespmem:s11], [sflag:$0x1], $0x80, v12, vm0, $0xb8;
	[tilespmem:$0xE100] =	vst v63  }
0x39: {  	_ = 	snop  }
0x3a: {  	[hbm4b:s4+s2] =	stream.indirect_vreg.scatter [tilespmem:s12], [sflag:$0x1], $0x80, v12, vm0, $0xb8;
	[tilespmem:$0xE100] =	vst v63  }
0x3b: {  	_ = 	snop  }
0x3c: {  	[hbm4b:s5+s2] =	stream.indirect_vreg.scatter [tilespmem:s13], [sflag:$0x1], $0x80, v12, vm0, $0xb8;
	[tilespmem:$0xE100] =	vst v63  }
0x3d: {  	v11 =	vld [tilespmem:$0x2010];
	_ =	sdelay $0x4  }
0x3e: {  	v57 =	vshrl.u32 v11, $0x3  }
0x3f: {  	v12 =	vmul.u32 $0x30, v57  }
0x40: {  	v11 =	vand.u32 $0x7, v11  }
0x41: {  	v11 =	vor.u32 v11, v12  }
0x42: {  	v12 =	vperm.xlane v11, v8;
	_ =	sdelay $0x1  }
0x43: {  	v12 =	vadd.s32 v9, v12;
	_ =	sdelay $0x3  }
0x44: {  	v11 =	vperm.xlane v11, v10  }
0x45: {  	[hbm4b:s3+s2] =	stream.indirect_vreg.scatter [tilespmem:s14], [sflag:$0x1], $0x80, v12, vm0, $0xb8;
	[tilespmem:$0xE100] =	vst v63  }
0x46: {  	v11 =	vadd.s32 v9, v11  }
0x47: {  	[hbm4b:s4+s2] =	stream.indirect_vreg.scatter [tilespmem:s15], [sflag:$0x1], $0x80, v12, vm0, $0xb8;
	[tilespmem:$0xE100] =	vst v63  }
0x48: {  	_ = 	snop  }
0x49: {  	[hbm4b:s5+s2] =	stream.indirect_vreg.scatter [tilespmem:s16], [sflag:$0x1], $0x80, v12, vm0, $0xb8;
	[tilespmem:$0xE100] =	vst v63  }
0x4a: {  	_ = 	snop  }
0x4b: {  	[hbm4b:s3+s2] =	stream.indirect_vreg.scatter [tilespmem:s17], [sflag:$0x1], $0x80, v11, vm0, $0xb8;
	[tilespmem:$0xE100] =	vst v63  }
0x4c: {  	_ = 	snop  }
0x4d: {  	[hbm4b:s4+s2] =	stream.indirect_vreg.scatter [tilespmem:s18], [sflag:$0x1], $0x80, v11, vm0, $0xb8;
	[tilespmem:$0xE100] =	vst v63  }
0x4e: {  	_ = 	snop  }
0x4f: {  	[hbm4b:s5+s2] =	stream.indirect_vreg.scatter [tilespmem:s19], [sflag:$0x1], $0x80, v11, vm0, $0xb8;
	[tilespmem:$0xE100] =	vst v63  }
0x50: {  	v11 =	vld [tilespmem:$0x2020];
	_ =	sdelay $0x4  }
0x51: {  	v58 =	vshrl.u32 v11, $0x3  }
0x52: {  	v12 =	vmul.u32 $0x30, v58  }
0x53: {  	v11 =	vand.u32 $0x7, v11  }
0x54: {  	v11 =	vor.u32 v11, v12  }
0x55: {  	v12 =	vperm.xlane v11, v8;
	_ =	sdelay $0x1  }
0x56: {  	v12 =	vadd.s32 v9, v12;
	_ =	sdelay $0x3  }
0x57: {  	v11 =	vperm.xlane v11, v10  }
0x58: {  	[hbm4b:s3+s2] =	stream.indirect_vreg.scatter [tilespmem:s20], [sflag:$0x1], $0x80, v12, vm0, $0xb8;
	[tilespmem:$0xE100] =	vst v63  }
0x59: {  	v11 =	vadd.s32 v9, v11  }
0x5a: {  	[hbm4b:s4+s2] =	stream.indirect_vreg.scatter [tilespmem:s21], [sflag:$0x1], $0x80, v12, vm0, $0xb8;
	[tilespmem:$0xE100] =	vst v63  }
0x5b: {  	_ = 	snop  }
0x5c: {  	[hbm4b:s5+s2] =	stream.indirect_vreg.scatter [tilespmem:s22], [sflag:$0x1], $0x80, v12, vm0, $0xb8;
	[tilespmem:$0xE100] =	vst v63  }
0x5d: {  	_ = 	snop  }
0x5e: {  	[hbm4b:s3+s2] =	stream.indirect_vreg.scatter [tilespmem:s23], [sflag:$0x1], $0x80, v11, vm0, $0xb8;
	[tilespmem:$0xE100] =	vst v63  }
0x5f: {  	_ = 	snop  }
0x60: {  	[hbm4b:s4+s2] =	stream.indirect_vreg.scatter [tilespmem:s24], [sflag:$0x1], $0x80, v11, vm0, $0xb8;
	[tilespmem:$0xE100] =	vst v63  }
0x61: {  	_ = 	snop  }
0x62: {  	[hbm4b:s5+s2] =	stream.indirect_vreg.scatter [tilespmem:s25], [sflag:$0x1], $0x80, v11, vm0, $0xb8;
	[tilespmem:$0xE100] =	vst v63  }
0x63: {  	v11 =	vld [tilespmem:$0x2030];
	_ =	sdelay $0x4  }
0x64: {  	v59 =	vshrl.u32 v11, $0x3  }
0x65: {  	v12 =	vmul.u32 $0x30, v59  }
0x66: {  	v11 =	vand.u32 $0x7, v11  }
0x67: {  	v11 =	vor.u32 v11, v12  }
0x68: {  	v12 =	vperm.xlane v11, v8;
	_ =	sdelay $0x1  }
0x69: {  	v12 =	vadd.s32 v9, v12;
	_ =	sdelay $0x3  }
0x6a: {  	v11 =	vperm.xlane v11, v10  }
0x6b: {  	[hbm4b:s3+s2] =	stream.indirect_vreg.scatter [tilespmem:s26], [sflag:$0x1], $0x80, v12, vm0, $0xb8;
	[tilespmem:$0xE100] =	vst v63  }
0x6c: {  	v11 =	vadd.s32 v9, v11  }
0x6d: {  	[hbm4b:s4+s2] =	stream.indirect_vreg.scatter [tilespmem:s28], [sflag:$0x1], $0x80, v12, vm0, $0xb8;
	[tilespmem:$0xE100] =	vst v63  }
0x6e: {  	_ = 	snop  }
0x6f: {  	[hbm4b:s5+s2] =	stream.indirect_vreg.scatter [tilespmem:s29], [sflag:$0x1], $0x80, v12, vm0, $0xb8;
	[tilespmem:$0xE100] =	vst v63  }
0x70: {  	_ = 	snop  }
0x71: {  	[hbm4b:s3+s2] =	stream.indirect_vreg.scatter [tilespmem:s30], [sflag:$0x1], $0x80, v11, vm0, $0xb8;
	[tilespmem:$0xE100] =	vst v63  }
0x72: {  	_ = 	snop  }
0x73: {  	[hbm4b:s4+s2] =	stream.indirect_vreg.scatter [tilespmem:s31], [sflag:$0x1], $0x80, v11, vm0, $0xb8;
	[tilespmem:$0xE100] =	vst v63  }
0x74: {  	_ = 	snop  }
0x75: {  	[hbm4b:s5+s2] =	stream.indirect_vreg.scatter [tilespmem:s0], [sflag:$0x1], $0x80, v11, vm0, $0xb8;
	[tilespmem:$0xE100] =	vst v63  }
0x76: {  	v11 =	vld [tilespmem:$0x2080];
	_ =	sdelay $0x4  }
0x77: {  	v60 =	vshrl.u32 v11, $0x3  }
0x78: {  	v12 =	vmul.u32 $0x30, v60  }
0x79: {  	v11 =	vand.u32 $0x7, v11  }
0x7a: {  	v11 =	vor.u32 v11, v12  }
0x7b: {  	v12 =	vperm.xlane v11, v8;
	_ =	sdelay $0x1  }
0x7c: {  	v12 =	vadd.s32 v9, v12;
	_ =	sdelay $0x3  }
0x7d: {  	v11 =	vperm.xlane v11, v10  }
0x7e: {  	[hbm4b:s3+s2] =	stream.indirect_vreg.scatter [tilespmem:s8], [sflag:$0x1], $0x80, v12, vm0, $0xb8;
	[tilespmem:$0xE100] =	vst v63  }
0x7f: {  	v11 =	vadd.s32 v9, v11  }
0x80: {  	[hbm4b:s4+s2] =	stream.indirect_vreg.scatter [tilespmem:s9], [sflag:$0x1], $0x80, v12, vm0, $0xb8;
	[tilespmem:$0xE100] =	vst v63  }
0x81: {  	_ = 	snop  }
0x82: {  	[hbm4b:s5+s2] =	stream.indirect_vreg.scatter [tilespmem:s10], [sflag:$0x1], $0x80, v12, vm0, $0xb8;
	[tilespmem:$0xE100] =	vst v63  }
0x83: {  	_ = 	snop  }
0x84: {  	[hbm4b:s3+s2] =	stream.indirect_vreg.scatter [tilespmem:s11], [sflag:$0x1], $0x80, v11, vm0, $0xb8;
	[tilespmem:$0xE100] =	vst v63  }
0x85: {  	_ = 	snop  }
0x86: {  	[hbm4b:s4+s2] =	stream.indirect_vreg.scatter [tilespmem:s12], [sflag:$0x1], $0x80, v11, vm0, $0xb8;
	[tilespmem:$0xE100] =	vst v63  }
0x87: {  	_ = 	snop  }
0x88: {  	[hbm4b:s5+s2] =	stream.indirect_vreg.scatter [tilespmem:s13], [sflag:$0x1], $0x80, v11, vm0, $0xb8;
	[tilespmem:$0xE100] =	vst v63  }
0x89: {  	v11 =	vld [tilespmem:$0x2090];
	_ =	sdelay $0x4  }
0x8a: {  	v61 =	vshrl.u32 v11, $0x3  }
0x8b: {  	v12 =	vmul.u32 $0x30, v61  }
0x8c: {  	v11 =	vand.u32 $0x7, v11  }
0x8d: {  	v11 =	vor.u32 v11, v12  }
0x8e: {  	v12 =	vperm.xlane v11, v8;
	_ =	sdelay $0x1  }
0x8f: {  	v12 =	vadd.s32 v9, v12;
	_ =	sdelay $0x3  }
0x90: {  	v11 =	vperm.xlane v11, v10  }
0x91: {  	[hbm4b:s3+s2] =	stream.indirect_vreg.scatter [tilespmem:s14], [sflag:$0x1], $0x80, v12, vm0, $0xb8;
	[tilespmem:$0xE100] =	vst v63  }
0x92: {  	v11 =	vadd.s32 v9, v11  }
0x93: {  	[hbm4b:s4+s2] =	stream.indirect_vreg.scatter [tilespmem:s15], [sflag:$0x1], $0x80, v12, vm0, $0xb8;
	[tilespmem:$0xE100] =	vst v63  }
0x94: {  	_ = 	snop  }
0x95: {  	[hbm4b:s5+s2] =	stream.indirect_vreg.scatter [tilespmem:s16], [sflag:$0x1], $0x80, v12, vm0, $0xb8;
	[tilespmem:$0xE100] =	vst v63  }
0x96: {  	_ = 	snop  }
0x97: {  	[hbm4b:s3+s2] =	stream.indirect_vreg.scatter [tilespmem:s17], [sflag:$0x1], $0x80, v11, vm0, $0xb8;
	[tilespmem:$0xE100] =	vst v63  }
0x98: {  	_ = 	snop  }
0x99: {  	[hbm4b:s4+s2] =	stream.indirect_vreg.scatter [tilespmem:s18], [sflag:$0x1], $0x80, v11, vm0, $0xb8;
	[tilespmem:$0xE100] =	vst v63  }
0x9a: {  	_ = 	snop  }
0x9b: {  	[hbm4b:s5+s2] =	stream.indirect_vreg.scatter [tilespmem:s19], [sflag:$0x1], $0x80, v11, vm0, $0xb8;
	[tilespmem:$0xE100] =	vst v63  }
0x9c: {  	v11 =	vld [tilespmem:$0x20A0];
	_ =	sdelay $0x4  }
0x9d: {  	v62 =	vshrl.u32 v11, $0x3  }
0x9e: {  	v12 =	vmul.u32 $0x30, v62  }
0x9f: {  	v11 =	vand.u32 $0x7, v11  }
0xa0: {  	v11 =	vor.u32 v11, v12  }
0xa1: {  	v12 =	vperm.xlane v11, v8;
	_ =	sdelay $0x1  }
0xa2: {  	v12 =	vadd.s32 v9, v12;
	_ =	sdelay $0x3  }
0xa3: {  	v11 =	vperm.xlane v11, v10  }
0xa4: {  	[hbm4b:s3+s2] =	stream.indirect_vreg.scatter [tilespmem:s20], [sflag:$0x1], $0x80, v12, vm0, $0xb8;
	[tilespmem:$0xE100] =	vst v63  }
0xa5: {  	v11 =	vadd.s32 v9, v11  }
0xa6: {  	[hbm4b:s4+s2] =	stream.indirect_vreg.scatter [tilespmem:s21], [sflag:$0x1], $0x80, v12, vm0, $0xb8;
	[tilespmem:$0xE100] =	vst v63  }
0xa7: {  	_ = 	snop  }
0xa8: {  	[hbm4b:s5+s2] =	stream.indirect_vreg.scatter [tilespmem:s22], [sflag:$0x1], $0x80, v12, vm0, $0xb8;
	[tilespmem:$0xE100] =	vst v63  }
0xa9: {  	_ = 	snop  }
0xaa: {  	[hbm4b:s3+s2] =	stream.indirect_vreg.scatter [tilespmem:s23], [sflag:$0x1], $0x80, v11, vm0, $0xb8;
	[tilespmem:$0xE100] =	vst v63  }
0xab: {  	_ = 	snop  }
0xac: {  	[hbm4b:s4+s2] =	stream.indirect_vreg.scatter [tilespmem:s24], [sflag:$0x1], $0x80, v11, vm0, $0xb8;
	[tilespmem:$0xE100] =	vst v63  }
0xad: {  	_ = 	snop  }
0xae: {  	[hbm4b:s5+s2] =	stream.indirect_vreg.scatter [tilespmem:s25], [sflag:$0x1], $0x80, v11, vm0, $0xb8;
	[tilespmem:$0xE100] =	vst v63  }
0xaf: {  	v11 =	vld [tilespmem:$0x20B0];
	_ =	sdelay $0x4  }
0xb0: {  	v63 =	vshrl.u32 v11, $0x3  }
0xb1: {  	v12 =	vmul.u32 $0x30, v63  }
0xb2: {  	v11 =	vand.u32 $0x7, v11  }
0xb3: {  	v11 =	vor.u32 v11, v12  }
0xb4: {  	v12 =	vperm.xlane v11, v8;
	_ =	sdelay $0x1  }
0xb5: {  	v12 =	vadd.s32 v9, v12;
	_ =	sdelay $0x3  }
0xb6: {  	v11 =	vperm.xlane v11, v10  }
0xb7: {  	[hbm4b:s3+s2] =	stream.indirect_vreg.scatter [tilespmem:s26], [sflag:$0x1], $0x80, v12, vm0, $0xb8;
	[tilespmem:$0xE100] =	vst v63  }
0xb8: {  	v11 =	vadd.s32 v9, v11  }
0xb9: {  	[hbm4b:s4+s2] =	stream.indirect_vreg.scatter [tilespmem:s28], [sflag:$0x1], $0x80, v12, vm0, $0xb8;
	[tilespmem:$0xE100] =	vst v63  }
0xba: {  	_ = 	snop  }
0xbb: {  	[hbm4b:s5+s2] =	stream.indirect_vreg.scatter [tilespmem:s29], [sflag:$0x1], $0x80, v12, vm0, $0xb8;
	[tilespmem:$0xE100] =	vst v63  }
0xbc: {  	_ = 	snop  }
0xbd: {  	[hbm4b:s3+s2] =	stream.indirect_vreg.scatter [tilespmem:s30], [sflag:$0x1], $0x80, v11, vm0, $0xb8;
	[tilespmem:$0xE100] =	vst v63  }
0xbe: {  	_ = 	snop  }
0xbf: {  	[hbm4b:s4+s2] =	stream.indirect_vreg.scatter [tilespmem:s31], [sflag:$0x1], $0x80, v11, vm0, $0xb8;
	[tilespmem:$0xE100] =	vst v63  }
0xc0: {  	_ = 	snop  }
0xc1: {  	[hbm4b:s5+s2] =	stream.indirect_vreg.scatter [tilespmem:s0], [sflag:$0x1], $0x80, v11, vm0, $0xb8;
	[tilespmem:$0xE100] =	vst v63  }
0xc2: {  	p0 =	sne.s32 s6, $0x1;
	_ =	swait.ge [sflag:s1], $0xC000  }
.Ltmp0:
0xc3: {  	[sflag:s1] =	ssyncset.done $0x0;
	(pc) =	sbr.rel @p0 .LBB2_1-.Ltmp0, $4  }
0xc4: {  	[sflag:s1] =	ssyncadd.s32 $0xFFFF4000  }
0xc5: {  	_ =	swait.ge [sflag:s1], $0xC000  }
0xc6: {  	[sflag:s1] =	ssyncset.done $0x0  }
0xc7: {  	s6 =	sadd.s32 $0xFFFFFFFF, s6;
	[sflag:s1] =	ssyncadd.s32 $0xFFFF4000  }
0xc8: {  	_ =	sfence.sel $0x180000  }
0xc9: {  	[bflag:$0x0] =	sbarrier.arrive $0xFFFF  }
0xca: {  	_ =	strace $0x90000047  }
0xcb: {  	s0 =	stileid.u32;
	[bflag:$0x2] =	sbarrier.arrive $0xFFFF  }
0xcc: {  	p0 =	sne.s32 s0, $0x0;
	s0 =	rddreg [dreg:$0x2]  }
0xcd: {  	s0 =	sadd.s32 @!p0 $0x100000, s0  }
0xce: {  	[sflag:s0] =	ssyncadd.tile.s32 @!p0 $0x1;
	_ =	shalt  }
.Lfunc_end2:
_tile_overlayer_lowered:
.L_overlay_start_2:
0xcf: {  	(tag) =	ssettag $0x2  }
0xd0: {  	s0 =	rddreg [dreg:$0x0];
	s2 =	stileid.u32  }
0xd1: {  	s1 =	rddreg [dreg:$0x1];
	p0 =	sne.s32 s2, $0x0  }
0xd2: {  	s3 =	rddreg [dreg:$0x2];
	[bflag:$0x3] =	sbarrier.arrive $0xFFFF;
	s2 =	simm.s32 @!p0 $0x1C02  }
0xd3: {  	[timem:s3], [sflag:s2] =	dma.local @!p0 [hbm:s0], s1  }
0xd4: {  	s0 =	simm.s32 @!p0 $0x2  }
0xd5: {  	_ =	swait.ge @!p0 [sflag:s0], s1  }
0xd6: {  	s1 =	ssub.s32 @!p0 $0x0, s1;
	[sflag:s0] =	ssyncset.done @!p0 $0x0  }
0xd7: {  	[sflag:s0] =	ssyncadd.s32 @!p0 s1  }
0xd8: {  	[bflag:$0x3] =	sbarrier.arrive $0xFFFF  }
0xd9: {  	_ =	shalt  }

// kernel: kernel.9.cloned.1.call-start
scs
__scs_entry_jumppad:
0x0: {  	(pc) =	sbr.rel $0x88, $3  }
0x1: {  	(tag) =	ssettag $0x0;
	lr =	simm.s32 $0x1  }
0x2: {  	[smem:$0x3F9B] =	sst lr;
	_ =	strace $0xD0000000  }
0x3: {  	_ = 	snop  }
0x4: {  	_ = 	snop  }
0x5: {  	_ = 	snop  }
0x6: {  	_ = 	snop  }
0x7: {  	_ = 	snop  }
__scs_overlays_trampoline_lowered:
0x8: {  	[smem:$0x3FAA] =	sst s0  }
0x9: {  	[smem:$0x3FAB] =	sst s1  }
0xa: {  	[smem:$0x3FAC] =	sst s2  }
0xb: {  	[smem:$0x3FAD] =	sst s3  }
0xc: {  	[smem:$0x3FAE] =	sst s4  }
0xd: {  	[smem:$0x3FAF] =	sst s5  }
0xe: {  	[smem:$0x3FB0] =	sst s6  }
0xf: {  	[smem:$0x3FB1] =	sst s7  }
0x10: {  	[smem:$0x3FB2] =	sst s8  }
0x11: {  	[smem:$0x3FB3] =	sst s9;
	s0 =	simm.s32 @!p0 $0x0  }
0x12: {  	s1 =	sld [smem:$0x3F99];
	s0 =	simm.s32 @p0 $0x1  }
0x13: {  	[smem:$0x3FB4] =	sst s0;
	s0 =	simm.s32 @!p1 $0x0  }
0x14: {  	s2 =	sld [smem:$0x3F98];
	s0 =	simm.s32 @p1 $0x1  }
0x15: {  	[smem:$0x3FB5] =	sst s0;
	s0 =	simm.s32 @!p2 $0x0  }
0x16: {  	s3 =	sld [smem:$0x3FDB];
	s0 =	simm.s32 @p2 $0x1  }
0x17: {  	s4 =	simm.s32 $0x1BF5;
	[smem:$0x3FB7] =	sst s0  }
0x18: {  	s0 =	sld [smem:$0x3F9A];
	_ =	swait.ge [sflag:s4], $0x0  }
0x19: {  	s7 =	sld [smem:$0x3F9B]  }
0x1a: {  	s8 =	sadd.s32 $0xFFFFE003, lr  }
0x1b: {  	s9 =	sadd.s32 $0xFFFFFEF7, lr;
	s5 =	simm.s32 $0xFFFFFFFF;
	p2 =	slt.u32 s8, $0xFFFFF086  }
0x1c: {  	p1 =	slt.u32 s9, $0xF7A;
	s5 =	simm.s32 @!p2 $0x0  }
0x1d: {  	s5 =	simm.s32 @p1 $0x1;
	p0 =	seq.s32 s7, s2  }
0x1e: {  	s7 =	smul.u32 @!p0 $0xF7A, s2;
	p2 =	seq.s32 @!p0 s5, $0x0  }
0x1f: {  	s9 =	smul.u32 $0xF7A, s1;
	s8 =	simm.s32 @!p0 $0x1BF5;
	p2 =	por !p2, p0  }
0x20: {  	[sflag:s8] =	ssyncset.s32 @!p0 $0xFFFFF086;
	s6 =	sadd.s32 @!p0 s3, s7;
	s7 =	simm.s32 @!p0 $0x108  }
0x21: {  	s3 =	sadd.s32 s3, s9;
	s6 =	sadd.s32 @!p0 $0x88, s6;
	s7 =	simm.s32 @p2 $0x1082  }
0x22: {  	[simem:s7], [sflag:s8] =	dma.local @!p0 [hbm:s6], $0xF7A  }
0x23: {  	s9 =	sor.u32 $0xD0000000, s2;
	s6 =	simm.s32 $0x108;
	_ =	swait.ge @!p0 [sflag:s8], $0x0  }
0x24: {  	s3 =	sadd.s32 $0x88, s3;
	s6 =	simm.s32 @!p1 $0x1082;
	[sflag:s4] =	ssyncset.s32 $0xFFFFF086  }
0x25: {  	[simem:s6], [sflag:s4] =	dma.local [hbm:s3], $0xF7A  }
0x26: {  	[smem:$0x3F9B] =	sst s1;
	(tag) =	ssettag s2;
	_ =	strace s9  }
0x27: {  	s1 =	sld [smem:$0x3FAB]  }
0x28: {  	s2 =	sld [smem:$0x3FAC]  }
0x29: {  	s4 =	sld [smem:$0x3FAE]  }
0x2a: {  	p0 =	seq.s32 s5, $0x0;
	s5 =	sld [smem:$0x3FAF]  }
0x2b: {  	s6 =	sld [smem:$0x3FB0]  }
0x2c: {  	s7 =	sld [smem:$0x3FB1]  }
0x2d: {  	s3 =	simm.s32 $0x108;
	s8 =	sld [smem:$0x3FB2]  }
0x2e: {  	s3 =	simm.s32 @!p0 $0x1082;
	s9 =	sld [smem:$0x3FB3]  }
0x2f: {  	lr =	sadd.s32 s0, s3;
	s0 =	sld [smem:$0x3FAA]  }
0x30: {  	s3 =	sld [smem:$0x3FAD]  }
0x31: {  	[smem:$0x3FB6] =	sst s10  }
0x32: {  	s10 =	sld [smem:$0x3FB4];
	_ =	sdelay $0x3  }
0x33: {  	p0 =	seq.s32 s10, $0x1;
	s10 =	sld [smem:$0x3FB6];
	_ =	sdelay $0x3  }
0x34: {  	[smem:$0x3FB6] =	sst s10  }
0x35: {  	s10 =	sld [smem:$0x3FB5];
	_ =	sdelay $0x3  }
0x36: {  	p1 =	seq.s32 s10, $0x1;
	s10 =	sld [smem:$0x3FB6];
	_ =	sdelay $0x3  }
0x37: {  	[smem:$0x3FB6] =	sst s10  }
0x38: {  	s10 =	sld [smem:$0x3FB7]  }
0x39: {  	_ = 	snop;
	(pc) =	sbr.ind lr, $3  }
0x3a: {  	_ = 	snop  }
0x3b: {  	_ = 	snop  }
0x3c: {  	p2 =	seq.s32 s10, $0x1;
	s10 =	sld [smem:$0x3FB6]  }
0x3d: {  	_ =	shalt  }
0x3e: {  	_ =	shalt  }
0x3f: {  	_ =	shalt  }
0x40: {  	_ =	shalt  }
0x41: {  	_ =	shalt  }
0x42: {  	_ =	shalt  }
0x43: {  	_ =	shalt  }
0x44: {  	_ =	shalt  }
0x45: {  	_ =	shalt  }
0x46: {  	_ =	shalt  }
0x47: {  	_ =	shalt  }
0x48: {  	_ =	shalt  }
0x49: {  	_ =	shalt  }
0x4a: {  	_ =	shalt  }
0x4b: {  	_ =	shalt  }
0x4c: {  	_ =	shalt  }
0x4d: {  	_ =	shalt  }
0x4e: {  	_ =	shalt  }
0x4f: {  	_ =	shalt  }
0x50: {  	_ =	shalt  }
0x51: {  	_ =	shalt  }
0x52: {  	_ =	shalt  }
0x53: {  	_ =	shalt  }
0x54: {  	_ =	shalt  }
0x55: {  	_ =	shalt  }
0x56: {  	_ =	shalt  }
0x57: {  	_ =	shalt  }
0x58: {  	_ =	shalt  }
0x59: {  	_ =	shalt  }
0x5a: {  	_ =	shalt  }
0x5b: {  	_ =	shalt  }
0x5c: {  	_ =	shalt  }
0x5d: {  	_ =	shalt  }
0x5e: {  	_ =	shalt  }
0x5f: {  	_ =	shalt  }
0x60: {  	_ =	shalt  }
0x61: {  	_ =	shalt  }
0x62: {  	_ =	shalt  }
0x63: {  	_ =	shalt  }
0x64: {  	_ =	shalt  }
0x65: {  	_ =	shalt  }
0x66: {  	_ =	shalt  }
0x67: {  	_ =	shalt  }
0x68: {  	_ =	shalt  }
0x69: {  	_ =	shalt  }
0x6a: {  	_ =	shalt  }
0x6b: {  	_ =	shalt  }
0x6c: {  	_ =	shalt  }
0x6d: {  	_ =	shalt  }
0x6e: {  	_ =	shalt  }
0x6f: {  	_ =	shalt  }
0x70: {  	_ =	shalt  }
0x71: {  	_ =	shalt  }
0x72: {  	_ =	shalt  }
0x73: {  	_ =	shalt  }
0x74: {  	_ =	shalt  }
0x75: {  	_ =	shalt  }
0x76: {  	_ =	shalt  }
0x77: {  	_ =	shalt  }
0x78: {  	_ =	shalt  }
0x79: {  	_ =	shalt  }
0x7a: {  	_ =	shalt  }
0x7b: {  	_ =	shalt  }
0x7c: {  	_ =	shalt  }
0x7d: {  	_ =	shalt  }
0x7e: {  	_ =	shalt  }
0x7f: {  	_ =	shalt  }
0x80: {  	_ =	shalt  }
0x81: {  	_ =	shalt  }
0x82: {  	_ =	shalt  }
0x83: {  	_ =	shalt  }
0x84: {  	_ =	shalt  }
0x85: {  	_ =	shalt  }
0x86: {  	_ =	shalt  }
0x87: {  	_ =	shalt  }
.Lfunc_end0:
.L_simem_size_0:
called_computation.1_lowered:
.L_overlay_start_0:
0x88: {  	s2 =	sld [smem:$0x3FD9]  }
0x89: {  	s3 =	sld [smem:$0x3FFE];
	_ =	sdelay $0x1  }
0x8a: {  	s1 =	srdreg.scid  }
0x8b: {  	s0 =	sand.u32 $0x1, s1  }
0x8c: {  	s17 =	sshll.u32 s0, $0xA;
	s2 =	sadd.s32 s3, s2  }
0x8d: {  	s2 =	sadd.s32 s2, s17  }
0x8e: {  	[smem:$0x3FC2] =	sst s2  }
0x8f: {  	_ = 	snop  }
0x90: {  	s2 =	sld [smem:$0x3FD0];
	(tm) =	ssettm $0x1  }
0x91: {  	s18 =	sld [smem:$0x3FFB];
	_ =	sdelay $0x3  }
0x92: {  	_ =	strace s18  }
0x93: {  	s3 =	sld [smem:$0x3FFC];
	_ =	sdelay $0x3  }
0x94: {  	_ =	strace s3  }
0x95: {  	s3 =	sld [smem:$0x3FFD];
	_ =	sdelay $0x3  }
0x96: {  	_ =	strace s3  }
0x97: {  	_ =	strace $0x8FFFFFFF  }
0x98: {  	s19 =	sld [smem:$0x3FDB];
	_ =	sdelay $0x1  }
0x99: {  	s4 =	simm.s32 $_scs_section_size  }
0x9a: {  	s5 =	simm.s32 $_size__tile_overlayer_lowered;
	s6 =	simm.s32 $_tile_overlayer_lowered  }
0x9b: {  	s22 =	simm.s32 $0x1BFF;
	s21 =	sshll.u32 s6, $0x1;
	s3 =	sadd.s32 s4, s19  }
0x9c: {  	s7 =	simm.s32 $0x0;
	s20 =	sshll.u32 s5, $0x1;
	s5 =	sadd.s32 s21, s3  }
0x9d: {  	[timem:s7], [sflag:s22] =	dma.local [hbm:s5], s20  }
0x9e: {  	_ =	swait.ge [sflag:s22], s20  }
0x9f: {  	s4 =	ssub.s32 $0x0, s20;
	[sflag:s22] =	ssyncset.done $0x0  }
0xa0: {  	[sflag:s22] =	ssyncadd.s32 s4;
	_ =	sdelay $0x1  }
0xa1: {  	s23 =	simm.s32 $0x1B8B  }
0xa2: {  	_ =	swait.ge [sflag:s23], $0x1  }
0xa3: {  	[sflag:s23] =	ssyncset.done $0x0  }
0xa4: {  	s25 =	simm.s32 $0x1B8E;
	s24 =	sld [smem:$0x3FFE];
	[sflag:s23] =	ssyncadd.s32 $0xFFFFFFFF  }
0xa5: {  	s26 =	simm.s32 $execute0_lowered;
	[smem:$0x3FD2] =	sst s25  }
0xa6: {  	s5 =	sshll.u32 s26, $0x1;
	_ =	strace $0x80000049;
	[dreg:$0x1] =	wrdreg $0xFFFFFFFF  }
0xa7: {  	s28 =	simm.s32 $_size_execute0_lowered;
	s3 =	sadd.s32 s3, s5;
	[dreg:$0x0] =	wrdreg $0x0  }
0xa8: {  	s5 =	sshll.u32 s28, $0x1;
	[dreg:$0x2] =	wrdreg s3  }
0xa9: {  	[dreg:$0x3] =	wrdreg s5  }
0xaa: {  	[dreg:$0x4] =	wrdreg $0xC0  }
0xab: {  	_ =	task [dreg:s7], $0x5FFFF  }
0xac: {  	[dreg:$0x1] =	wrdreg $0xFFFFFFFF  }
0xad: {  	[dreg:$0x0] =	wrdreg $0x60  }
0xae: {  	[dreg:$0x2] =	wrdreg s24  }
0xaf: {  	[dreg:$0x3] =	wrdreg s2  }
0xb0: {  	[dreg:$0x4] =	wrdreg $0x9  }
0xb1: {  	_ =	task.clear_ibuf [dreg:s7], $0x5FFFF;
	_ =	strace $0x90000049  }
0xb2: {  	s29 =	simm.s32 $0x9;
	_ =	strace $0x8000004B  }
0xb3: {  	_ =	swait.ge [sflag:s29], $0x1  }
0xb4: {  	[sflag:s29] =	ssyncadd.s32 $0xFFFFFFFF  }
0xb5: {  	_ =	strace $0x9000004B  }
0xb6: {  	_ =	sfence  }
0xb7: {  	s30 =	sld [smem:$0x0];
	_ =	sdelay $0x2  }
0xb8: {  	s31 =	sshll.u32 s1, $0xD;
	s1 =	sshrl.u32 s1, $0x2  }
0xb9: {  	s3 =	sand.u32 $0x4000, s31;
	s1 =	sadd.s32 s1, s30  }
0xba: {  	s0 =	sor.u32 s3, s0;
	s1 =	sshll.u32 s1, $0x11  }
0xbb: {  	s0 =	sor.u32 s1, s0  }
0xbc: {  	s0 =	sadd.s32 $0x8F2B, s0  }
0xbd: {  	[sflag:s0] =	ssyncadd.remote.s32 $0x1  }
0xbe: {  	_ =	sfence.sel $0xFFFF  }
0xbf: {  	[dreg:$0x0] =	wrdreg $0xFFFFFFFF;
	(pc) =	sbr.abs _section_cstart, $3  }
0xc0: {  	[dreg:$0x1] =	wrdreg $0xFFFFFFFF  }
0xc1: {  	_ =	task.clear_ibuf [dreg:s7], $0x2FFFF;
	_ =	strace $0x9FFFFFFF  }
0xc2: {  	(tm) =	ssettm $0x7FFFFFFF  }
0xc3: {  	_ =	shalt  }
tec
execute0_lowered:
.L_overlay_start_1:
0x0: {  	(tag) =	ssettag $0x1  }
0x1: {  	s0 =	rddreg [dreg:$0x0]  }
0x2: {  	s1 =	rddreg [dreg:$0x1];
	s3 =	srdreg.scid;
	s2 =	simm.s32 $0x0  }
0x3: {  	s4 =	stileid.u32;
	s11 =	simm.s32 $0x2;
	s12 =	simm.s32 $0x2000  }
0x4: {  	s13 =	simm.s32 $0x4200;
	s18 =	simm.s32 $0x10200;
	s14 =	simm.s32 $0x17A00  }
0x5: {  	s15 =	simm.s32 $0x18200;
	s16 =	simm.s32 $0x18A00;
	s17 =	simm.s32 $0x19200  }
0x6: {  	s19 =	simm.s32 $0x19A00;
	s20 =	simm.s32 $0x1A200;
	s21 =	simm.s32 $0x1AA00  }
0x7: {  	v10 =	vlaneseq.u32;
	s22 =	simm.s32 $0x1B200;
	s23 =	simm.s32 $0x1BA00;
	s24 =	simm.s32 $0x1  }
0x8: {  	s25 =	simm.s32 $0x4100;
	s26 =	simm.s32 $0x4180;
	s3 =	sand.u32 $0x1, s3;
	v0 =	vmul.u32 $0x80, v10  }
0x9: {  	[smem:$0x7FF] =	sst s2;
	s4 =	sshll.u32 s4, $0x7;
	s5 =	sshll.u32 s3, $0x6  }
0xa: {  	s28 =	simm.s32 $0x0;
	_ =	strace $0x8000004A;
	s4 =	sor.u32 s5, s4;
	v1 =	vor.u32 $0x1, v0  }
0xb: {  	s6 =	ssub.s32 $0x2, s3;
	s3 =	sadd.s32 $0x11600, s0;
	s7 =	sshrl.u32 s4, $0x3;
	[tilespmem:$0x1FFA0] =	vst v1;
	v1 =	vor.u32 $0x800, v0  }
0xc: {  	s30 =	sshrl.u32 s6, $0x1;
	s5 =	sshll.u32 s4, $0x4;
	s8 =	smul.u32 $0x1800, s7;
	[tilespmem:$0x1FFB0] =	vst v1;
	v1 =	vor.u32 $0x801, v0  }
0xd: {  	s10 =	ssub.s32 s6, s30;
	s6 =	sadd.s32 $0x11700, s0;
	s5 =	sadd.s32 s5, s0;
	[tilespmem:$0x1FFC0] =	vst v1;
	v1 =	vor.u32 $0x1000, v0  }
0xe: {  	vm0 =	vmmov $0xffff;
	s9 =	smul.u32 $0x300, s7;
	s7 =	sadd.s32 $0x11800, s0;
	s8 =	sshrl.u32 s8, $0x3;
	[tilespmem:$0x1FFD0] =	vst v1;
	v1 =	vor.u32 $0x1001, v0  }
0xf: {  	v9 =	vshrl.u32 v10, $0x3;
	v8 =	vand.u32 $0x7, v10;
	s10 =	smax.u32 s10, $0x1;
	s4 =	sadd.s32 $0x1600, s5;
	s31 =	sadd.s32 s1, s8;
	[tilespmem:$0x1FFE0] =	vst v1;
	v1 =	vor.u32 $0x1800, v0  }
0x10: {  	v10 =	vor.u32 $0x8, v10;
	v9 =	vmul.u32 $0x8, v9;
	v7 =	vor.u32 $0x1801, v0;
	s5 =	sadd.s32 $0x9600, s5;
	s8 =	sadd.s32 s1, s9;
	s9 =	sadd.s32 $0xC00, s31;
	[tilespmem:$0x1FFF0] =	vst v1  }
.LBB2_1:
0x11: {  	[tilespmem:s2], [sflag:$0x2] =	stream.linear.gather [hbm4b:s4+s2], $0x2000, $0x38;
	[tilespmem:$0x1C200] =	vst v63  }
0x12: {  	_ =	swait.ge [sflag:s11], $0x2000  }
0x13: {  	[sflag:s11] =	ssyncset.done $0x0  }
0x14: {  	[sflag:s11] =	ssyncadd.s32 $0xFFFFE000  }
0x15: {  	[tilespmem:s12], [sflag:$0x2] =	stream.linear.gather [hbm4b:s5+s2], $0x2000, $0x38;
	[tilespmem:$0x1C200] =	vst v63  }
0x16: {  	_ =	swait.ge [sflag:s11], $0x2000  }
0x17: {  	[sflag:s11] =	ssyncset.done $0x0;
	v1 =	vld [tilespmem:$0x1FFA0]  }
0x18: {  	[sflag:s11] =	ssyncadd.s32 $0xFFFFE000  }
0x19: {  	v11 =	vld.idx.msk [tilespmem:v0+s2+$0x0], $0xffff;
	_ =	sdelay $0x4  }
0x1a: {  	[tilespmem:$0x4000] =	vst v11  }
0x1b: {  	v11 =	vld.idx.msk [tilespmem:v1+s2+$0x0], $0xffff;
	_ =	sdelay $0x4  }
0x1c: {  	[tilespmem:$0x4080] =	vst v11  }
0x1d: {  	v11 =	vld.idx.msk [tilespmem:v0+s12+$0x0], $0xffff;
	_ =	sdelay $0x4  }
0x1e: {  	[tilespmem:$0x4100] =	vst v11  }
0x1f: {  	v11 =	vld.idx.msk [tilespmem:v1+s12+$0x0], $0xffff  }
0x20: {  	v1 =	vld [tilespmem:$0x1FFB0];
	_ =	sdelay $0x5  }
0x21: {  	v2 =	vld [tilespmem:$0x1FFC0]  }
0x22: {  	[tilespmem:$0x4180] =	vst v11  }
0x23: {  	v11 =	vld.idx.msk [tilespmem:v1+s2+$0x0], $0xffff;
	_ =	sdelay $0x4  }
0x24: {  	[tilespmem:$0x4010] =	vst v11  }
0x25: {  	v11 =	vld.idx.msk [tilespmem:v2+s2+$0x0], $0xffff;
	_ =	sdelay $0x4  }
0x26: {  	[tilespmem:$0x4090] =	vst v11  }
0x27: {  	v11 =	vld.idx.msk [tilespmem:v1+s12+$0x0], $0xffff;
	_ =	sdelay $0x3  }
0x28: {  	v1 =	vld [tilespmem:$0x1FFD0]  }
0x29: {  	[tilespmem:$0x4110] =	vst v11  }
0x2a: {  	v11 =	vld.idx.msk [tilespmem:v2+s12+$0x0], $0xffff;
	_ =	sdelay $0x3  }
0x2b: {  	v2 =	vld [tilespmem:$0x1FFE0]  }
0x2c: {  	[tilespmem:$0x4190] =	vst v11  }
0x2d: {  	v11 =	vld.idx.msk [tilespmem:v1+s2+$0x0], $0xffff;
	_ =	sdelay $0x4  }
0x2e: {  	[tilespmem:$0x4020] =	vst v11  }
0x2f: {  	v11 =	vld.idx.msk [tilespmem:v2+s2+$0x0], $0xffff;
	_ =	sdelay $0x4  }
0x30: {  	[tilespmem:$0x40A0] =	vst v11  }
0x31: {  	v11 =	vld.idx.msk [tilespmem:v1+s12+$0x0], $0xffff;
	_ =	sdelay $0x3  }
0x32: {  	v1 =	vld [tilespmem:$0x1FFF0]  }
0x33: {  	[tilespmem:$0x4120] =	vst v11  }
0x34: {  	v11 =	vld.idx.msk [tilespmem:v2+s12+$0x0], $0xffff;
	_ =	sdelay $0x4  }
0x35: {  	[tilespmem:$0x41A0] =	vst v11  }
0x36: {  	v11 =	vld.idx.msk [tilespmem:v1+s2+$0x0], $0xffff;
	_ =	sdelay $0x4  }
0x37: {  	[tilespmem:$0x4030] =	vst v11  }
0x38: {  	v11 =	vld.idx.msk [tilespmem:v7+s2+$0x0], $0xffff;
	_ =	sdelay $0x1  }
0x39: {  	v12 =	vld [tilespmem:$0x4000];
	_ =	sdelay $0x2  }
0x3a: {  	[tilespmem:$0x40B0] =	vst v11  }
0x3b: {  	v11 =	vld.idx.msk [tilespmem:v1+s12+$0x0], $0xffff  }
0x3c: {  	v13 =	vshrl.u32 v12, $0x3  }
0x3d: {  	v13 =	vmul.u32 $0x30, v13  }
0x3e: {  	v12 =	vand.u32 $0x7, v12  }
0x3f: {  	v12 =	vor.u32 v12, v13  }
0x40: {  	[tilespmem:$0x4130] =	vst v11;
	v11 =	vperm.xlane v12, v8  }
0x41: {  	v13 =	vld.idx.msk [tilespmem:v7+s12+$0x0], $0xffff  }
0x42: {  	v11 =	vadd.s32 v9, v11;
	_ =	sdelay $0x3  }
0x43: {  	v12 =	vperm.xlane v12, v10;
	[tilespmem:$0x41B0] =	vst v13  }
0x44: {  	[tilespmem:s13], [sflag:$0x1] =	stream.indirect_vreg.gather [hbm4b:s3+s2], $0x80, v11, vm0, $0xb8;
	[tilespmem:$0x1C200] =	vst v63  }
0x45: {  	s0 =	simm.s32 $0x4A00;
	v12 =	vadd.s32 v9, v12  }
0x46: {  	[tilespmem:s0], [sflag:$0x1] =	stream.indirect_vreg.gather [hbm4b:s6+s2], $0x80, v11, vm0, $0xb8;
	[tilespmem:$0x1C200] =	vst v63  }
0x47: {  	s1 =	simm.s32 $0x5200  }
0x48: {  	[tilespmem:s1], [sflag:$0x1] =	stream.indirect_vreg.gather [hbm4b:s7+s2], $0x80, v11, vm0, $0xb8;
	[tilespmem:$0x1C200] =	vst v63  }
0x49: {  	s1 =	simm.s32 $0x5A00  }
0x4a: {  	[tilespmem:s1], [sflag:$0x1] =	stream.indirect_vreg.gather [hbm4b:s3+s2], $0x80, v12, vm0, $0xb8;
	[tilespmem:$0x1C200] =	vst v63  }
0x4b: {  	s1 =	simm.s32 $0x6200  }
0x4c: {  	[tilespmem:s1], [sflag:$0x1] =	stream.indirect_vreg.gather [hbm4b:s6+s2], $0x80, v12, vm0, $0xb8;
	[tilespmem:$0x1C200] =	vst v63  }
0x4d: {  	s1 =	simm.s32 $0x6A00  }
0x4e: {  	[tilespmem:s1], [sflag:$0x1] =	stream.indirect_vreg.gather [hbm4b:s7+s2], $0x80, v12, vm0, $0xb8;
	[tilespmem:$0x1C200] =	vst v63  }
0x4f: {  	v11 =	vld [tilespmem:$0x4010];
	_ =	sdelay $0x4  }
0x50: {  	v12 =	vshrl.u32 v11, $0x3  }
0x51: {  	v12 =	vmul.u32 $0x30, v12  }
0x52: {  	v11 =	vand.u32 $0x7, v11  }
0x53: {  	v11 =	vor.u32 v11, v12  }
0x54: {  	v12 =	vperm.xlane v11, v8;
	_ =	sdelay $0x1  }
0x55: {  	v12 =	vadd.s32 v9, v12;
	_ =	sdelay $0x3  }
0x56: {  	s1 =	simm.s32 $0x7200;
	v11 =	vperm.xlane v11, v10  }
0x57: {  	[tilespmem:s1], [sflag:$0x1] =	stream.indirect_vreg.gather [hbm4b:s3+s2], $0x80, v12, vm0, $0xb8;
	[tilespmem:$0x1C200] =	vst v63  }
0x58: {  	v11 =	vadd.s32 v9, v11;
	s1 =	simm.s32 $0x7A00  }
0x59: {  	[tilespmem:s1], [sflag:$0x1] =	stream.indirect_vreg.gather [hbm4b:s6+s2], $0x80, v12, vm0, $0xb8;
	[tilespmem:$0x1C200] =	vst v63  }
0x5a: {  	s1 =	simm.s32 $0x8200  }
0x5b: {  	[tilespmem:s1], [sflag:$0x1] =	stream.indirect_vreg.gather [hbm4b:s7+s2], $0x80, v12, vm0, $0xb8;
	[tilespmem:$0x1C200] =	vst v63  }
0x5c: {  	s1 =	simm.s32 $0x8A00  }
0x5d: {  	[tilespmem:s1], [sflag:$0x1] =	stream.indirect_vreg.gather [hbm4b:s3+s2], $0x80, v11, vm0, $0xb8;
	[tilespmem:$0x1C200] =	vst v63  }
0x5e: {  	s1 =	simm.s32 $0x9200  }
0x5f: {  	[tilespmem:s1], [sflag:$0x1] =	stream.indirect_vreg.gather [hbm4b:s6+s2], $0x80, v11, vm0, $0xb8;
	[tilespmem:$0x1C200] =	vst v63  }
0x60: {  	s1 =	simm.s32 $0x9A00  }
0x61: {  	[tilespmem:s1], [sflag:$0x1] =	stream.indirect_vreg.gather [hbm4b:s7+s2], $0x80, v11, vm0, $0xb8;
	[tilespmem:$0x1C200] =	vst v63  }
0x62: {  	v11 =	vld [tilespmem:$0x4080];
	_ =	sdelay $0x4  }
0x63: {  	v12 =	vshrl.u32 v11, $0x3  }
0x64: {  	v12 =	vmul.u32 $0x30, v12  }
0x65: {  	v11 =	vand.u32 $0x7, v11  }
0x66: {  	v11 =	vor.u32 v11, v12  }
0x67: {  	v12 =	vperm.xlane v11, v8;
	_ =	sdelay $0x1  }
0x68: {  	v12 =	vadd.s32 v9, v12;
	_ =	sdelay $0x3  }
0x69: {  	s1 =	simm.s32 $0xA200;
	v11 =	vperm.xlane v11, v10  }
0x6a: {  	[tilespmem:s1], [sflag:$0x1] =	stream.indirect_vreg.gather [hbm4b:s3+s2], $0x80, v12, vm0, $0xb8;
	[tilespmem:$0x1C200] =	vst v63  }
0x6b: {  	v11 =	vadd.s32 v9, v11;
	s1 =	simm.s32 $0xAA00  }
0x6c: {  	[tilespmem:s1], [sflag:$0x1] =	stream.indirect_vreg.gather [hbm4b:s6+s2], $0x80, v12, vm0, $0xb8;
	[tilespmem:$0x1C200] =	vst v63  }
0x6d: {  	s1 =	simm.s32 $0xB200  }
0x6e: {  	[tilespmem:s1], [sflag:$0x1] =	stream.indirect_vreg.gather [hbm4b:s7+s2], $0x80, v12, vm0, $0xb8;
	[tilespmem:$0x1C200] =	vst v63  }
0x6f: {  	s1 =	simm.s32 $0xBA00  }
0x70: {  	[tilespmem:s1], [sflag:$0x1] =	stream.indirect_vreg.gather [hbm4b:s3+s2], $0x80, v11, vm0, $0xb8;
	[tilespmem:$0x1C200] =	vst v63  }
0x71: {  	s1 =	simm.s32 $0xC200  }
0x72: {  	[tilespmem:s1], [sflag:$0x1] =	stream.indirect_vreg.gather [hbm4b:s6+s2], $0x80, v11, vm0, $0xb8;
	[tilespmem:$0x1C200] =	vst v63  }
0x73: {  	s1 =	simm.s32 $0xCA00  }
0x74: {  	[tilespmem:s1], [sflag:$0x1] =	stream.indirect_vreg.gather [hbm4b:s7+s2], $0x80, v11, vm0, $0xb8;
	[tilespmem:$0x1C200] =	vst v63  }
0x75: {  	v11 =	vld [tilespmem:$0x4090];
	_ =	sdelay $0x4  }
0x76: {  	v12 =	vshrl.u32 v11, $0x3  }
0x77: {  	v12 =	vmul.u32 $0x30, v12  }
0x78: {  	v11 =	vand.u32 $0x7, v11  }
0x79: {  	v11 =	vor.u32 v11, v12  }
0x7a: {  	v12 =	vperm.xlane v11, v8;
	_ =	sdelay $0x1  }
0x7b: {  	v12 =	vadd.s32 v9, v12;
	_ =	sdelay $0x3  }
0x7c: {  	s1 =	simm.s32 $0xD200;
	v11 =	vperm.xlane v11, v10  }
0x7d: {  	[tilespmem:s1], [sflag:$0x1] =	stream.indirect_vreg.gather [hbm4b:s3+s2], $0x80, v12, vm0, $0xb8;
	[tilespmem:$0x1C200] =	vst v63  }
0x7e: {  	v11 =	vadd.s32 v9, v11;
	s1 =	simm.s32 $0xDA00  }
0x7f: {  	[tilespmem:s1], [sflag:$0x1] =	stream.indirect_vreg.gather [hbm4b:s6+s2], $0x80, v12, vm0, $0xb8;
	[tilespmem:$0x1C200] =	vst v63  }
0x80: {  	s1 =	simm.s32 $0xE200  }
0x81: {  	[tilespmem:s1], [sflag:$0x1] =	stream.indirect_vreg.gather [hbm4b:s7+s2], $0x80, v12, vm0, $0xb8;
	[tilespmem:$0x1C200] =	vst v63  }
0x82: {  	s1 =	simm.s32 $0xEA00  }
0x83: {  	[tilespmem:s1], [sflag:$0x1] =	stream.indirect_vreg.gather [hbm4b:s3+s2], $0x80, v11, vm0, $0xb8;
	[tilespmem:$0x1C200] =	vst v63  }
0x84: {  	s1 =	simm.s32 $0xF200  }
0x85: {  	[tilespmem:s1], [sflag:$0x1] =	stream.indirect_vreg.gather [hbm4b:s6+s2], $0x80, v11, vm0, $0xb8;
	[tilespmem:$0x1C200] =	vst v63  }
0x86: {  	s1 =	simm.s32 $0xFA00  }
0x87: {  	[tilespmem:s1], [sflag:$0x1] =	stream.indirect_vreg.gather [hbm4b:s7+s2], $0x80, v11, vm0, $0xb8;
	[tilespmem:$0x1C200] =	vst v63  }
0x88: {  	v11 =	vld [tilespmem:$0x4020];
	_ =	sdelay $0x4  }
0x89: {  	v12 =	vshrl.u32 v11, $0x3  }
0x8a: {  	v12 =	vmul.u32 $0x30, v12  }
0x8b: {  	v11 =	vand.u32 $0x7, v11  }
0x8c: {  	v11 =	vor.u32 v11, v12  }
0x8d: {  	v12 =	vperm.xlane v11, v8;
	_ =	sdelay $0x1  }
0x8e: {  	v12 =	vadd.s32 v9, v12;
	_ =	sdelay $0x3  }
0x8f: {  	v11 =	vperm.xlane v11, v10  }
0x90: {  	[tilespmem:s18], [sflag:$0x1] =	stream.indirect_vreg.gather [hbm4b:s3+s2], $0x80, v12, vm0, $0xb8;
	[tilespmem:$0x1C200] =	vst v63  }
0x91: {  	s1 =	simm.s32 $0x10A00;
	v11 =	vadd.s32 v9, v11  }
0x92: {  	[tilespmem:s1], [sflag:$0x1] =	stream.indirect_vreg.gather [hbm4b:s6+s2], $0x80, v12, vm0, $0xb8;
	[tilespmem:$0x1C200] =	vst v63  }
0x93: {  	s1 =	simm.s32 $0x11200  }
0x94: {  	[tilespmem:s1], [sflag:$0x1] =	stream.indirect_vreg.gather [hbm4b:s7+s2], $0x80, v12, vm0, $0xb8;
	[tilespmem:$0x1C200] =	vst v63  }
0x95: {  	s1 =	simm.s32 $0x11A00  }
0x96: {  	[tilespmem:s1], [sflag:$0x1] =	stream.indirect_vreg.gather [hbm4b:s3+s2], $0x80, v11, vm0, $0xb8;
	[tilespmem:$0x1C200] =	vst v63  }
0x97: {  	s1 =	simm.s32 $0x12200  }
0x98: {  	[tilespmem:s1], [sflag:$0x1] =	stream.indirect_vreg.gather [hbm4b:s6+s2], $0x80, v11, vm0, $0xb8;
	[tilespmem:$0x1C200] =	vst v63  }
0x99: {  	s1 =	simm.s32 $0x12A00  }
0x9a: {  	[tilespmem:s1], [sflag:$0x1] =	stream.indirect_vreg.gather [hbm4b:s7+s2], $0x80, v11, vm0, $0xb8;
	[tilespmem:$0x1C200] =	vst v63  }
0x9b: {  	v11 =	vld [tilespmem:$0x4030];
	_ =	sdelay $0x4  }
0x9c: {  	v12 =	vshrl.u32 v11, $0x3  }
0x9d: {  	v12 =	vmul.u32 $0x30, v12  }
0x9e: {  	v11 =	vand.u32 $0x7, v11  }
0x9f: {  	v11 =	vor.u32 v11, v12  }
0xa0: {  	v12 =	vperm.xlane v11, v8;
	_ =	sdelay $0x1  }
0xa1: {  	v12 =	vadd.s32 v9, v12;
	_ =	sdelay $0x3  }
0xa2: {  	s1 =	simm.s32 $0x13200;
	v11 =	vperm.xlane v11, v10  }
0xa3: {  	[tilespmem:s1], [sflag:$0x1] =	stream.indirect_vreg.gather [hbm4b:s3+s2], $0x80, v12, vm0, $0xb8;
	[tilespmem:$0x1C200] =	vst v63  }
0xa4: {  	v11 =	vadd.s32 v9, v11;
	s1 =	simm.s32 $0x13A00  }
0xa5: {  	[tilespmem:s1], [sflag:$0x1] =	stream.indirect_vreg.gather [hbm4b:s6+s2], $0x80, v12, vm0, $0xb8;
	[tilespmem:$0x1C200] =	vst v63  }
0xa6: {  	s1 =	simm.s32 $0x14200  }
0xa7: {  	[tilespmem:s1], [sflag:$0x1] =	stream.indirect_vreg.gather [hbm4b:s7+s2], $0x80, v12, vm0, $0xb8;
	[tilespmem:$0x1C200] =	vst v63  }
0xa8: {  	s1 =	simm.s32 $0x14A00  }
0xa9: {  	[tilespmem:s1], [sflag:$0x1] =	stream.indirect_vreg.gather [hbm4b:s3+s2], $0x80, v11, vm0, $0xb8;
	[tilespmem:$0x1C200] =	vst v63  }
0xaa: {  	s1 =	simm.s32 $0x15200  }
0xab: {  	[tilespmem:s1], [sflag:$0x1] =	stream.indirect_vreg.gather [hbm4b:s6+s2], $0x80, v11, vm0, $0xb8;
	[tilespmem:$0x1C200] =	vst v63  }
0xac: {  	s1 =	simm.s32 $0x15A00  }
0xad: {  	[tilespmem:s1], [sflag:$0x1] =	stream.indirect_vreg.gather [hbm4b:s7+s2], $0x80, v11, vm0, $0xb8;
	[tilespmem:$0x1C200] =	vst v63  }
0xae: {  	v11 =	vld [tilespmem:$0x40A0];
	_ =	sdelay $0x4  }
0xaf: {  	v12 =	vshrl.u32 v11, $0x3  }
0xb0: {  	v12 =	vmul.u32 $0x30, v12  }
0xb1: {  	v11 =	vand.u32 $0x7, v11  }
0xb2: {  	v11 =	vor.u32 v11, v12  }
0xb3: {  	v12 =	vperm.xlane v11, v8;
	_ =	sdelay $0x1  }
0xb4: {  	v12 =	vadd.s32 v9, v12;
	_ =	sdelay $0x3  }
0xb5: {  	s1 =	simm.s32 $0x16200;
	v11 =	vperm.xlane v11, v10  }
0xb6: {  	[tilespmem:s1], [sflag:$0x1] =	stream.indirect_vreg.gather [hbm4b:s3+s2], $0x80, v12, vm0, $0xb8;
	[tilespmem:$0x1C200] =	vst v63  }
0xb7: {  	v11 =	vadd.s32 v9, v11;
	s1 =	simm.s32 $0x16A00  }
0xb8: {  	[tilespmem:s1], [sflag:$0x1] =	stream.indirect_vreg.gather [hbm4b:s6+s2], $0x80, v12, vm0, $0xb8;
	[tilespmem:$0x1C200] =	vst v63  }
0xb9: {  	s1 =	simm.s32 $0x17200  }
0xba: {  	[tilespmem:s1], [sflag:$0x1] =	stream.indirect_vreg.gather [hbm4b:s7+s2], $0x80, v12, vm0, $0xb8;
	[tilespmem:$0x1C200] =	vst v63  }
0xbb: {  	_ = 	snop  }
0xbc: {  	[tilespmem:s14], [sflag:$0x1] =	stream.indirect_vreg.gather [hbm4b:s3+s2], $0x80, v11, vm0, $0xb8;
	[tilespmem:$0x1C200] =	vst v63  }
0xbd: {  	_ = 	snop  }
0xbe: {  	[tilespmem:s15], [sflag:$0x1] =	stream.indirect_vreg.gather [hbm4b:s6+s2], $0x80, v11, vm0, $0xb8;
	[tilespmem:$0x1C200] =	vst v63  }
0xbf: {  	_ = 	snop  }
0xc0: {  	[tilespmem:s16], [sflag:$0x1] =	stream.indirect_vreg.gather [hbm4b:s7+s2], $0x80, v11, vm0, $0xb8;
	[tilespmem:$0x1C200] =	vst v63  }
0xc1: {  	v11 =	vld [tilespmem:$0x40B0];
	_ =	sdelay $0x4  }
0xc2: {  	v12 =	vshrl.u32 v11, $0x3  }
0xc3: {  	v12 =	vmul.u32 $0x30, v12  }
0xc4: {  	v11 =	vand.u32 $0x7, v11  }
0xc5: {  	v11 =	vor.u32 v11, v12  }
0xc6: {  	v12 =	vperm.xlane v11, v8;
	_ =	sdelay $0x1  }
0xc7: {  	v12 =	vadd.s32 v9, v12;
	_ =	sdelay $0x3  }
0xc8: {  	v11 =	vperm.xlane v11, v10  }
0xc9: {  	[tilespmem:s17], [sflag:$0x1] =	stream.indirect_vreg.gather [hbm4b:s3+s2], $0x80, v12, vm0, $0xb8;
	[tilespmem:$0x1C200] =	vst v63  }
0xca: {  	v11 =	vadd.s32 v9, v11  }
0xcb: {  	[tilespmem:s19], [sflag:$0x1] =	stream.indirect_vreg.gather [hbm4b:s6+s2], $0x80, v12, vm0, $0xb8;
	[tilespmem:$0x1C200] =	vst v63  }
0xcc: {  	_ = 	snop  }
0xcd: {  	[tilespmem:s20], [sflag:$0x1] =	stream.indirect_vreg.gather [hbm4b:s7+s2], $0x80, v12, vm0, $0xb8;
	[tilespmem:$0x1C200] =	vst v63  }
0xce: {  	_ = 	snop  }
0xcf: {  	[tilespmem:s21], [sflag:$0x1] =	stream.indirect_vreg.gather [hbm4b:s3+s2], $0x80, v11, vm0, $0xb8;
	[tilespmem:$0x1C200] =	vst v63  }
0xd0: {  	_ = 	snop  }
0xd1: {  	[tilespmem:s22], [sflag:$0x1] =	stream.indirect_vreg.gather [hbm4b:s6+s2], $0x80, v11, vm0, $0xb8;
	[tilespmem:$0x1C200] =	vst v63  }
0xd2: {  	_ = 	snop  }
0xd3: {  	[tilespmem:s23], [sflag:$0x1] =	stream.indirect_vreg.gather [hbm4b:s7+s2], $0x80, v11, vm0, $0xb8;
	[tilespmem:$0x1C200] =	vst v63  }
0xd4: {  	_ =	swait.ge [sflag:s24], $0x6000  }
0xd5: {  	[sflag:s24] =	ssyncset.done $0x0  }
0xd6: {  	s29 =	simm.s32 $0x0;
	[sflag:s24] =	ssyncadd.s32 $0xFFFFA000  }
0xd7: {  	s29 =	smul.u32 $0x1800, s29;
	_ =	swait.ge [sflag:s24], $0x6000  }
0xd8: {  	s30 =	sand.u32 $0x380, s2;
	[sflag:s24] =	ssyncset.done $0x0  }
0xd9: {  	s29 =	sor.u32 s30, s29;
	[sflag:s24] =	ssyncadd.s32 $0xFFFFA000  }
0xda: {  	v12 =	vld [tilespmem:s29+$0x4210]  }
0xdb: {  	v11 =	vld [tilespmem:s29+$0xA210]  }
0xdc: {  	v14 =	vld [tilespmem:s29+$0x4220]  }
0xdd: {  	v13 =	vld [tilespmem:s29+$0xA220]  }
0xde: {  	v16 =	vld [tilespmem:s29+$0x4230]  }
0xdf: {  	v15 =	vld [tilespmem:s29+$0xA230]  }
0xe0: {  	v18 =	vld [tilespmem:s29+$0x4240]  }
0xe1: {  	v17 =	vld [tilespmem:s29+$0xA240]  }
0xe2: {  	v20 =	vld [tilespmem:s29+$0x4250]  }
0xe3: {  	v19 =	vld [tilespmem:s29+$0xA250]  }
0xe4: {  	v21 =	vld [tilespmem:s29+$0x4260]  }
0xe5: {  	v22 =	vld [tilespmem:s29+$0x4270]  }
0xe6: {  	v23 =	vld [tilespmem:s29+$0x4600]  }
0xe7: {  	v24 =	vld [tilespmem:s29+$0x4610]  }
0xe8: {  	v25 =	vld [tilespmem:s29+$0x4620]  }
0xe9: {  	v26 =	vld [tilespmem:s29+$0x4630]  }
0xea: {  	v27 =	vld [tilespmem:s29+$0x4640]  }
0xeb: {  	v28 =	vld [tilespmem:s29+$0x4650]  }
0xec: {  	v29 =	vld [tilespmem:s29+$0x4660]  }
0xed: {  	v30 =	vld [tilespmem:s29+$0x4670]  }
0xee: {  	v31 =	vld [tilespmem:s29+$0x4A00]  }
0xef: {  	v32 =	vld [tilespmem:s29+$0x4A10]  }
0xf0: {  	v33 =	vld [tilespmem:s29+$0x4A20]  }
0xf1: {  	v34 =	vld [tilespmem:s29+$0x4A30]  }
0xf2: {  	v35 =	vld [tilespmem:s29+$0x4A40]  }
0xf3: {  	v36 =	vld [tilespmem:s29+$0x4A50]  }
0xf4: {  	v37 =	vld [tilespmem:s29+$0x4A60]  }
0xf5: {  	v38 =	vld [tilespmem:s29+$0x4A70]  }
0xf6: {  	v40 =	vld [tilespmem:s29+$0x4E00]  }
0xf7: {  	v42 =	vld [tilespmem:s29+$0x4E10]  }
0xf8: {  	v43 =	vld [tilespmem:s29+$0x4E20]  }
0xf9: {  	v44 =	vld [tilespmem:s29+$0x4E30]  }
0xfa: {  	v45 =	vld [tilespmem:s29+$0x4E40]  }
0xfb: {  	v46 =	vld [tilespmem:s29+$0x4E50]  }
0xfc: {  	v47 =	vld [tilespmem:s29+$0x4E60]  }
0xfd: {  	v48 =	vld [tilespmem:s29+$0x4E70]  }
0xfe: {  	v49 =	vld [tilespmem:s29+$0x5200]  }
0xff: {  	v50 =	vld [tilespmem:s29+$0x5210]  }
0x100: {  	v51 =	vld [tilespmem:s29+$0x5220]  }
0x101: {  	v52 =	vld [tilespmem:s29+$0x5230]  }
0x102: {  	v53 =	vld [tilespmem:s29+$0x5240]  }
0x103: {  	v54 =	vld [tilespmem:s29+$0x5250]  }
0x104: {  	v55 =	vld [tilespmem:s29+$0x5260]  }
0x105: {  	v58 =	vmov s2;
	v56 =	vld [tilespmem:s29+$0x5600]  }
0x106: {  	s31 =	simm.s32 $0x0;
	s30 =	simm.s32 $0x1;
	v57 =	vld [tilespmem:s29+$0x5610]  }
.LBB2_2:
0x107: {  	p0 =	sne.s32 s30, $0x1F;
	v59 =	vld [tilespmem:s29+$0xB610]  }
0x108: {  	v60 =	vld [tilespmem:s29+$0xB630]  }
0x109: {  	v61 =	vld [tilespmem:s29+$0x5620]  }
0x10a: {  	v41 =	vld.idx.msk [tilespmem:v58+s25+$0x0], $0xffff  }
0x10b: {  	v39 =	vld.idx.msk [tilespmem:v58+s26+$0x0], $0xffff  }
0x10c: {  	v58 =	vld [tilespmem:s29+$0x5630]  }
0x10d: {  	v62 =	vld [tilespmem:s29+$0xB620]  }
0x10e: {  	v63 =	vld [tilespmem:s29+$0xB600]  }
0x10f: {  	v1 =	vld [tilespmem:s29+$0x5270]  }
0x110: {  	v57 =	vmul.f32 v57, v41;
	v61 =	vmul.f32 v61, v41;
	v2 =	vld [tilespmem:s29+$0xB270]  }
0x111: {  	v60 =	vmul.f32 v60, v39;
	v3 =	vld [tilespmem:s29+$0xB260];
	v58 =	vmul.f32 v58, v41  }
0x112: {  	v59 =	vmul.f32 v59, v39;
	v4 =	vld [tilespmem:s29+$0xB250];
	v62 =	vmul.f32 v62, v39  }
0x113: {  	v56 =	vmul.f32 v56, v41;
	v5 =	vld [tilespmem:s29+$0xB240];
	v63 =	vmul.f32 v63, v39;
	v58 =	vadd.f32 v60, v58  }
0x114: {  	v57 =	vadd.f32 v59, v57;
	v60 =	vld [tilespmem:s29+$0xB230];
	v1 =	vmul.f32 v1, v41;
	v59 =	vadd.f32 v62, v61  }
0x115: {  	v55 =	vmul.f32 v55, v41;
	v61 =	vld [tilespmem:s29+$0xB220];
	v2 =	vmul.f32 v2, v39;
	v56 =	vadd.f32 v63, v56;
	[tilespmem:s29+$0x5630] =	vst v58  }
0x116: {  	v54 =	vmul.f32 v54, v41;
	v58 =	vld [tilespmem:s29+$0xB210];
	v3 =	vmul.f32 v3, v39;
	[tilespmem:s29+$0x5620] =	vst v59  }
0x117: {  	v53 =	vmul.f32 v53, v41;
	v59 =	vld [tilespmem:s29+$0xB200];
	v4 =	vmul.f32 v4, v39;
	v1 =	vadd.f32 v2, v1;
	[tilespmem:s29+$0x5610] =	vst v57  }
0x118: {  	v52 =	vmul.f32 v52, v41;
	v2 =	vld [tilespmem:s29+$0xAE70];
	v5 =	vmul.f32 v5, v39;
	v3 =	vadd.f32 v3, v55;
	[tilespmem:s29+$0x5600] =	vst v56  }
0x119: {  	v51 =	vmul.f32 v51, v41;
	v55 =	vld [tilespmem:s29+$0xAE60];
	v56 =	vmul.f32 v60, v39;
	v4 =	vadd.f32 v4, v54;
	[tilespmem:s29+$0x5270] =	vst v1  }
0x11a: {  	v50 =	vmul.f32 v50, v41;
	v1 =	vld [tilespmem:s29+$0xAE50];
	v54 =	vmul.f32 v61, v39;
	v5 =	vadd.f32 v5, v53;
	[tilespmem:s29+$0x5260] =	vst v3  }
0x11b: {  	v49 =	vmul.f32 v49, v41;
	v3 =	vld [tilespmem:s29+$0xAE40];
	v53 =	vmul.f32 v58, v39;
	v52 =	vadd.f32 v56, v52;
	[tilespmem:s29+$0x5250] =	vst v4  }
0x11c: {  	v48 =	vmul.f32 v48, v41;
	v4 =	vld [tilespmem:s29+$0xAE30];
	v56 =	vmul.f32 v59, v39;
	v51 =	vadd.f32 v54, v51;
	[tilespmem:s29+$0x5240] =	vst v5  }
0x11d: {  	v47 =	vmul.f32 v47, v41;
	v5 =	vld [tilespmem:s29+$0xAE20];
	v2 =	vmul.f32 v2, v39;
	v50 =	vadd.f32 v53, v50;
	[tilespmem:s29+$0x5230] =	vst v52  }
0x11e: {  	v46 =	vmul.f32 v46, v41;
	v52 =	vld [tilespmem:s29+$0xAE10];
	v53 =	vmul.f32 v55, v39;
	v49 =	vadd.f32 v56, v49;
	[tilespmem:s29+$0x5220] =	vst v51  }
0x11f: {  	v45 =	vmul.f32 v45, v41;
	v51 =	vld [tilespmem:s29+$0xAE00];
	v1 =	vmul.f32 v1, v39;
	v2 =	vadd.f32 v2, v48;
	[tilespmem:s29+$0x5210] =	vst v50  }
0x120: {  	v44 =	vmul.f32 v44, v41;
	v48 =	vld [tilespmem:s29+$0xAA70];
	v3 =	vmul.f32 v3, v39;
	v47 =	vadd.f32 v53, v47;
	[tilespmem:s29+$0x5200] =	vst v49  }
0x121: {  	v43 =	vmul.f32 v43, v41;
	v49 =	vld [tilespmem:s29+$0xAA60];
	v4 =	vmul.f32 v4, v39;
	v1 =	vadd.f32 v1, v46;
	[tilespmem:s29+$0x4E70] =	vst v2  }
0x122: {  	v42 =	vmul.f32 v42, v41;
	v2 =	vld [tilespmem:s29+$0xAA50];
	v5 =	vmul.f32 v5, v39;
	v3 =	vadd.f32 v3, v45;
	[tilespmem:s29+$0x4E60] =	vst v47  }
0x123: {  	v40 =	vmul.f32 v40, v41;
	v45 =	vld [tilespmem:s29+$0xAA40];
	v46 =	vmul.f32 v52, v39;
	v4 =	vadd.f32 v4, v44;
	[tilespmem:s29+$0x4E50] =	vst v1  }
0x124: {  	v38 =	vmul.f32 v38, v41;
	v1 =	vld [tilespmem:s29+$0xAA30];
	v44 =	vmul.f32 v51, v39;
	v5 =	vadd.f32 v5, v43;
	[tilespmem:s29+$0x4E40] =	vst v3  }
0x125: {  	v37 =	vmul.f32 v37, v41;
	v3 =	vld [tilespmem:s29+$0xAA20];
	v43 =	vmul.f32 v48, v39;
	v42 =	vadd.f32 v46, v42;
	[tilespmem:s29+$0x4E30] =	vst v4  }
0x126: {  	v36 =	vmul.f32 v36, v41;
	v4 =	vld [tilespmem:s29+$0xAA10];
	v46 =	vmul.f32 v49, v39;
	v40 =	vadd.f32 v44, v40;
	[tilespmem:s29+$0x4E20] =	vst v5  }
0x127: {  	v35 =	vmul.f32 v35, v41;
	v5 =	vld [tilespmem:s29+$0xAA00];
	v2 =	vmul.f32 v2, v39;
	v38 =	vadd.f32 v43, v38;
	[tilespmem:s29+$0x4E10] =	vst v42  }
0x128: {  	v34 =	vmul.f32 v34, v41;
	v42 =	vld [tilespmem:s29+$0xA670];
	v43 =	vmul.f32 v45, v39;
	v37 =	vadd.f32 v46, v37;
	[tilespmem:s29+$0x4E00] =	vst v40  }
0x129: {  	v33 =	vmul.f32 v33, v41;
	v40 =	vld [tilespmem:s29+$0xA660];
	v1 =	vmul.f32 v1, v39;
	v2 =	vadd.f32 v2, v36;
	[tilespmem:s29+$0x4A70] =	vst v38  }
0x12a: {  	v32 =	vmul.f32 v32, v41;
	v36 =	vld [tilespmem:s29+$0xA650];
	v3 =	vmul.f32 v3, v39;
	v35 =	vadd.f32 v43, v35;
	[tilespmem:s29+$0x4A60] =	vst v37  }
0x12b: {  	v31 =	vmul.f32 v31, v41;
	v37 =	vld [tilespmem:s29+$0xA640];
	v4 =	vmul.f32 v4, v39;
	v1 =	vadd.f32 v1, v34;
	[tilespmem:s29+$0x4A50] =	vst v2  }
0x12c: {  	v30 =	vmul.f32 v30, v41;
	v2 =	vld [tilespmem:s29+$0xA630];
	v5 =	vmul.f32 v5, v39;
	v3 =	vadd.f32 v3, v33;
	[tilespmem:s29+$0x4A40] =	vst v35  }
0x12d: {  	v29 =	vmul.f32 v29, v41;
	v33 =	vld [tilespmem:s29+$0xA620];
	v34 =	vmul.f32 v42, v39;
	v4 =	vadd.f32 v4, v32;
	[tilespmem:s29+$0x4A30] =	vst v1  }
0x12e: {  	v28 =	vmul.f32 v28, v41;
	v1 =	vld [tilespmem:s29+$0xA610];
	v32 =	vmul.f32 v40, v39;
	v5 =	vadd.f32 v5, v31;
	[tilespmem:s29+$0x4A20] =	vst v3  }
0x12f: {  	v27 =	vmul.f32 v27, v41;
	v3 =	vld [tilespmem:s29+$0xA600];
	v31 =	vmul.f32 v36, v39;
	v30 =	vadd.f32 v34, v30;
	[tilespmem:s29+$0x4A10] =	vst v4  }
0x130: {  	v26 =	vmul.f32 v26, v41;
	v4 =	vld [tilespmem:s29+$0xA270];
	v34 =	vmul.f32 v37, v39;
	v29 =	vadd.f32 v32, v29;
	[tilespmem:s29+$0x4A00] =	vst v5  }
0x131: {  	v25 =	vmul.f32 v25, v41;
	v5 =	vld [tilespmem:s29+$0xA260];
	v2 =	vmul.f32 v2, v39;
	v28 =	vadd.f32 v31, v28;
	[tilespmem:s29+$0x4670] =	vst v30  }
0x132: {  	v24 =	vmul.f32 v24, v41;
	v30 =	vmul.f32 v33, v39;
	v27 =	vadd.f32 v34, v27;
	[tilespmem:s29+$0x4660] =	vst v29;
	v29 =	vld [tilespmem:s29+$0xB640]  }
0x133: {  	v23 =	vmul.f32 v23, v41;
	v1 =	vmul.f32 v1, v39;
	v2 =	vadd.f32 v2, v26;
	[tilespmem:s29+$0x4650] =	vst v28;
	v26 =	vld [tilespmem:s29+$0xB650]  }
0x134: {  	v22 =	vmul.f32 v22, v41;
	v3 =	vmul.f32 v3, v39;
	v25 =	vadd.f32 v30, v25;
	[tilespmem:s29+$0x4640] =	vst v27;
	v27 =	vld [tilespmem:s29+$0xB660]  }
0x135: {  	v21 =	vmul.f32 v21, v41;
	v4 =	vmul.f32 v4, v39;
	v1 =	vadd.f32 v1, v24;
	[tilespmem:s29+$0x4630] =	vst v2;
	v2 =	vld [tilespmem:s29+$0xB670]  }
0x136: {  	v20 =	vmul.f32 v20, v41;
	v5 =	vmul.f32 v5, v39;
	v3 =	vadd.f32 v3, v23;
	[tilespmem:s29+$0x4620] =	vst v25;
	v23 =	vld [tilespmem:s29+$0x5640]  }
0x137: {  	v18 =	vmul.f32 v18, v41;
	v19 =	vmul.f32 v19, v39;
	v4 =	vadd.f32 v4, v22;
	[tilespmem:s29+$0x4610] =	vst v1;
	v1 =	vld [tilespmem:s29+$0x5650]  }
0x138: {  	v16 =	vmul.f32 v16, v41;
	v17 =	vmul.f32 v17, v39;
	v5 =	vadd.f32 v5, v21;
	[tilespmem:s29+$0x4600] =	vst v3;
	v3 =	vld [tilespmem:s29+$0x5660]  }
0x139: {  	v14 =	vmul.f32 v14, v41;
	v15 =	vmul.f32 v15, v39;
	v19 =	vadd.f32 v19, v20;
	[tilespmem:s29+$0x4270] =	vst v4;
	v4 =	vld [tilespmem:s29+$0x5670]  }
0x13a: {  	v12 =	vmul.f32 v12, v41;
	v13 =	vmul.f32 v13, v39;
	v17 =	vadd.f32 v17, v18;
	v20 =	vld [tilespmem:s29+$0x4200];
	[tilespmem:s29+$0x4260] =	vst v5  }
0x13b: {  	v11 =	vmul.f32 v11, v39;
	v15 =	vadd.f32 v15, v16;
	v5 =	vld [tilespmem:s29+$0xA200];
	[tilespmem:s29+$0x4250] =	vst v19;
	v16 =	vmul.f32 v23, v41  }
0x13c: {  	s0 =	sshrl.u32 s30, $0x3;
	v13 =	vadd.f32 v13, v14;
	v14 =	vmul.f32 v29, v39;
	[tilespmem:s29+$0x4240] =	vst v17;
	v1 =	vmul.f32 v1, v41  }
0x13d: {  	s31 =	sadd.s32 $0x80, s31;
	s0 =	smul.u32 $0x1800, s0;
	v11 =	vadd.f32 v11, v12;
	v12 =	vmul.f32 v26, v39;
	[tilespmem:s29+$0x4230] =	vst v15;
	v3 =	vmul.f32 v3, v41  }
0x13e: {  	s1 =	sand.u32 $0x380, s31;
	[tilespmem:s29+$0x4220] =	vst v13;
	v13 =	vadd.f32 v14, v16;
	v14 =	vmul.f32 v27, v39;
	v4 =	vmul.f32 v4, v41  }
0x13f: {  	s0 =	sor.u32 s1, s0;
	v2 =	vmul.f32 v2, v39;
	v1 =	vadd.f32 v12, v1;
	v15 =	vmul.f32 v20, v41;
	[tilespmem:s29+$0x4210] =	vst v11  }
0x140: {  	v12 =	vld [tilespmem:s0+$0x4210];
	v5 =	vmul.f32 v5, v39;
	[tilespmem:s29+$0x5640] =	vst v13;
	v3 =	vadd.f32 v14, v3  }
0x141: {  	v11 =	vld [tilespmem:s0+$0xA210];
	[tilespmem:s29+$0x5650] =	vst v1;
	v1 =	vadd.f32 v2, v4  }
0x142: {  	v14 =	vld [tilespmem:s0+$0x4220];
	v2 =	vadd.f32 v5, v15;
	[tilespmem:s29+$0x5660] =	vst v3  }
0x143: {  	v13 =	vld [tilespmem:s0+$0xA220];
	[tilespmem:s29+$0x5670] =	vst v1  }
0x144: {  	v16 =	vld [tilespmem:s0+$0x4230];
	[tilespmem:s29+$0x4200] =	vst v2;
	s29 =	smov.u32 s0  }
0x145: {  	v15 =	vld [tilespmem:s29+$0xA230]  }
0x146: {  	v18 =	vld [tilespmem:s29+$0x4240]  }
0x147: {  	v17 =	vld [tilespmem:s29+$0xA240]  }
0x148: {  	v20 =	vld [tilespmem:s29+$0x4250]  }
0x149: {  	v19 =	vld [tilespmem:s29+$0xA250]  }
0x14a: {  	v21 =	vld [tilespmem:s29+$0x4260]  }
0x14b: {  	v22 =	vld [tilespmem:s29+$0x4270]  }
0x14c: {  	v23 =	vld [tilespmem:s29+$0x4600]  }
0x14d: {  	v24 =	vld [tilespmem:s29+$0x4610]  }
0x14e: {  	v25 =	vld [tilespmem:s29+$0x4620]  }
0x14f: {  	v26 =	vld [tilespmem:s29+$0x4630]  }
0x150: {  	v27 =	vld [tilespmem:s29+$0x4640]  }
0x151: {  	v28 =	vld [tilespmem:s29+$0x4650]  }
0x152: {  	v29 =	vld [tilespmem:s29+$0x4660]  }
0x153: {  	v30 =	vld [tilespmem:s29+$0x4670]  }
0x154: {  	v31 =	vld [tilespmem:s29+$0x4A00]  }
0x155: {  	v32 =	vld [tilespmem:s29+$0x4A10]  }
0x156: {  	v33 =	vld [tilespmem:s29+$0x4A20]  }
0x157: {  	v34 =	vld [tilespmem:s29+$0x4A30]  }
0x158: {  	v35 =	vld [tilespmem:s29+$0x4A40]  }
0x159: {  	v36 =	vld [tilespmem:s29+$0x4A50]  }
0x15a: {  	v37 =	vld [tilespmem:s29+$0x4A60]  }
0x15b: {  	v38 =	vld [tilespmem:s29+$0x4A70]  }
0x15c: {  	v40 =	vld [tilespmem:s29+$0x4E00]  }
0x15d: {  	v42 =	vld [tilespmem:s29+$0x4E10]  }
0x15e: {  	v43 =	vld [tilespmem:s29+$0x4E20]  }
0x15f: {  	v44 =	vld [tilespmem:s29+$0x4E30]  }
0x160: {  	v45 =	vld [tilespmem:s29+$0x4E40]  }
0x161: {  	v46 =	vld [tilespmem:s29+$0x4E50]  }
0x162: {  	v47 =	vld [tilespmem:s29+$0x4E60]  }
0x163: {  	v48 =	vld [tilespmem:s29+$0x4E70]  }
0x164: {  	v49 =	vld [tilespmem:s29+$0x5200]  }
0x165: {  	v50 =	vld [tilespmem:s29+$0x5210]  }
0x166: {  	v51 =	vld [tilespmem:s29+$0x5220]  }
0x167: {  	v52 =	vld [tilespmem:s29+$0x5230]  }
.Ltmp0:
0x168: {  	v53 =	vld [tilespmem:s29+$0x5240];
	(pc) =	sbr.rel @p0 .LBB2_2-.Ltmp0, $4  }
0x169: {  	v54 =	vld [tilespmem:s29+$0x5250]  }
0x16a: {  	v55 =	vld [tilespmem:s29+$0x5260]  }
0x16b: {  	v58 =	vmov s30;
	v56 =	vld [tilespmem:s29+$0x5600]  }
0x16c: {  	s30 =	sadd.s32 $0x1, s30;
	v57 =	vld [tilespmem:s29+$0x5610]  }
0x16d: {  	_ = 	snop  }
0x16e: {  	v1 =	vld [tilespmem:s29+$0xB610]  }
0x16f: {  	v2 =	vld [tilespmem:s29+$0xB630]  }
0x170: {  	v3 =	vld [tilespmem:s29+$0x5620]  }
0x171: {  	v39 =	vld.idx.msk [tilespmem:v58+s25+$0x0], $0xffff  }
0x172: {  	v4 =	vld [tilespmem:s29+$0x5630]  }
0x173: {  	v41 =	vld.idx.msk [tilespmem:v58+s26+$0x0], $0xffff  }
0x174: {  	v5 =	vld [tilespmem:s29+$0xB620]  }
0x175: {  	v60 =	vld [tilespmem:s29+$0xB270]  }
0x176: {  	v6 =	vld [tilespmem:s29+$0xB220]  }
0x177: {  	v4 =	vmul.f32 v4, v39  }
0x178: {  	v58 =	vld [tilespmem:s29+$0xB600];
	v2 =	vmul.f32 v2, v41;
	v3 =	vmul.f32 v3, v39  }
0x179: {  	v59 =	vld [tilespmem:s29+$0x5270];
	v5 =	vmul.f32 v5, v41;
	v1 =	vmul.f32 v1, v41  }
0x17a: {  	v61 =	vld [tilespmem:s29+$0xB260];
	v56 =	vmul.f32 v56, v39;
	v60 =	vmul.f32 v60, v41  }
0x17b: {  	v62 =	vld [tilespmem:s29+$0xB250];
	v51 =	vmul.f32 v51, v39;
	v6 =	vmul.f32 v6, v41;
	v2 =	vadd.f32 v2, v4  }
0x17c: {  	v20 =	vmul.f32 v20, v39;
	v19 =	vmul.f32 v19, v41;
	v4 =	vld [tilespmem:s29+$0xB230];
	v3 =	vadd.f32 v5, v3  }
0x17d: {  	v63 =	vld [tilespmem:s29+$0xB240];
	v16 =	vmul.f32 v16, v39;
	v5 =	vmul.f32 v57, v39;
	v6 =	vadd.f32 v6, v51;
	[tilespmem:s29+$0x5630] =	vst v2  }
0x17e: {  	v15 =	vmul.f32 v15, v41;
	v57 =	vmul.f32 v58, v41;
	v58 =	vld [tilespmem:s29+$0xAE30];
	v19 =	vadd.f32 v19, v20;
	[tilespmem:s29+$0x5620] =	vst v3  }
0x17f: {  	v55 =	vmul.f32 v55, v39;
	v2 =	vld [tilespmem:s29+$0xB210];
	v1 =	vadd.f32 v1, v5;
	v5 =	vmul.f32 v59, v39;
	[tilespmem:s29+$0x5220] =	vst v6  }
0x180: {  	v14 =	vmul.f32 v14, v39;
	v13 =	vmul.f32 v13, v41;
	v15 =	vadd.f32 v15, v16;
	v3 =	vld [tilespmem:s29+$0xB200];
	[tilespmem:s29+$0x4250] =	vst v19  }
0x181: {  	v52 =	vmul.f32 v52, v39;
	[tilespmem:s29+$0x5610] =	vst v1;
	v1 =	vld [tilespmem:s29+$0xAE70];
	v5 =	vadd.f32 v60, v5;
	v4 =	vmul.f32 v4, v41  }
0x182: {  	v50 =	vmul.f32 v50, v39;
	v20 =	vld [tilespmem:s29+$0x4200];
	v13 =	vadd.f32 v13, v14;
	v56 =	vadd.f32 v57, v56;
	[tilespmem:s29+$0x4230] =	vst v15  }
0x183: {  	v57 =	vmul.f32 v61, v41;
	v61 =	vmul.f32 v62, v41;
	[tilespmem:s29+$0x5270] =	vst v5;
	v5 =	vld [tilespmem:s29+$0xAE50];
	v4 =	vadd.f32 v4, v52  }
0x184: {  	v62 =	vmul.f32 v63, v41;
	v63 =	vld [tilespmem:s29+$0xAE40];
	[tilespmem:s29+$0x4220] =	vst v13;
	v2 =	vmul.f32 v2, v41  }
0x185: {  	v49 =	vmul.f32 v49, v39;
	v55 =	vadd.f32 v57, v55;
	v3 =	vmul.f32 v3, v41;
	[tilespmem:s29+$0x5230] =	vst v4;
	v4 =	vld [tilespmem:s29+$0xAE10]  }
0x186: {  	v48 =	vmul.f32 v48, v39;
	v59 =	vld [tilespmem:s29+$0xAE20];
	[tilespmem:s29+$0x5600] =	vst v56;
	v2 =	vadd.f32 v2, v50;
	v1 =	vmul.f32 v1, v41  }
0x187: {  	v54 =	vmul.f32 v54, v39;
	v53 =	vmul.f32 v53, v39;
	v6 =	vld [tilespmem:s29+$0xAE00];
	[tilespmem:s29+$0x5260] =	vst v55;
	v3 =	vadd.f32 v3, v49  }
0x188: {  	v46 =	vmul.f32 v46, v39;
	[tilespmem:s29+$0x5210] =	vst v2;
	v2 =	vld [tilespmem:s29+$0xAA70];
	v1 =	vadd.f32 v1, v48;
	v5 =	vmul.f32 v5, v41  }
0x189: {  	v47 =	vmul.f32 v47, v39;
	v45 =	vmul.f32 v45, v39;
	v54 =	vadd.f32 v61, v54;
	[tilespmem:s29+$0x5200] =	vst v3;
	v3 =	vld [tilespmem:s29+$0xAA60]  }
0x18a: {  	v42 =	vmul.f32 v42, v39;
	[tilespmem:s29+$0x4E70] =	vst v1;
	v1 =	vld [tilespmem:s29+$0xAA50];
	v5 =	vadd.f32 v5, v46;
	v4 =	vmul.f32 v4, v41  }
0x18b: {  	v44 =	vmul.f32 v44, v39;
	v60 =	vld [tilespmem:s29+$0xAE60];
	v53 =	vadd.f32 v62, v53;
	[tilespmem:s29+$0x5250] =	vst v54;
	v61 =	vmul.f32 v63, v41  }
0x18c: {  	v40 =	vmul.f32 v40, v39;
	v6 =	vmul.f32 v6, v41;
	[tilespmem:s29+$0x4E50] =	vst v5;
	v5 =	vld [tilespmem:s29+$0xAA30];
	v4 =	vadd.f32 v4, v42  }
0x18d: {  	v38 =	vmul.f32 v38, v39;
	v62 =	vld [tilespmem:s29+$0xAA40];
	[tilespmem:s29+$0x5240] =	vst v53;
	v45 =	vadd.f32 v61, v45;
	v2 =	vmul.f32 v2, v41  }
0x18e: {  	v37 =	vmul.f32 v37, v39;
	v6 =	vadd.f32 v6, v40;
	v3 =	vmul.f32 v3, v41;
	[tilespmem:s29+$0x4E10] =	vst v4;
	v4 =	vld [tilespmem:s29+$0xA670]  }
0x18f: {  	v36 =	vmul.f32 v36, v39;
	v56 =	vld [tilespmem:s29+$0xAA00];
	[tilespmem:s29+$0x4E40] =	vst v45;
	v2 =	vadd.f32 v2, v38;
	v1 =	vmul.f32 v1, v41  }
0x190: {  	v43 =	vmul.f32 v43, v39;
	v63 =	vmul.f32 v58, v41;
	[tilespmem:s29+$0x4E00] =	vst v6;
	v6 =	vld [tilespmem:s29+$0xA660];
	v3 =	vadd.f32 v3, v37  }
0x191: {  	v34 =	vmul.f32 v34, v39;
	[tilespmem:s29+$0x4A70] =	vst v2;
	v2 =	vld [tilespmem:s29+$0xA650];
	v1 =	vadd.f32 v1, v36;
	v5 =	vmul.f32 v5, v41  }
0x192: {  	v35 =	vmul.f32 v35, v39;
	v53 =	vmul.f32 v59, v41;
	v44 =	vadd.f32 v63, v44;
	[tilespmem:s29+$0x4A60] =	vst v3;
	v3 =	vld [tilespmem:s29+$0xA640]  }
0x193: {  	v30 =	vmul.f32 v30, v39;
	[tilespmem:s29+$0x4A50] =	vst v1;
	v1 =	vld [tilespmem:s29+$0xA630];
	v5 =	vadd.f32 v5, v34;
	v4 =	vmul.f32 v4, v41  }
0x194: {  	v29 =	vmul.f32 v29, v39;
	v59 =	vld [tilespmem:s29+$0xA620];
	v60 =	vmul.f32 v60, v41;
	v43 =	vadd.f32 v53, v43;
	[tilespmem:s29+$0x4E30] =	vst v44  }
0x195: {  	v28 =	vmul.f32 v28, v39;
	v6 =	vmul.f32 v6, v41;
	[tilespmem:s29+$0x4A30] =	vst v5;
	v5 =	vld [tilespmem:s29+$0xA610];
	v4 =	vadd.f32 v4, v30  }
0x196: {  	v54 =	vld [tilespmem:s29+$0xAA20];
	v57 =	vmul.f32 v62, v41;
	v47 =	vadd.f32 v60, v47;
	[tilespmem:s29+$0x4E20] =	vst v43;
	v2 =	vmul.f32 v2, v41  }
0x197: {  	v62 =	vld [tilespmem:s29+$0xA600];
	v6 =	vadd.f32 v6, v29;
	v3 =	vmul.f32 v3, v41;
	[tilespmem:s29+$0x4670] =	vst v4;
	v4 =	vmul.f32 v27, v39  }
0x198: {  	v26 =	vmul.f32 v26, v39;
	v63 =	vld [tilespmem:s29+$0xA270];
	[tilespmem:s29+$0x4E60] =	vst v47;
	v2 =	vadd.f32 v2, v28;
	v1 =	vmul.f32 v1, v41  }
0x199: {  	v55 =	vld [tilespmem:s29+$0xAA10];
	[tilespmem:s29+$0x4660] =	vst v6;
	v3 =	vadd.f32 v3, v4;
	v4 =	vmul.f32 v25, v39;
	v25 =	vmul.f32 v59, v41  }
0x19a: {  	v24 =	vmul.f32 v24, v39;
	v29 =	vld [tilespmem:s29+$0xA260];
	[tilespmem:s29+$0x4650] =	vst v2;
	v1 =	vadd.f32 v1, v26;
	v5 =	vmul.f32 v5, v41  }
0x19b: {  	v33 =	vmul.f32 v33, v39;
	v32 =	vmul.f32 v32, v39;
	v6 =	vld [tilespmem:s29+$0xB640];
	[tilespmem:s29+$0x4640] =	vst v3;
	v4 =	vadd.f32 v25, v4  }
0x19c: {  	v2 =	vld [tilespmem:s29+$0xB650];
	[tilespmem:s29+$0x4630] =	vst v1;
	v1 =	vmul.f32 v23, v39;
	v23 =	vmul.f32 v62, v41;
	v5 =	vadd.f32 v5, v24  }
0x19d: {  	v35 =	vadd.f32 v57, v35;
	v3 =	vld [tilespmem:s29+$0xB660];
	[tilespmem:s29+$0x4620] =	vst v4;
	v4 =	vmul.f32 v22, v39;
	v22 =	vmul.f32 v63, v41  }
0x19e: {  	v31 =	vmul.f32 v31, v39;
	v61 =	vmul.f32 v56, v41;
	v1 =	vadd.f32 v23, v1;
	[tilespmem:s29+$0x4610] =	vst v5;
	v5 =	vld [tilespmem:s29+$0x5650]  }
0x19f: {  	v21 =	vmul.f32 v21, v39;
	v58 =	vmul.f32 v54, v41;
	[tilespmem:s29+$0x4A40] =	vst v35;
	v25 =	vld [tilespmem:s29+$0xB670];
	v4 =	vadd.f32 v22, v4  }
0x1a0: {  	v60 =	vmul.f32 v55, v41;
	v31 =	vadd.f32 v61, v31;
	v24 =	vmul.f32 v29, v41;
	[tilespmem:s29+$0x4600] =	vst v1;
	v1 =	vld [tilespmem:s29+$0x5660]  }
0x1a1: {  	v17 =	vmul.f32 v17, v41;
	v33 =	vadd.f32 v58, v33;
	v23 =	vld [tilespmem:s29+$0x5640];
	[tilespmem:s29+$0x4270] =	vst v4;
	v4 =	vmul.f32 v18, v39  }
0x1a2: {  	v32 =	vadd.f32 v60, v32;
	[tilespmem:s29+$0x4A00] =	vst v31;
	v21 =	vadd.f32 v24, v21;
	v18 =	vld [tilespmem:s29+$0x5670]  }
0x1a3: {  	[tilespmem:s29+$0x4A20] =	vst v33;
	v2 =	vmul.f32 v2, v41;
	v5 =	vmul.f32 v5, v39;
	v4 =	vadd.f32 v17, v4;
	v17 =	vld [tilespmem:s29+$0xA200]  }
0x1a4: {  	v12 =	vmul.f32 v12, v39;
	v11 =	vmul.f32 v11, v41;
	[tilespmem:s29+$0x4A10] =	vst v32  }
0x1a5: {  	[tilespmem:s29+$0x4260] =	vst v21;
	v3 =	vmul.f32 v3, v41;
	v1 =	vmul.f32 v1, v39;
	v2 =	vadd.f32 v2, v5  }
0x1a6: {  	v16 =	vmul.f32 v23, v39;
	[tilespmem:s29+$0x4240] =	vst v4;
	v4 =	vmul.f32 v6, v41;
	v6 =	vadd.f32 v11, v12  }
0x1a7: {  	v5 =	vmul.f32 v25, v41;
	v11 =	vmul.f32 v18, v39;
	v1 =	vadd.f32 v3, v1;
	[tilespmem:s29+$0x5650] =	vst v2  }
0x1a8: {  	v4 =	vadd.f32 v4, v16;
	[tilespmem:s29+$0x4210] =	vst v6;
	v6 =	vmul.f32 v20, v39;
	v12 =	vmul.f32 v17, v41  }
0x1a9: {  	v2 =	vadd.f32 v5, v11;
	[tilespmem:s29+$0x5660] =	vst v1  }
0x1aa: {  	[tilespmem:s29+$0x5640] =	vst v4;
	v3 =	vadd.f32 v12, v6  }
0x1ab: {  	[tilespmem:s29+$0x5670] =	vst v2  }
0x1ac: {  	s30 =	simm.s32 $0x0;
	[tilespmem:s29+$0x4200] =	vst v3  }
0x1ad: {  	[hbm4b:s8+s30] =	stream.linear.scatter [tilespmem:s13], [sflag:$0x2], $0x6000, $0x38;
	[tilespmem:$0x1C200] =	vst v63  }
0x1ae: {  	_ =	swait.ge [sflag:s11], $0x6000  }
0x1af: {  	[sflag:s11] =	ssyncset.done $0x0  }
0x1b0: {  	[sflag:s11] =	ssyncadd.s32 $0xFFFFA000  }
0x1b1: {  	_ =	swait.ge [sflag:s24], $0x6000  }
0x1b2: {  	[sflag:s24] =	ssyncset.done $0x0  }
0x1b3: {  	s0 =	simm.s32 $0x0;
	[sflag:s24] =	ssyncadd.s32 $0xFFFFA000  }
0x1b4: {  	s0 =	smul.u32 $0x1800, s0;
	_ =	swait.ge [sflag:s24], $0x6000  }
0x1b5: {  	s1 =	sand.u32 $0x380, s30;
	[sflag:s24] =	ssyncset.done $0x0  }
0x1b6: {  	s29 =	sor.u32 s1, s0;
	[sflag:s24] =	ssyncadd.s32 $0xFFFFA000  }
0x1b7: {  	v12 =	vld [tilespmem:s29+$0x10210]  }
0x1b8: {  	v11 =	vld [tilespmem:s29+$0x16210]  }
0x1b9: {  	v14 =	vld [tilespmem:s29+$0x10220]  }
0x1ba: {  	v13 =	vld [tilespmem:s29+$0x16220]  }
0x1bb: {  	v16 =	vld [tilespmem:s29+$0x10230]  }
0x1bc: {  	v15 =	vld [tilespmem:s29+$0x16230]  }
0x1bd: {  	v18 =	vld [tilespmem:s29+$0x10240]  }
0x1be: {  	v17 =	vld [tilespmem:s29+$0x16240]  }
0x1bf: {  	v20 =	vld [tilespmem:s29+$0x10250]  }
0x1c0: {  	v19 =	vld [tilespmem:s29+$0x16250]  }
0x1c1: {  	v21 =	vld [tilespmem:s29+$0x10260]  }
0x1c2: {  	v22 =	vld [tilespmem:s29+$0x10270]  }
0x1c3: {  	v23 =	vld [tilespmem:s29+$0x10600]  }
0x1c4: {  	v24 =	vld [tilespmem:s29+$0x10610]  }
0x1c5: {  	v25 =	vld [tilespmem:s29+$0x10620]  }
0x1c6: {  	v26 =	vld [tilespmem:s29+$0x10630]  }
0x1c7: {  	v27 =	vld [tilespmem:s29+$0x10640]  }
0x1c8: {  	v28 =	vld [tilespmem:s29+$0x10650]  }
0x1c9: {  	v29 =	vld [tilespmem:s29+$0x10660]  }
0x1ca: {  	v30 =	vld [tilespmem:s29+$0x10670]  }
0x1cb: {  	v31 =	vld [tilespmem:s29+$0x10A00]  }
0x1cc: {  	v32 =	vld [tilespmem:s29+$0x10A10]  }
0x1cd: {  	v33 =	vld [tilespmem:s29+$0x10A20]  }
0x1ce: {  	v34 =	vld [tilespmem:s29+$0x10A30]  }
0x1cf: {  	v35 =	vld [tilespmem:s29+$0x10A40]  }
0x1d0: {  	v36 =	vld [tilespmem:s29+$0x10A50]  }
0x1d1: {  	v37 =	vld [tilespmem:s29+$0x10A60]  }
0x1d2: {  	v38 =	vld [tilespmem:s29+$0x10A70]  }
0x1d3: {  	v40 =	vld [tilespmem:s29+$0x10E00]  }
0x1d4: {  	v42 =	vld [tilespmem:s29+$0x10E10]  }
0x1d5: {  	v43 =	vld [tilespmem:s29+$0x10E20]  }
0x1d6: {  	v44 =	vld [tilespmem:s29+$0x10E30]  }
0x1d7: {  	v45 =	vld [tilespmem:s29+$0x10E40]  }
0x1d8: {  	v46 =	vld [tilespmem:s29+$0x10E50]  }
0x1d9: {  	v47 =	vld [tilespmem:s29+$0x10E60]  }
0x1da: {  	v48 =	vld [tilespmem:s29+$0x10E70]  }
0x1db: {  	v49 =	vld [tilespmem:s29+$0x11200]  }
0x1dc: {  	v50 =	vld [tilespmem:s29+$0x11210]  }
0x1dd: {  	v51 =	vld [tilespmem:s29+$0x11220]  }
0x1de: {  	v52 =	vld [tilespmem:s29+$0x11230]  }
0x1df: {  	v53 =	vld [tilespmem:s29+$0x11240]  }
0x1e0: {  	v54 =	vld [tilespmem:s29+$0x11250]  }
0x1e1: {  	s1 =	simm.s32 $0x20;
	v55 =	vld [tilespmem:s29+$0x11260]  }
0x1e2: {  	s31 =	simm.s32 $0x1;
	v57 =	vmov s1;
	v56 =	vld [tilespmem:s29+$0x11600]  }
.LBB2_4:
0x1e3: {  	p0 =	sne.s32 s31, $0x1F;
	v1 =	vld [tilespmem:s29+$0x11610]  }
0x1e4: {  	v2 =	vld [tilespmem:s29+$0x17610]  }
0x1e5: {  	v3 =	vld [tilespmem:s29+$0x17630]  }
0x1e6: {  	v4 =	vld [tilespmem:s29+$0x11620]  }
0x1e7: {  	v41 =	vld.idx.msk [tilespmem:v57+s25+$0x0], $0xffff  }
0x1e8: {  	v39 =	vld.idx.msk [tilespmem:v57+s26+$0x0], $0xffff  }
0x1e9: {  	v5 =	vld [tilespmem:s29+$0x11630]  }
0x1ea: {  	v6 =	vld [tilespmem:s29+$0x17620]  }
0x1eb: {  	v57 =	vld [tilespmem:s29+$0x17600]  }
0x1ec: {  	v58 =	vld [tilespmem:s29+$0x11270]  }
0x1ed: {  	v1 =	vmul.f32 v1, v41;
	v4 =	vmul.f32 v4, v41;
	v59 =	vld [tilespmem:s29+$0x17270]  }
0x1ee: {  	v3 =	vmul.f32 v3, v39;
	v60 =	vld [tilespmem:s29+$0x17260];
	v5 =	vmul.f32 v5, v41  }
0x1ef: {  	v2 =	vmul.f32 v2, v39;
	v61 =	vld [tilespmem:s29+$0x17250];
	v6 =	vmul.f32 v6, v39  }
0x1f0: {  	v56 =	vmul.f32 v56, v41;
	v62 =	vld [tilespmem:s29+$0x17240];
	v57 =	vmul.f32 v57, v39;
	v3 =	vadd.f32 v3, v5  }
0x1f1: {  	v1 =	vadd.f32 v2, v1;
	v5 =	vld [tilespmem:s29+$0x17230];
	v58 =	vmul.f32 v58, v41;
	v2 =	vadd.f32 v6, v4  }
0x1f2: {  	v6 =	vmul.f32 v55, v41;
	v4 =	vld [tilespmem:s29+$0x17220];
	v55 =	vmul.f32 v59, v39;
	v56 =	vadd.f32 v57, v56;
	[tilespmem:s29+$0x11630] =	vst v3  }
0x1f3: {  	v54 =	vmul.f32 v54, v41;
	v3 =	vld [tilespmem:s29+$0x17210];
	v57 =	vmul.f32 v60, v39;
	[tilespmem:s29+$0x11620] =	vst v2  }
0x1f4: {  	v53 =	vmul.f32 v53, v41;
	v2 =	vld [tilespmem:s29+$0x17200];
	v59 =	vmul.f32 v61, v39;
	v55 =	vadd.f32 v55, v58;
	[tilespmem:s29+$0x11610] =	vst v1  }
0x1f5: {  	v52 =	vmul.f32 v52, v41;
	v1 =	vld [tilespmem:s29+$0x16E70];
	v58 =	vmul.f32 v62, v39;
	v6 =	vadd.f32 v57, v6;
	[tilespmem:s29+$0x11600] =	vst v56  }
0x1f6: {  	v51 =	vmul.f32 v51, v41;
	v56 =	vld [tilespmem:s29+$0x16E60];
	v5 =	vmul.f32 v5, v39;
	v54 =	vadd.f32 v59, v54;
	[tilespmem:s29+$0x11270] =	vst v55  }
0x1f7: {  	v50 =	vmul.f32 v50, v41;
	v55 =	vld [tilespmem:s29+$0x16E50];
	v4 =	vmul.f32 v4, v39;
	v53 =	vadd.f32 v58, v53;
	[tilespmem:s29+$0x11260] =	vst v6  }
0x1f8: {  	v49 =	vmul.f32 v49, v41;
	v6 =	vld [tilespmem:s29+$0x16E40];
	v3 =	vmul.f32 v3, v39;
	v5 =	vadd.f32 v5, v52;
	[tilespmem:s29+$0x11250] =	vst v54  }
0x1f9: {  	v48 =	vmul.f32 v48, v41;
	v52 =	vld [tilespmem:s29+$0x16E30];
	v2 =	vmul.f32 v2, v39;
	v4 =	vadd.f32 v4, v51;
	[tilespmem:s29+$0x11240] =	vst v53  }
0x1fa: {  	v47 =	vmul.f32 v47, v41;
	v51 =	vld [tilespmem:s29+$0x16E20];
	v1 =	vmul.f32 v1, v39;
	v3 =	vadd.f32 v3, v50;
	[tilespmem:s29+$0x11230] =	vst v5  }
0x1fb: {  	v46 =	vmul.f32 v46, v41;
	v5 =	vld [tilespmem:s29+$0x16E10];
	v50 =	vmul.f32 v56, v39;
	v2 =	vadd.f32 v2, v49;
	[tilespmem:s29+$0x11220] =	vst v4  }
0x1fc: {  	v45 =	vmul.f32 v45, v41;
	v4 =	vld [tilespmem:s29+$0x16E00];
	v49 =	vmul.f32 v55, v39;
	v1 =	vadd.f32 v1, v48;
	[tilespmem:s29+$0x11210] =	vst v3  }
0x1fd: {  	v44 =	vmul.f32 v44, v41;
	v3 =	vld [tilespmem:s29+$0x16A70];
	v6 =	vmul.f32 v6, v39;
	v47 =	vadd.f32 v50, v47;
	[tilespmem:s29+$0x11200] =	vst v2  }
0x1fe: {  	v43 =	vmul.f32 v43, v41;
	v2 =	vld [tilespmem:s29+$0x16A60];
	v48 =	vmul.f32 v52, v39;
	v46 =	vadd.f32 v49, v46;
	[tilespmem:s29+$0x10E70] =	vst v1  }
0x1ff: {  	v42 =	vmul.f32 v42, v41;
	v1 =	vld [tilespmem:s29+$0x16A50];
	v49 =	vmul.f32 v51, v39;
	v6 =	vadd.f32 v6, v45;
	[tilespmem:s29+$0x10E60] =	vst v47  }
0x200: {  	v40 =	vmul.f32 v40, v41;
	v45 =	vld [tilespmem:s29+$0x16A40];
	v5 =	vmul.f32 v5, v39;
	v44 =	vadd.f32 v48, v44;
	[tilespmem:s29+$0x10E50] =	vst v46  }
0x201: {  	v38 =	vmul.f32 v38, v41;
	v46 =	vld [tilespmem:s29+$0x16A30];
	v4 =	vmul.f32 v4, v39;
	v43 =	vadd.f32 v49, v43;
	[tilespmem:s29+$0x10E40] =	vst v6  }
0x202: {  	v37 =	vmul.f32 v37, v41;
	v6 =	vld [tilespmem:s29+$0x16A20];
	v3 =	vmul.f32 v3, v39;
	v5 =	vadd.f32 v5, v42;
	[tilespmem:s29+$0x10E30] =	vst v44  }
0x203: {  	v36 =	vmul.f32 v36, v41;
	v42 =	vld [tilespmem:s29+$0x16A10];
	v2 =	vmul.f32 v2, v39;
	v4 =	vadd.f32 v4, v40;
	[tilespmem:s29+$0x10E20] =	vst v43  }
0x204: {  	v35 =	vmul.f32 v35, v41;
	v40 =	vld [tilespmem:s29+$0x16A00];
	v1 =	vmul.f32 v1, v39;
	v3 =	vadd.f32 v3, v38;
	[tilespmem:s29+$0x10E10] =	vst v5  }
0x205: {  	v34 =	vmul.f32 v34, v41;
	v5 =	vld [tilespmem:s29+$0x16670];
	v38 =	vmul.f32 v45, v39;
	v2 =	vadd.f32 v2, v37;
	[tilespmem:s29+$0x10E00] =	vst v4  }
0x206: {  	v33 =	vmul.f32 v33, v41;
	v4 =	vld [tilespmem:s29+$0x16660];
	v37 =	vmul.f32 v46, v39;
	v1 =	vadd.f32 v1, v36;
	[tilespmem:s29+$0x10A70] =	vst v3  }
0x207: {  	v32 =	vmul.f32 v32, v41;
	v3 =	vld [tilespmem:s29+$0x16650];
	v6 =	vmul.f32 v6, v39;
	v35 =	vadd.f32 v38, v35;
	[tilespmem:s29+$0x10A60] =	vst v2  }
0x208: {  	v31 =	vmul.f32 v31, v41;
	v2 =	vld [tilespmem:s29+$0x16640];
	v36 =	vmul.f32 v42, v39;
	v34 =	vadd.f32 v37, v34;
	[tilespmem:s29+$0x10A50] =	vst v1  }
0x209: {  	v30 =	vmul.f32 v30, v41;
	v1 =	vld [tilespmem:s29+$0x16630];
	v37 =	vmul.f32 v40, v39;
	v6 =	vadd.f32 v6, v33;
	[tilespmem:s29+$0x10A40] =	vst v35  }
0x20a: {  	v29 =	vmul.f32 v29, v41;
	v33 =	vld [tilespmem:s29+$0x16620];
	v5 =	vmul.f32 v5, v39;
	v32 =	vadd.f32 v36, v32;
	[tilespmem:s29+$0x10A30] =	vst v34  }
0x20b: {  	v28 =	vmul.f32 v28, v41;
	v34 =	vld [tilespmem:s29+$0x16610];
	v4 =	vmul.f32 v4, v39;
	v31 =	vadd.f32 v37, v31;
	[tilespmem:s29+$0x10A20] =	vst v6  }
0x20c: {  	v27 =	vmul.f32 v27, v41;
	v6 =	vld [tilespmem:s29+$0x16600];
	v3 =	vmul.f32 v3, v39;
	v5 =	vadd.f32 v5, v30;
	[tilespmem:s29+$0x10A10] =	vst v32  }
0x20d: {  	v26 =	vmul.f32 v26, v41;
	v30 =	vld [tilespmem:s29+$0x16270];
	v2 =	vmul.f32 v2, v39;
	v4 =	vadd.f32 v4, v29;
	[tilespmem:s29+$0x10A00] =	vst v31  }
0x20e: {  	v25 =	vmul.f32 v25, v41;
	v29 =	vld [tilespmem:s29+$0x16260];
	v1 =	vmul.f32 v1, v39;
	v3 =	vadd.f32 v3, v28;
	[tilespmem:s29+$0x10670] =	vst v5  }
0x20f: {  	v5 =	vmul.f32 v24, v41;
	v24 =	vmul.f32 v33, v39;
	v2 =	vadd.f32 v2, v27;
	[tilespmem:s29+$0x10660] =	vst v4;
	v4 =	vld [tilespmem:s29+$0x17640]  }
0x210: {  	v23 =	vmul.f32 v23, v41;
	v27 =	vmul.f32 v34, v39;
	v1 =	vadd.f32 v1, v26;
	[tilespmem:s29+$0x10650] =	vst v3;
	v3 =	vld [tilespmem:s29+$0x17650]  }
0x211: {  	v22 =	vmul.f32 v22, v41;
	v6 =	vmul.f32 v6, v39;
	v24 =	vadd.f32 v24, v25;
	[tilespmem:s29+$0x10640] =	vst v2;
	v2 =	vld [tilespmem:s29+$0x17660]  }
0x212: {  	v21 =	vmul.f32 v21, v41;
	v25 =	vmul.f32 v30, v39;
	v5 =	vadd.f32 v27, v5;
	[tilespmem:s29+$0x10630] =	vst v1;
	v1 =	vld [tilespmem:s29+$0x17670]  }
0x213: {  	v20 =	vmul.f32 v20, v41;
	v26 =	vmul.f32 v29, v39;
	v6 =	vadd.f32 v6, v23;
	[tilespmem:s29+$0x10620] =	vst v24;
	v23 =	vld [tilespmem:s29+$0x11640]  }
0x214: {  	v18 =	vmul.f32 v18, v41;
	v19 =	vmul.f32 v19, v39;
	v22 =	vadd.f32 v25, v22;
	[tilespmem:s29+$0x10610] =	vst v5;
	v5 =	vld [tilespmem:s29+$0x11650]  }
0x215: {  	v16 =	vmul.f32 v16, v41;
	v17 =	vmul.f32 v17, v39;
	v21 =	vadd.f32 v26, v21;
	[tilespmem:s29+$0x10600] =	vst v6;
	v6 =	vld [tilespmem:s29+$0x11660]  }
0x216: {  	v14 =	vmul.f32 v14, v41;
	v15 =	vmul.f32 v15, v39;
	v19 =	vadd.f32 v19, v20;
	[tilespmem:s29+$0x10270] =	vst v22;
	v20 =	vld [tilespmem:s29+$0x11670]  }
0x217: {  	v12 =	vmul.f32 v12, v41;
	v13 =	vmul.f32 v13, v39;
	v17 =	vadd.f32 v17, v18;
	v22 =	vld [tilespmem:s29+$0x10200];
	[tilespmem:s29+$0x10260] =	vst v21  }
0x218: {  	v11 =	vmul.f32 v11, v39;
	v15 =	vadd.f32 v15, v16;
	v18 =	vld [tilespmem:s29+$0x16200];
	[tilespmem:s29+$0x10250] =	vst v19;
	v16 =	vmul.f32 v23, v41  }
0x219: {  	s0 =	sshrl.u32 s31, $0x3;
	v13 =	vadd.f32 v13, v14;
	v4 =	vmul.f32 v4, v39;
	[tilespmem:s29+$0x10240] =	vst v17;
	v5 =	vmul.f32 v5, v41  }
0x21a: {  	s30 =	sadd.s32 $0x80, s30;
	s0 =	smul.u32 $0x1800, s0;
	v11 =	vadd.f32 v11, v12;
	v3 =	vmul.f32 v3, v39;
	[tilespmem:s29+$0x10230] =	vst v15;
	v6 =	vmul.f32 v6, v41  }
0x21b: {  	s1 =	sand.u32 $0x380, s30;
	v2 =	vmul.f32 v2, v39;
	v4 =	vadd.f32 v4, v16;
	[tilespmem:s29+$0x10220] =	vst v13;
	v13 =	vmul.f32 v20, v41  }
0x21c: {  	s0 =	sor.u32 s1, s0;
	v1 =	vmul.f32 v1, v39;
	v3 =	vadd.f32 v3, v5;
	v15 =	vmul.f32 v22, v41;
	[tilespmem:s29+$0x10210] =	vst v11  }
0x21d: {  	v2 =	vadd.f32 v2, v6;
	v12 =	vld [tilespmem:s0+$0x10210];
	v5 =	vmul.f32 v18, v39;
	[tilespmem:s29+$0x11640] =	vst v4  }
0x21e: {  	v1 =	vadd.f32 v1, v13;
	v11 =	vld [tilespmem:s0+$0x16210];
	[tilespmem:s29+$0x11650] =	vst v3  }
0x21f: {  	v14 =	vld [tilespmem:s0+$0x10220];
	v3 =	vadd.f32 v5, v15;
	[tilespmem:s29+$0x11660] =	vst v2  }
0x220: {  	v13 =	vld [tilespmem:s0+$0x16220];
	[tilespmem:s29+$0x11670] =	vst v1  }
0x221: {  	v16 =	vld [tilespmem:s0+$0x10230];
	[tilespmem:s29+$0x10200] =	vst v3;
	s29 =	smov.u32 s0  }
0x222: {  	v15 =	vld [tilespmem:s29+$0x16230]  }
0x223: {  	v18 =	vld [tilespmem:s29+$0x10240]  }
0x224: {  	v17 =	vld [tilespmem:s29+$0x16240]  }
0x225: {  	v20 =	vld [tilespmem:s29+$0x10250]  }
0x226: {  	v19 =	vld [tilespmem:s29+$0x16250]  }
0x227: {  	v21 =	vld [tilespmem:s29+$0x10260]  }
0x228: {  	v22 =	vld [tilespmem:s29+$0x10270]  }
0x229: {  	v23 =	vld [tilespmem:s29+$0x10600]  }
0x22a: {  	v24 =	vld [tilespmem:s29+$0x10610]  }
0x22b: {  	v25 =	vld [tilespmem:s29+$0x10620]  }
0x22c: {  	v26 =	vld [tilespmem:s29+$0x10630]  }
0x22d: {  	v27 =	vld [tilespmem:s29+$0x10640]  }
0x22e: {  	v28 =	vld [tilespmem:s29+$0x10650]  }
0x22f: {  	v29 =	vld [tilespmem:s29+$0x10660]  }
0x230: {  	v30 =	vld [tilespmem:s29+$0x10670]  }
0x231: {  	v31 =	vld [tilespmem:s29+$0x10A00]  }
0x232: {  	v32 =	vld [tilespmem:s29+$0x10A10]  }
0x233: {  	v33 =	vld [tilespmem:s29+$0x10A20]  }
0x234: {  	v34 =	vld [tilespmem:s29+$0x10A30]  }
0x235: {  	v35 =	vld [tilespmem:s29+$0x10A40]  }
0x236: {  	v36 =	vld [tilespmem:s29+$0x10A50]  }
0x237: {  	v37 =	vld [tilespmem:s29+$0x10A60]  }
0x238: {  	v38 =	vld [tilespmem:s29+$0x10A70]  }
0x239: {  	v40 =	vld [tilespmem:s29+$0x10E00]  }
0x23a: {  	v42 =	vld [tilespmem:s29+$0x10E10]  }
0x23b: {  	v43 =	vld [tilespmem:s29+$0x10E20]  }
0x23c: {  	v44 =	vld [tilespmem:s29+$0x10E30]  }
0x23d: {  	v45 =	vld [tilespmem:s29+$0x10E40]  }
0x23e: {  	v46 =	vld [tilespmem:s29+$0x10E50]  }
0x23f: {  	v47 =	vld [tilespmem:s29+$0x10E60]  }
0x240: {  	v48 =	vld [tilespmem:s29+$0x10E70]  }
0x241: {  	v49 =	vld [tilespmem:s29+$0x11200]  }
0x242: {  	v50 =	vld [tilespmem:s29+$0x11210]  }
0x243: {  	v51 =	vld [tilespmem:s29+$0x11220]  }
.Ltmp1:
0x244: {  	v52 =	vld [tilespmem:s29+$0x11230];
	(pc) =	sbr.rel @p0 .LBB2_4-.Ltmp1, $4  }
0x245: {  	v53 =	vld [tilespmem:s29+$0x11240]  }
0x246: {  	v54 =	vld [tilespmem:s29+$0x11250]  }
0x247: {  	s0 =	sadd.s32 $0x20, s31;
	v55 =	vld [tilespmem:s29+$0x11260]  }
0x248: {  	s31 =	sadd.s32 $0x1, s31;
	v57 =	vmov s0;
	v56 =	vld [tilespmem:s29+$0x11600]  }
0x249: {  	_ = 	snop  }
0x24a: {  	v1 =	vld [tilespmem:s29+$0x11610]  }
0x24b: {  	v3 =	vld [tilespmem:s29+$0x17630]  }
0x24c: {  	v4 =	vld [tilespmem:s29+$0x11620]  }
0x24d: {  	v39 =	vld.idx.msk [tilespmem:v57+s25+$0x0], $0xffff  }
0x24e: {  	v41 =	vld.idx.msk [tilespmem:v57+s26+$0x0], $0xffff  }
0x24f: {  	v5 =	vld [tilespmem:s29+$0x11630]  }
0x250: {  	v6 =	vld [tilespmem:s29+$0x17620]  }
0x251: {  	v2 =	vld [tilespmem:s29+$0x17610]  }
0x252: {  	v60 =	vld [tilespmem:s29+$0x17260]  }
0x253: {  	v61 =	vld [tilespmem:s29+$0x17250]  }
0x254: {  	v62 =	vld [tilespmem:s29+$0x17240];
	v5 =	vmul.f32 v5, v39;
	v3 =	vmul.f32 v3, v41  }
0x255: {  	v4 =	vmul.f32 v4, v39;
	v6 =	vmul.f32 v6, v41  }
0x256: {  	v57 =	vld [tilespmem:s29+$0x17600];
	v1 =	vmul.f32 v1, v39;
	v2 =	vmul.f32 v2, v41  }
0x257: {  	v58 =	vld [tilespmem:s29+$0x11270];
	v55 =	vmul.f32 v55, v39;
	v60 =	vmul.f32 v60, v41  }
0x258: {  	v59 =	vld [tilespmem:s29+$0x17270];
	v54 =	vmul.f32 v54, v39;
	v61 =	vmul.f32 v61, v41;
	v3 =	vadd.f32 v3, v5  }
0x259: {  	v63 =	vld [tilespmem:s29+$0x17220];
	v53 =	vmul.f32 v53, v39;
	v62 =	vmul.f32 v62, v41;
	v4 =	vadd.f32 v6, v4  }
0x25a: {  	v52 =	vmul.f32 v52, v39;
	v51 =	vmul.f32 v51, v39;
	v5 =	vld [tilespmem:s29+$0x17230];
	v1 =	vadd.f32 v2, v1;
	[tilespmem:s29+$0x11630] =	vst v3  }
0x25b: {  	v6 =	vmul.f32 v56, v39;
	v56 =	vmul.f32 v57, v41;
	v2 =	vld [tilespmem:s29+$0x17200];
	v55 =	vadd.f32 v60, v55;
	[tilespmem:s29+$0x11620] =	vst v4  }
0x25c: {  	v50 =	vmul.f32 v50, v39;
	v49 =	vmul.f32 v49, v39;
	v54 =	vadd.f32 v61, v54;
	v60 =	vld [tilespmem:s29+$0x16E40];
	[tilespmem:s29+$0x11610] =	vst v1  }
0x25d: {  	v57 =	vmul.f32 v59, v41;
	v3 =	vld [tilespmem:s29+$0x17210];
	v4 =	vmul.f32 v58, v39;
	v6 =	vadd.f32 v56, v6;
	[tilespmem:s29+$0x11260] =	vst v55  }
0x25e: {  	v20 =	vmul.f32 v20, v39;
	v19 =	vmul.f32 v19, v41;
	v53 =	vadd.f32 v62, v53;
	v1 =	vld [tilespmem:s29+$0x16E70];
	[tilespmem:s29+$0x11250] =	vst v54  }
0x25f: {  	v48 =	vmul.f32 v48, v39;
	v4 =	vadd.f32 v57, v4;
	[tilespmem:s29+$0x11600] =	vst v6;
	v6 =	vld [tilespmem:s29+$0x16E60];
	v5 =	vmul.f32 v5, v41  }
0x260: {  	v16 =	vmul.f32 v16, v39;
	v15 =	vmul.f32 v15, v41;
	v61 =	vld [tilespmem:s29+$0x16E30];
	v19 =	vadd.f32 v19, v20;
	[tilespmem:s29+$0x11240] =	vst v53  }
0x261: {  	v47 =	vmul.f32 v47, v39;
	v2 =	vmul.f32 v2, v41;
	[tilespmem:s29+$0x11270] =	vst v4;
	v4 =	vld [tilespmem:s29+$0x16E50];
	v5 =	vadd.f32 v5, v52  }
0x262: {  	v62 =	vmul.f32 v63, v41;
	v63 =	vld [tilespmem:s29+$0x16E20];
	v15 =	vadd.f32 v15, v16;
	[tilespmem:s29+$0x10250] =	vst v19;
	v3 =	vmul.f32 v3, v41  }
0x263: {  	v46 =	vmul.f32 v46, v39;
	v1 =	vmul.f32 v1, v41;
	v2 =	vadd.f32 v2, v49;
	[tilespmem:s29+$0x11230] =	vst v5;
	v5 =	vld [tilespmem:s29+$0x16E10]  }
0x264: {  	v51 =	vadd.f32 v62, v51;
	v62 =	vld [tilespmem:s29+$0x16A10];
	[tilespmem:s29+$0x10230] =	vst v15;
	v3 =	vadd.f32 v3, v50;
	v6 =	vmul.f32 v6, v41  }
0x265: {  	v14 =	vmul.f32 v14, v39;
	v13 =	vmul.f32 v13, v41;
	v1 =	vadd.f32 v1, v48;
	[tilespmem:s29+$0x11200] =	vst v2;
	v2 =	vld [tilespmem:s29+$0x16A60]  }
0x266: {  	v45 =	vmul.f32 v45, v39;
	[tilespmem:s29+$0x11210] =	vst v3;
	v3 =	vld [tilespmem:s29+$0x16A70];
	v4 =	vmul.f32 v4, v41;
	v6 =	vadd.f32 v6, v47  }
0x267: {  	v12 =	vmul.f32 v12, v39;
	v11 =	vmul.f32 v11, v41;
	v13 =	vadd.f32 v13, v14;
	[tilespmem:s29+$0x10E70] =	vst v1;
	v1 =	vld [tilespmem:s29+$0x16A50]  }
0x268: {  	v42 =	vmul.f32 v42, v39;
	v4 =	vadd.f32 v4, v46;
	[tilespmem:s29+$0x10E60] =	vst v6;
	v6 =	vld [tilespmem:s29+$0x16A40];
	v5 =	vmul.f32 v5, v41  }
0x269: {  	v44 =	vmul.f32 v44, v39;
	v43 =	vmul.f32 v43, v39;
	v11 =	vadd.f32 v11, v12;
	v54 =	vld [tilespmem:s29+$0x16270];
	[tilespmem:s29+$0x10220] =	vst v13  }
0x26a: {  	v37 =	vmul.f32 v37, v39;
	v2 =	vmul.f32 v2, v41;
	[tilespmem:s29+$0x10E50] =	vst v4;
	v4 =	vld [tilespmem:s29+$0x16A30];
	v5 =	vadd.f32 v5, v42  }
0x26b: {  	v38 =	vmul.f32 v38, v39;
	v55 =	vld [tilespmem:s29+$0x16260];
	[tilespmem:s29+$0x10210] =	vst v11;
	v3 =	vmul.f32 v3, v41  }
0x26c: {  	v36 =	vmul.f32 v36, v39;
	v1 =	vmul.f32 v1, v41;
	v2 =	vadd.f32 v2, v37;
	[tilespmem:s29+$0x10E10] =	vst v5;
	v5 =	vld [tilespmem:s29+$0x16670]  }
0x26d: {  	v35 =	vmul.f32 v35, v39;
	v56 =	vld [tilespmem:s29+$0x17640];
	[tilespmem:s29+$0x11220] =	vst v51;
	v3 =	vadd.f32 v3, v38;
	v6 =	vmul.f32 v6, v41  }
0x26e: {  	v34 =	vmul.f32 v34, v39;
	v58 =	vmul.f32 v60, v41;
	v1 =	vadd.f32 v1, v36;
	[tilespmem:s29+$0x10A60] =	vst v2;
	v2 =	vld [tilespmem:s29+$0x16640]  }
0x26f: {  	v30 =	vmul.f32 v30, v39;
	[tilespmem:s29+$0x10A70] =	vst v3;
	v3 =	vld [tilespmem:s29+$0x16650];
	v4 =	vmul.f32 v4, v41;
	v6 =	vadd.f32 v6, v35  }
0x270: {  	v28 =	vmul.f32 v28, v39;
	v59 =	vmul.f32 v61, v41;
	v45 =	vadd.f32 v58, v45;
	[tilespmem:s29+$0x10A50] =	vst v1;
	v1 =	vld [tilespmem:s29+$0x16630]  }
0x271: {  	v26 =	vmul.f32 v26, v39;
	v4 =	vadd.f32 v4, v34;
	[tilespmem:s29+$0x10A40] =	vst v6;
	v6 =	vld [tilespmem:s29+$0x16620];
	v5 =	vmul.f32 v5, v41  }
0x272: {  	v24 =	vmul.f32 v24, v39;
	v60 =	vmul.f32 v63, v41;
	v61 =	vld [tilespmem:s29+$0x16A20];
	v44 =	vadd.f32 v59, v44;
	[tilespmem:s29+$0x10E40] =	vst v45  }
0x273: {  	v21 =	vmul.f32 v21, v39;
	v59 =	vmul.f32 v55, v41;
	[tilespmem:s29+$0x10A30] =	vst v4;
	v4 =	vld [tilespmem:s29+$0x16610];
	v5 =	vadd.f32 v5, v30  }
0x274: {  	v43 =	vadd.f32 v60, v43;
	v52 =	vld [tilespmem:s29+$0x16600];
	[tilespmem:s29+$0x10E30] =	vst v44;
	v2 =	vmul.f32 v2, v41;
	v3 =	vmul.f32 v3, v41  }
0x275: {  	v57 =	vld [tilespmem:s29+$0x16E00];
	v21 =	vadd.f32 v59, v21;
	v1 =	vmul.f32 v1, v41;
	[tilespmem:s29+$0x10670] =	vst v5;
	v5 =	vmul.f32 v27, v39  }
0x276: {  	[tilespmem:s29+$0x10E20] =	vst v43;
	v48 =	vld [tilespmem:s29+$0x16660];
	v50 =	vmul.f32 v62, v41;
	v3 =	vadd.f32 v3, v28;
	v6 =	vmul.f32 v6, v41  }
0x277: {  	v62 =	vld [tilespmem:s29+$0x10200];
	[tilespmem:s29+$0x10260] =	vst v21;
	v1 =	vadd.f32 v1, v26;
	v2 =	vadd.f32 v2, v5;
	v5 =	vmul.f32 v25, v39  }
0x278: {  	v49 =	vmul.f32 v61, v41;
	v61 =	vld [tilespmem:s29+$0x16200];
	[tilespmem:s29+$0x10650] =	vst v3;
	v4 =	vmul.f32 v4, v41  }
0x279: {  	v47 =	vld [tilespmem:s29+$0x16A00];
	[tilespmem:s29+$0x10630] =	vst v1;
	v1 =	vmul.f32 v23, v39;
	v5 =	vadd.f32 v6, v5;
	v6 =	vmul.f32 v52, v41  }
0x27a: {  	v40 =	vmul.f32 v40, v39;
	v63 =	vmul.f32 v57, v41;
	v3 =	vld [tilespmem:s29+$0x17650];
	[tilespmem:s29+$0x10640] =	vst v2;
	v4 =	vadd.f32 v4, v24  }
0x27b: {  	v58 =	vmul.f32 v54, v41;
	v2 =	vld [tilespmem:s29+$0x17660];
	[tilespmem:s29+$0x10620] =	vst v5;
	v5 =	vmul.f32 v22, v39;
	v1 =	vadd.f32 v6, v1  }
0x27c: {  	v33 =	vmul.f32 v33, v39;
	v32 =	vmul.f32 v32, v39;
	v40 =	vadd.f32 v63, v40;
	[tilespmem:s29+$0x10610] =	vst v4;
	v4 =	vld [tilespmem:s29+$0x11650]  }
0x27d: {  	v31 =	vmul.f32 v31, v39;
	v29 =	vmul.f32 v29, v39;
	v5 =	vadd.f32 v58, v5;
	[tilespmem:s29+$0x10600] =	vst v1;
	v1 =	vld [tilespmem:s29+$0x11660]  }
0x27e: {  	v17 =	vmul.f32 v17, v41;
	v32 =	vadd.f32 v50, v32;
	[tilespmem:s29+$0x10E00] =	vst v40;
	v53 =	vmul.f32 v48, v41;
	v6 =	vld [tilespmem:s29+$0x11640]  }
0x27f: {  	v57 =	vld [tilespmem:s29+$0x17670];
	v33 =	vadd.f32 v49, v33;
	v11 =	vmul.f32 v62, v39;
	[tilespmem:s29+$0x10270] =	vst v5;
	v5 =	vmul.f32 v18, v39  }
0x280: {  	v60 =	vld [tilespmem:s29+$0x11670];
	[tilespmem:s29+$0x10A10] =	vst v32;
	v63 =	vmul.f32 v61, v41;
	v51 =	vmul.f32 v47, v41;
	v29 =	vadd.f32 v53, v29  }
0x281: {  	[tilespmem:s29+$0x10A20] =	vst v33;
	v3 =	vmul.f32 v3, v41;
	v4 =	vmul.f32 v4, v39;
	v5 =	vadd.f32 v17, v5  }
0x282: {  	v31 =	vadd.f32 v51, v31;
	[tilespmem:s29+$0x10660] =	vst v29;
	v2 =	vmul.f32 v2, v41;
	v1 =	vmul.f32 v1, v39  }
0x283: {  	v6 =	vmul.f32 v6, v39;
	v3 =	vadd.f32 v3, v4;
	[tilespmem:s29+$0x10240] =	vst v5;
	v5 =	vmul.f32 v56, v41  }
0x284: {  	[tilespmem:s29+$0x10A00] =	vst v31;
	v4 =	vmul.f32 v57, v41;
	v1 =	vadd.f32 v2, v1  }
0x285: {  	[tilespmem:s29+$0x11650] =	vst v3;
	v3 =	vadd.f32 v63, v11;
	v5 =	vadd.f32 v5, v6;
	v6 =	vmul.f32 v60, v39  }
0x286: {  	[tilespmem:s29+$0x11660] =	vst v1  }
0x287: {  	s28 =	sadd.s32 $0x1, s28;
	[tilespmem:s29+$0x10200] =	vst v3;
	v2 =	vadd.f32 v4, v6  }
0x288: {  	p0 =	sne.s32 s28, s10;
	[tilespmem:s29+$0x11640] =	vst v5  }
.Ltmp2:
0x289: {  	[tilespmem:s29+$0x11670] =	vst v2;
	(pc) =	sbr.rel @p0 .LBB2_1-.Ltmp2, $4  }
0x28a: {  	[hbm4b:s9+s2] =	stream.linear.scatter [tilespmem:s18], [sflag:$0x2], $0x6000, $0x38;
	[tilespmem:$0x1C200] =	vst v63  }
0x28b: {  	_ =	swait.ge [sflag:s11], $0x6000  }
0x28c: {  	[sflag:s11] =	ssyncset.done $0x0  }
0x28d: {  	[sflag:s11] =	ssyncadd.s32 $0xFFFFA000  }
0x28e: {  	_ =	sfence.sel $0x180000  }
0x28f: {  	[bflag:$0x0] =	sbarrier.arrive $0xFFFF  }
0x290: {  	_ =	strace $0x9000004A  }
0x291: {  	s0 =	stileid.u32;
	[bflag:$0x2] =	sbarrier.arrive $0xFFFF  }
0x292: {  	p0 =	sne.s32 s0, $0x0;
	s0 =	rddreg [dreg:$0x2]  }
0x293: {  	s0 =	sadd.s32 @!p0 $0x100000, s0  }
0x294: {  	[sflag:s0] =	ssyncadd.tile.s32 @!p0 $0x1;
	_ =	shalt  }
.Lfunc_end2:
_tile_overlayer_lowered:
.L_overlay_start_2:
0x295: {  	(tag) =	ssettag $0x2  }
0x296: {  	s0 =	rddreg [dreg:$0x0];
	s2 =	stileid.u32  }
0x297: {  	s1 =	rddreg [dreg:$0x1];
	p0 =	sne.s32 s2, $0x0  }
0x298: {  	s3 =	rddreg [dreg:$0x2];
	[bflag:$0x3] =	sbarrier.arrive $0xFFFF;
	s2 =	simm.s32 @!p0 $0x1C02  }
0x299: {  	[timem:s3], [sflag:s2] =	dma.local @!p0 [hbm:s0], s1  }
0x29a: {  	s0 =	simm.s32 @!p0 $0x2  }
0x29b: {  	_ =	swait.ge @!p0 [sflag:s0], s1  }
0x29c: {  	s1 =	ssub.s32 @!p0 $0x0, s1;
	[sflag:s0] =	ssyncset.done @!p0 $0x0  }
0x29d: {  	[sflag:s0] =	ssyncadd.s32 @!p0 s1  }
0x29e: {  	[bflag:$0x3] =	sbarrier.arrive $0xFFFF  }
0x29f: {  	_ =	shalt  }

</sc_bundles>
